<compile_context>
chip_gen: v7x
topology: tpu7x:2x2x1
jax: 0.10.2.dev20260603
libtpu: 0.0.44.dev20260713+nightly
codegen_flags: <defaults>
</compile_context>

<pallas_src>
import jax
import jax.numpy as jnp
from jax import lax
from jax.experimental import pallas as pl
from jax.experimental.pallas import tpu as pltpu
from jax.experimental.pallas import tpu_sc as plsc

N_FACTORS = 32
N_ROWS = 1000000
BATCH = 16384
NUM_WORKERS = 32
RPW = BATCH // NUM_WORKERS
LANES = 16
NUM_GROUPS = RPW // LANES

CW = 1024
NFULL = N_ROWS // CW
TAIL_C = NFULL
TAIL_W = N_ROWS - NFULL * CW
TAIL_OWNER = TAIL_C % NUM_WORKERS
CI_MAX = (NFULL + NUM_WORKERS - 1) // NUM_WORKERS

UOFF = 0
IOFF = BATCH * N_FACTORS
DUMP = 2 * BATCH * N_FACTORS
UI_SIZE = DUMP + NUM_WORKERS * 16 * 128

RING = 512
RING_W = RING * N_FACTORS


def _do_table(ids_hbm, table_hbm, tail_hbm, ui_hbm, tbase, w,
              ids_v, sel_id, sel_pos, pb01, pb23, tail_v, wvals, wsem, fsem,
              iota):
    pltpu.sync_copy(ids_hbm, ids_v)

    def sel_body(b, off):
        v = plsc.load_gather(ids_v, [b * LANES + iota])
        mask = ((v >> 10) & (NUM_WORKERS - 1)) == w
        pref = plsc.cumsum(jnp.where(mask, 1, 0))
        widx = off + pref - 1
        plsc.store_scatter(sel_id, [widx], v, mask=mask)
        plsc.store_scatter(sel_pos, [widx], b * LANES + iota, mask=mask)
        return off + pref[LANES - 1]

    n_sel = lax.fori_loop(0, BATCH // LANES, sel_body, 0)
    plsc.store_scatter(sel_id, [n_sel + iota],
                       jnp.full((LANES,), 0x7fffffff, jnp.int32))
    plsc.store_scatter(sel_pos, [n_sel + iota],
                       jnp.full((LANES,), 0, jnp.int32))
    nvec = (n_sel + LANES - 1) // LANES

    def extract_chunk(c, carry, tail=False):
        def vec_body(b, carry):
            wcount, drained = carry
            sv_id = plsc.load_gather(sel_id, [b * LANES + iota])
            mask = (sv_id >> 10) == c

            def match_loop(carry):
                m, wc, dr = carry
                j = plsc.all_reduce_ffs(m)
                lane = iota == j
                id_sc = jnp.sum(jnp.where(lane, sv_id, 0))
                pos_sc = jnp.sum(jnp.where(
                    lane, plsc.load_gather(sel_pos, [b * LANES + iota]), 0))
                colidx = jnp.full((LANES,), 0, jnp.int32) + (id_sc - c * CW)
                if tail:
                    v_lo = plsc.load_gather(tail_v, [iota * TAIL_W + colidx])
                    v_hi = plsc.load_gather(
                        tail_v, [(LANES + iota) * TAIL_W + colidx])
                else:
                    v_lo = plsc.load_gather(pb01, [iota, colidx])
                    v_hi = plsc.load_gather(pb23, [iota, colidx])
                slot = (wc & (RING - 1)) * N_FACTORS
                plsc.store_scatter(wvals, [slot + iota], v_lo)
                plsc.store_scatter(wvals, [slot + LANES + iota], v_hi)
                obase = tbase + pos_sc * N_FACTORS
                pltpu.async_copy(wvals.at[pl.ds(slot, N_FACTORS)],
                                 ui_hbm.at[pl.ds(obase, N_FACTORS)], wsem)

                def ring_drain():
                    pltpu.make_async_copy(
                        wvals, ui_hbm.at[pl.ds(0, RING_W)], wsem).wait()
                    return wc + 1

                dr = lax.cond((wc & (RING - 1)) == RING - 1, ring_drain,
                              lambda: dr)
                return m & jnp.logical_not(lane), wc + 1, dr

            def have_match():
                _, wc2, dr2 = lax.while_loop(
                    lambda carry: jnp.any(carry[0]), match_loop,
                    (mask, wcount, drained))
                return wc2, dr2

            return lax.cond(jnp.any(mask), have_match,
                            lambda: (wcount, drained))

        return lax.fori_loop(0, nvec, vec_body, carry)

    def chunk_body(ci, carry):
        c = w + ci * NUM_WORKERS

        def run():
            off = pl.multiple_of(c * CW, CW)
            cp1 = pltpu.async_copy(table_hbm.at[pl.ds(0, 16), pl.ds(off, CW)],
                                   pb01, fsem)
            cp2 = pltpu.async_copy(table_hbm.at[pl.ds(16, 16), pl.ds(off, CW)],
                                   pb23, fsem)
            cp1.wait()
            cp2.wait()
            return extract_chunk(c, carry)

        return lax.cond(c < NFULL, run, lambda: carry)

    carry = lax.fori_loop(0, CI_MAX, chunk_body, (0, 0))

    def tail():
        pltpu.sync_copy(tail_hbm, tail_v)
        return extract_chunk(TAIL_C, carry, tail=True)

    carry = lax.cond(w == TAIL_OWNER, tail, lambda: carry)
    wcount, drained = carry

    def pad_body(wc):
        slot = (wc & (RING - 1)) * N_FACTORS
        dump_at = DUMP + w * 2048 + (wc & 63) * N_FACTORS
        pltpu.async_copy(wvals.at[pl.ds(slot, N_FACTORS)],
                         ui_hbm.at[pl.ds(dump_at, N_FACTORS)], wsem)
        return wc + 1

    wcount = lax.while_loop(lambda wc: (wc & 15) != 0, pad_body, wcount)

    def drain_body(i, carry2):
        pltpu.make_async_copy(wvals.at[pl.ds(0, 16 * N_FACTORS)],
                              ui_hbm.at[pl.ds(0, 16 * N_FACTORS)],
                              wsem).wait()
        return carry2

    lax.fori_loop(0, (wcount - drained) // 16, drain_body, 0)


def _phase1_body(uidx_hbm, iidx_hbm, uft_hbm, itft_hbm, tailu_hbm, taili_hbm,
                 ui_hbm, ids_v, sel_id, sel_pos, pb01, pb23, tail_v, wvals,
                 wsem, fsem):
    nc = 2
    w = lax.axis_index("s") * nc + lax.axis_index("c")
    iota = lax.iota(jnp.int32, LANES)
    _do_table(uidx_hbm, uft_hbm, tailu_hbm, ui_hbm, UOFF, w,
              ids_v, sel_id, sel_pos, pb01, pb23, tail_v, wvals, wsem, fsem,
              iota)
    _do_table(iidx_hbm, itft_hbm, taili_hbm, ui_hbm, IOFF, w,
              ids_v, sel_id, sel_pos, pb01, pb23, tail_v, wvals, wsem, fsem,
              iota)


def _phase2_body(uidx_hbm, iidx_hbm, ui_hbm, ub_hbm, ib_hbm, out_hbm,
                 uidx_v, iidx_v, uv_v, iv_v, dub_v, dib_v, out_v, bsem):
    nc = 2
    w = lax.axis_index("s") * nc + lax.axis_index("c")
    base = w * RPW
    iota = lax.iota(jnp.int32, LANES)

    pltpu.sync_copy(uidx_hbm.at[pl.ds(base, RPW)], uidx_v)
    pltpu.sync_copy(iidx_hbm.at[pl.ds(base, RPW)], iidx_v)
    pltpu.sync_copy(ui_hbm.at[pl.ds(UOFF + base * N_FACTORS, RPW * N_FACTORS)],
                    uv_v)
    pltpu.sync_copy(ui_hbm.at[pl.ds(IOFF + base * N_FACTORS, RPW * N_FACTORS)],
                    iv_v)
    for c in range(RPW // 128):
        dsl = pl.ds(c * 128, 128)
        pltpu.async_copy(ub_hbm.at[uidx_v.at[dsl]], dub_v.at[dsl], bsem)
        pltpu.async_copy(ib_hbm.at[iidx_v.at[dsl]], dib_v.at[dsl], bsem)
    pltpu.make_async_copy(ub_hbm.at[pl.ds(0, RPW)], dub_v, bsem).wait()
    pltpu.make_async_copy(ub_hbm.at[pl.ds(0, RPW)], dib_v, bsem).wait()

    def g_body(g, carry):
        gv = g * LANES + iota
        acc = plsc.load_gather(dub_v, [gv]) + plsc.load_gather(dib_v, [gv])
        for k in range(N_FACTORS):
            ev = gv * N_FACTORS + k
            u = plsc.load_gather(uv_v, [ev])
            t = plsc.load_gather(iv_v, [ev])
            acc = acc + u * t
        plsc.store_scatter(out_v, [gv], acc)
        return carry

    lax.fori_loop(0, NUM_GROUPS, g_body, 0)
    pltpu.sync_copy(out_v, out_hbm.at[pl.ds(base, RPW)])


@jax.jit
def _factorization_sc(uidx, iidx, uf_t, itf_t, tail_u, tail_i, ub, ib):
    mesh = plsc.VectorSubcoreMesh(core_axis_name="c", subcore_axis_name="s")
    cp = pltpu.CompilerParams(needs_layout_passes=False,
                              use_tc_tiling_on_sc=True)
    p1 = pl.kernel(
        _phase1_body,
        out_type=jax.ShapeDtypeStruct((UI_SIZE,), jnp.float32),
        mesh=mesh,
        compiler_params=cp,
        scratch_types=[
            pltpu.VMEM((BATCH,), jnp.int32),
            pltpu.VMEM((BATCH + LANES,), jnp.int32),
            pltpu.VMEM((BATCH + LANES,), jnp.int32),
            pltpu.VMEM((16, CW), jnp.float32),
            pltpu.VMEM((16, CW), jnp.float32),
            pltpu.VMEM((N_FACTORS * TAIL_W,), jnp.float32),
            pltpu.VMEM((RING_W,), jnp.float32),
            pltpu.SemaphoreType.DMA,
            pltpu.SemaphoreType.DMA,
        ],
    )
    ui = p1(uidx, iidx, uf_t, itf_t, tail_u, tail_i)
    p2 = pl.kernel(
        _phase2_body,
        out_type=jax.ShapeDtypeStruct((BATCH,), jnp.float32),
        mesh=mesh,
        compiler_params=cp,
        scratch_types=[
            pltpu.VMEM((RPW,), jnp.int32),
            pltpu.VMEM((RPW,), jnp.int32),
            pltpu.VMEM((RPW * N_FACTORS,), jnp.float32),
            pltpu.VMEM((RPW * N_FACTORS,), jnp.float32),
            pltpu.VMEM((RPW,), jnp.float32),
            pltpu.VMEM((RPW,), jnp.float32),
            pltpu.VMEM((RPW,), jnp.float32),
            pltpu.SemaphoreType.DMA,
        ],
    )
    return p2(uidx, iidx, ui, ub, ib)


def kernel(X, user_factors, item_factors, user_bias, item_bias):
    uidx = X[:, 0] - 1
    iidx = X[:, 1] - 1
    uf_t = user_factors.T
    itf_t = item_factors.T
    tail_u = uf_t[:, NFULL * CW:].reshape(-1)
    tail_i = itf_t[:, NFULL * CW:].reshape(-1)
    return _factorization_sc(uidx, iidx, uf_t, itf_t, tail_u, tail_i,
                             user_bias.reshape(-1), item_bias.reshape(-1))

# --- scband reference (transcript-rebuilt; emitter-appended) ---
"""Pipeline reference for scband-factorization-9534827397813 (READ-ONLY COPY).

The authoritative reference and input builder live on the scoring server;
editing this copy changes nothing except your own understanding.
"""

import jax, jax.numpy as jnp
import numpy as np

N_USERS = 1000000
N_ITEMS = 1000000
N_FACTORS = 32
BATCH = 16384

def setup_inputs(seed: int = 0) -> dict:
    key = jax.random.key(seed)
    k1, k2, k3 = jax.random.split(key, 3)
    # X holds 1-based ids in forward (module subtracts 1), so sample in [1, vocab]
    X = jax.random.randint(k1, (BATCH, 2), 1, N_USERS + 1, dtype=jnp.int64 if jax.config.jax_enable_x64 else jnp.int32).astype(jnp.int32)
    user_factors = jax.random.normal(k2, (N_USERS, N_FACTORS), dtype=jnp.float32)
    item_factors = jax.random.normal(k3, (N_ITEMS, N_FACTORS), dtype=jnp.float32)
    user_bias = jnp.zeros((N_USERS, 1), dtype=jnp.float32)
    item_bias = jnp.zeros((N_ITEMS, 1), dtype=jnp.float32)
    return {"X": X, "user_factors": user_factors, "item_factors": item_factors,
            "user_bias": user_bias, "item_bias": item_bias}

def reference(X, user_factors, item_factors, user_bias, item_bias):
    user = X[:, 0] - 1
    item = X[:, 1] - 1
    uf = jnp.take(user_factors, user, axis=0)
    itf = jnp.take(item_factors, item, axis=0)
    ub = jnp.take(user_bias, user, axis=0).squeeze()
    ib = jnp.take(item_bias, item, axis=0).squeeze()
    return (uf * itf).sum(1) + ub + ib

if __name__ == "__main__":
    import jax
    _d = setup_inputs()
    print(jax.jit(kernel)(*tuple(_d.values())))

</pallas_src>

<mosaic_0001>
#map = affine_map<(d0, d1) -> (0)>
module attributes {stable_mosaic.version = 14 : i64} {
  func.func @_phase2_body(%arg0: i32, %arg1: i32, %arg2: memref<16384xi32, #tpu.memory_space<hbm>>, %arg3: memref<16384xi32, #tpu.memory_space<hbm>>, %arg4: memref<1114112xf32, #tpu.memory_space<hbm>>, %arg5: memref<1000000xf32, #tpu.memory_space<hbm>>, %arg6: memref<1000000xf32, #tpu.memory_space<hbm>>, %arg7: memref<16384xf32, #tpu.memory_space<hbm>>, %arg8: memref<512xi32, #tpu.memory_space<vmem>>, %arg9: memref<512xi32, #tpu.memory_space<vmem>>, %arg10: memref<16384xf32, #tpu.memory_space<vmem>>, %arg11: memref<16384xf32, #tpu.memory_space<vmem>>, %arg12: memref<512xf32, #tpu.memory_space<vmem>>, %arg13: memref<512xf32, #tpu.memory_space<vmem>>, %arg14: memref<512xf32, #tpu.memory_space<vmem>>, %arg15: memref<!tpu.dma_semaphore, #tpu.memory_space<semaphore_mem>>) attributes {dimension_semantics = [#tpu.dimension_semantics<core_parallel>, #tpu.dimension_semantics<subcore_parallel>], iteration_bounds = array<i64: 2, 16>, scalar_prefetch = 0 : i64, scratch_operands = 8 : i64, tpu.core_type = #tpu.core_type<sc_vector_subcore>, window_params = [{transform_indices = #map}, {transform_indices = #map}, {transform_indices = #map}, {transform_indices = #map}, {transform_indices = #map}, {transform_indices = #map}]} {
    %mul3A = arith.constant 2 : i32
    %mul3A_0 = arith.muli %arg1, %mul3A : i32
    %add3A = arith.addi %mul3A_0, %arg0 : i32
    %mul3A_1 = arith.constant 512 : i32
    %mul3A_2 = arith.muli %add3A, %mul3A_1 : i32
    %iota3A = tpu.iota {dimensions = array<i32: 0>} : vector<16xi32>
    "tpu.region"() ({
      %run_scoped3A = tpu.sem_alloc : memref<!tpu.dma_semaphore, #tpu.memory_space<semaphore_mem>>
      %dma_start3A_70 = tpu.memref_slice %arg2[%mul3A_2] : memref<16384xi32, #tpu.memory_space<hbm>> -> memref<512xi32, #tpu.memory_space<hbm>>
      %dma_start3A_71 = tpu.memref_slice %arg2[%mul3A_2] : memref<16384xi32, #tpu.memory_space<hbm>> -> memref<512xi32, #tpu.memory_space<hbm>>
      tpu.enqueue_dma source(%dma_start3A_71 : memref<512xi32, #tpu.memory_space<hbm>>) target(%arg8 : memref<512xi32, #tpu.memory_space<vmem>>) target_semaphore(%run_scoped3A : memref<!tpu.dma_semaphore, #tpu.memory_space<semaphore_mem>>)
      %dma_wait3A_72 = tpu.memref_slice %arg2[%mul3A_2] : memref<16384xi32, #tpu.memory_space<hbm>> -> memref<512xi32, #tpu.memory_space<hbm>>
      %dma_wait3A_73 = tpu.memref_slice %arg2[%mul3A_2] : memref<16384xi32, #tpu.memory_space<hbm>> -> memref<512xi32, #tpu.memory_space<hbm>>
      tpu.wait_dma2 semaphore(%run_scoped3A : memref<!tpu.dma_semaphore, #tpu.memory_space<semaphore_mem>>) src(%dma_wait3A_73 : memref<512xi32, #tpu.memory_space<hbm>>) dst(%arg8 : memref<512xi32, #tpu.memory_space<vmem>>)
      tpu.yield
    }) : () -> ()
    "tpu.region"() ({
      %run_scoped3A = tpu.sem_alloc : memref<!tpu.dma_semaphore, #tpu.memory_space<semaphore_mem>>
      %dma_start3A_70 = tpu.memref_slice %arg3[%mul3A_2] : memref<16384xi32, #tpu.memory_space<hbm>> -> memref<512xi32, #tpu.memory_space<hbm>>
      %dma_start3A_71 = tpu.memref_slice %arg3[%mul3A_2] : memref<16384xi32, #tpu.memory_space<hbm>> -> memref<512xi32, #tpu.memory_space<hbm>>
      tpu.enqueue_dma source(%dma_start3A_71 : memref<512xi32, #tpu.memory_space<hbm>>) target(%arg9 : memref<512xi32, #tpu.memory_space<vmem>>) target_semaphore(%run_scoped3A : memref<!tpu.dma_semaphore, #tpu.memory_space<semaphore_mem>>)
      %dma_wait3A_72 = tpu.memref_slice %arg3[%mul3A_2] : memref<16384xi32, #tpu.memory_space<hbm>> -> memref<512xi32, #tpu.memory_space<hbm>>
      %dma_wait3A_73 = tpu.memref_slice %arg3[%mul3A_2] : memref<16384xi32, #tpu.memory_space<hbm>> -> memref<512xi32, #tpu.memory_space<hbm>>
      tpu.wait_dma2 semaphore(%run_scoped3A : memref<!tpu.dma_semaphore, #tpu.memory_space<semaphore_mem>>) src(%dma_wait3A_73 : memref<512xi32, #tpu.memory_space<hbm>>) dst(%arg9 : memref<512xi32, #tpu.memory_space<vmem>>)
      tpu.yield
    }) : () -> ()
    %mul3A_3 = arith.constant 32 : i32
    %mul3A_4 = arith.muli %mul3A_2, %mul3A_3 : i32
    %add3A_5 = arith.constant 0 : i32
    %add3A_6 = arith.addi %add3A_5, %mul3A_4 : i32
    "tpu.region"() ({
      %run_scoped3A = tpu.sem_alloc : memref<!tpu.dma_semaphore, #tpu.memory_space<semaphore_mem>>
      %dma_start3A_70 = tpu.memref_slice %arg4[%add3A_6] : memref<1114112xf32, #tpu.memory_space<hbm>> -> memref<16384xf32, #tpu.memory_space<hbm>>
      %dma_start3A_71 = tpu.memref_slice %arg4[%add3A_6] : memref<1114112xf32, #tpu.memory_space<hbm>> -> memref<16384xf32, #tpu.memory_space<hbm>>
      tpu.enqueue_dma source(%dma_start3A_71 : memref<16384xf32, #tpu.memory_space<hbm>>) target(%arg10 : memref<16384xf32, #tpu.memory_space<vmem>>) target_semaphore(%run_scoped3A : memref<!tpu.dma_semaphore, #tpu.memory_space<semaphore_mem>>)
      %dma_wait3A_72 = tpu.memref_slice %arg4[%add3A_6] : memref<1114112xf32, #tpu.memory_space<hbm>> -> memref<16384xf32, #tpu.memory_space<hbm>>
      %dma_wait3A_73 = tpu.memref_slice %arg4[%add3A_6] : memref<1114112xf32, #tpu.memory_space<hbm>> -> memref<16384xf32, #tpu.memory_space<hbm>>
      tpu.wait_dma2 semaphore(%run_scoped3A : memref<!tpu.dma_semaphore, #tpu.memory_space<semaphore_mem>>) src(%dma_wait3A_73 : memref<16384xf32, #tpu.memory_space<hbm>>) dst(%arg10 : memref<16384xf32, #tpu.memory_space<vmem>>)
      tpu.yield
    }) : () -> ()
    %mul3A_7 = arith.constant 32 : i32
    %mul3A_8 = arith.muli %mul3A_2, %mul3A_7 : i32
    %add3A_9 = arith.constant 524288 : i32
    %add3A_10 = arith.addi %add3A_9, %mul3A_8 : i32
    "tpu.region"() ({
      %run_scoped3A = tpu.sem_alloc : memref<!tpu.dma_semaphore, #tpu.memory_space<semaphore_mem>>
      %dma_start3A_70 = tpu.memref_slice %arg4[%add3A_10] : memref<1114112xf32, #tpu.memory_space<hbm>> -> memref<16384xf32, #tpu.memory_space<hbm>>
      %dma_start3A_71 = tpu.memref_slice %arg4[%add3A_10] : memref<1114112xf32, #tpu.memory_space<hbm>> -> memref<16384xf32, #tpu.memory_space<hbm>>
      tpu.enqueue_dma source(%dma_start3A_71 : memref<16384xf32, #tpu.memory_space<hbm>>) target(%arg11 : memref<16384xf32, #tpu.memory_space<vmem>>) target_semaphore(%run_scoped3A : memref<!tpu.dma_semaphore, #tpu.memory_space<semaphore_mem>>)
      %dma_wait3A_72 = tpu.memref_slice %arg4[%add3A_10] : memref<1114112xf32, #tpu.memory_space<hbm>> -> memref<16384xf32, #tpu.memory_space<hbm>>
      %dma_wait3A_73 = tpu.memref_slice %arg4[%add3A_10] : memref<1114112xf32, #tpu.memory_space<hbm>> -> memref<16384xf32, #tpu.memory_space<hbm>>
      tpu.wait_dma2 semaphore(%run_scoped3A : memref<!tpu.dma_semaphore, #tpu.memory_space<semaphore_mem>>) src(%dma_wait3A_73 : memref<16384xf32, #tpu.memory_space<hbm>>) dst(%arg11 : memref<16384xf32, #tpu.memory_space<vmem>>)
      tpu.yield
    }) : () -> ()
    %dma_start3A = arith.constant 0 : i32
    %dma_start3A_11 = tpu.memref_slice %arg12[%dma_start3A] : memref<512xf32, #tpu.memory_space<vmem>> -> memref<128xf32, #tpu.memory_space<vmem>>
    %dma_start3A_12 = arith.constant 0 : i32
    %dma_start3A_13 = tpu.memref_slice %arg8[%dma_start3A_12] : memref<512xi32, #tpu.memory_space<vmem>> -> memref<128xi32, #tpu.memory_space<vmem>>
    %dma_start3A_14 = arith.constant 0 : i32
    %dma_start3A_15 = tpu.memref_slice %arg5[%dma_start3A_14] : memref<1000000xf32, #tpu.memory_space<hbm>> -> memref<1000000xf32, #tpu.memory_space<hbm>>
    tpu.enqueue_indirect_dma source(%dma_start3A_15 : memref<1000000xf32, #tpu.memory_space<hbm>>) target(%dma_start3A_11 : memref<128xf32, #tpu.memory_space<vmem>>) offsets(%dma_start3A_13 : memref<128xi32, #tpu.memory_space<vmem>>) semaphore(%arg15 : memref<!tpu.dma_semaphore, #tpu.memory_space<semaphore_mem>>)
    %dma_start3A_16 = arith.constant 0 : i32
    %dma_start3A_17 = tpu.memref_slice %arg13[%dma_start3A_16] : memref<512xf32, #tpu.memory_space<vmem>> -> memref<128xf32, #tpu.memory_space<vmem>>
    %dma_start3A_18 = arith.constant 0 : i32
    %dma_start3A_19 = tpu.memref_slice %arg9[%dma_start3A_18] : memref<512xi32, #tpu.memory_space<vmem>> -> memref<128xi32, #tpu.memory_space<vmem>>
    %dma_start3A_20 = arith.constant 0 : i32
    %dma_start3A_21 = tpu.memref_slice %arg6[%dma_start3A_20] : memref<1000000xf32, #tpu.memory_space<hbm>> -> memref<1000000xf32, #tpu.memory_space<hbm>>
    tpu.enqueue_indirect_dma source(%dma_start3A_21 : memref<1000000xf32, #tpu.memory_space<hbm>>) target(%dma_start3A_17 : memref<128xf32, #tpu.memory_space<vmem>>) offsets(%dma_start3A_19 : memref<128xi32, #tpu.memory_space<vmem>>) semaphore(%arg15 : memref<!tpu.dma_semaphore, #tpu.memory_space<semaphore_mem>>)
    %dma_start3A_22 = arith.constant 128 : i32
    %dma_start3A_23 = tpu.memref_slice %arg12[%dma_start3A_22] : memref<512xf32, #tpu.memory_space<vmem>> -> memref<128xf32, #tpu.memory_space<vmem>>
    %dma_start3A_24 = arith.constant 128 : i32
    %dma_start3A_25 = tpu.memref_slice %arg8[%dma_start3A_24] : memref<512xi32, #tpu.memory_space<vmem>> -> memref<128xi32, #tpu.memory_space<vmem>>
    %dma_start3A_26 = arith.constant 0 : i32
    %dma_start3A_27 = tpu.memref_slice %arg5[%dma_start3A_26] : memref<1000000xf32, #tpu.memory_space<hbm>> -> memref<1000000xf32, #tpu.memory_space<hbm>>
    tpu.enqueue_indirect_dma source(%dma_start3A_27 : memref<1000000xf32, #tpu.memory_space<hbm>>) target(%dma_start3A_23 : memref<128xf32, #tpu.memory_space<vmem>>) offsets(%dma_start3A_25 : memref<128xi32, #tpu.memory_space<vmem>>) semaphore(%arg15 : memref<!tpu.dma_semaphore, #tpu.memory_space<semaphore_mem>>)
    %dma_start3A_28 = arith.constant 128 : i32
    %dma_start3A_29 = tpu.memref_slice %arg13[%dma_start3A_28] : memref<512xf32, #tpu.memory_space<vmem>> -> memref<128xf32, #tpu.memory_space<vmem>>
    %dma_start3A_30 = arith.constant 128 : i32
    %dma_start3A_31 = tpu.memref_slice %arg9[%dma_start3A_30] : memref<512xi32, #tpu.memory_space<vmem>> -> memref<128xi32, #tpu.memory_space<vmem>>
    %dma_start3A_32 = arith.constant 0 : i32
    %dma_start3A_33 = tpu.memref_slice %arg6[%dma_start3A_32] : memref<1000000xf32, #tpu.memory_space<hbm>> -> memref<1000000xf32, #tpu.memory_space<hbm>>
    tpu.enqueue_indirect_dma source(%dma_start3A_33 : memref<1000000xf32, #tpu.memory_space<hbm>>) target(%dma_start3A_29 : memref<128xf32, #tpu.memory_space<vmem>>) offsets(%dma_start3A_31 : memref<128xi32, #tpu.memory_space<vmem>>) semaphore(%arg15 : memref<!tpu.dma_semaphore, #tpu.memory_space<semaphore_mem>>)
    %dma_start3A_34 = arith.constant 256 : i32
    %dma_start3A_35 = tpu.memref_slice %arg12[%dma_start3A_34] : memref<512xf32, #tpu.memory_space<vmem>> -> memref<128xf32, #tpu.memory_space<vmem>>
    %dma_start3A_36 = arith.constant 256 : i32
    %dma_start3A_37 = tpu.memref_slice %arg8[%dma_start3A_36] : memref<512xi32, #tpu.memory_space<vmem>> -> memref<128xi32, #tpu.memory_space<vmem>>
    %dma_start3A_38 = arith.constant 0 : i32
    %dma_start3A_39 = tpu.memref_slice %arg5[%dma_start3A_38] : memref<1000000xf32, #tpu.memory_space<hbm>> -> memref<1000000xf32, #tpu.memory_space<hbm>>
    tpu.enqueue_indirect_dma source(%dma_start3A_39 : memref<1000000xf32, #tpu.memory_space<hbm>>) target(%dma_start3A_35 : memref<128xf32, #tpu.memory_space<vmem>>) offsets(%dma_start3A_37 : memref<128xi32, #tpu.memory_space<vmem>>) semaphore(%arg15 : memref<!tpu.dma_semaphore, #tpu.memory_space<semaphore_mem>>)
    %dma_start3A_40 = arith.constant 256 : i32
    %dma_start3A_41 = tpu.memref_slice %arg13[%dma_start3A_40] : memref<512xf32, #tpu.memory_space<vmem>> -> memref<128xf32, #tpu.memory_space<vmem>>
    %dma_start3A_42 = arith.constant 256 : i32
    %dma_start3A_43 = tpu.memref_slice %arg9[%dma_start3A_42] : memref<512xi32, #tpu.memory_space<vmem>> -> memref<128xi32, #tpu.memory_space<vmem>>
    %dma_start3A_44 = arith.constant 0 : i32
    %dma_start3A_45 = tpu.memref_slice %arg6[%dma_start3A_44] : memref<1000000xf32, #tpu.memory_space<hbm>> -> memref<1000000xf32, #tpu.memory_space<hbm>>
    tpu.enqueue_indirect_dma source(%dma_start3A_45 : memref<1000000xf32, #tpu.memory_space<hbm>>) target(%dma_start3A_41 : memref<128xf32, #tpu.memory_space<vmem>>) offsets(%dma_start3A_43 : memref<128xi32, #tpu.memory_space<vmem>>) semaphore(%arg15 : memref<!tpu.dma_semaphore, #tpu.memory_space<semaphore_mem>>)
    %dma_start3A_46 = arith.constant 384 : i32
    %dma_start3A_47 = tpu.memref_slice %arg12[%dma_start3A_46] : memref<512xf32, #tpu.memory_space<vmem>> -> memref<128xf32, #tpu.memory_space<vmem>>
    %dma_start3A_48 = arith.constant 384 : i32
    %dma_start3A_49 = tpu.memref_slice %arg8[%dma_start3A_48] : memref<512xi32, #tpu.memory_space<vmem>> -> memref<128xi32, #tpu.memory_space<vmem>>
    %dma_start3A_50 = arith.constant 0 : i32
    %dma_start3A_51 = tpu.memref_slice %arg5[%dma_start3A_50] : memref<1000000xf32, #tpu.memory_space<hbm>> -> memref<1000000xf32, #tpu.memory_space<hbm>>
    tpu.enqueue_indirect_dma source(%dma_start3A_51 : memref<1000000xf32, #tpu.memory_space<hbm>>) target(%dma_start3A_47 : memref<128xf32, #tpu.memory_space<vmem>>) offsets(%dma_start3A_49 : memref<128xi32, #tpu.memory_space<vmem>>) semaphore(%arg15 : memref<!tpu.dma_semaphore, #tpu.memory_space<semaphore_mem>>)
    %dma_start3A_52 = arith.constant 384 : i32
    %dma_start3A_53 = tpu.memref_slice %arg13[%dma_start3A_52] : memref<512xf32, #tpu.memory_space<vmem>> -> memref<128xf32, #tpu.memory_space<vmem>>
    %dma_start3A_54 = arith.constant 384 : i32
    %dma_start3A_55 = tpu.memref_slice %arg9[%dma_start3A_54] : memref<512xi32, #tpu.memory_space<vmem>> -> memref<128xi32, #tpu.memory_space<vmem>>
    %dma_start3A_56 = arith.constant 0 : i32
    %dma_start3A_57 = tpu.memref_slice %arg6[%dma_start3A_56] : memref<1000000xf32, #tpu.memory_space<hbm>> -> memref<1000000xf32, #tpu.memory_space<hbm>>
    tpu.enqueue_indirect_dma source(%dma_start3A_57 : memref<1000000xf32, #tpu.memory_space<hbm>>) target(%dma_start3A_53 : memref<128xf32, #tpu.memory_space<vmem>>) offsets(%dma_start3A_55 : memref<128xi32, #tpu.memory_space<vmem>>) semaphore(%arg15 : memref<!tpu.dma_semaphore, #tpu.memory_space<semaphore_mem>>)
    %dma_wait3A = arith.constant 0 : i32
    %dma_wait3A_58 = tpu.memref_slice %arg5[%dma_wait3A] : memref<1000000xf32, #tpu.memory_space<hbm>> -> memref<512xf32, #tpu.memory_space<hbm>>
    %dma_wait3A_59 = arith.constant 0 : i32
    %dma_wait3A_60 = tpu.memref_slice %arg5[%dma_wait3A_59] : memref<1000000xf32, #tpu.memory_space<hbm>> -> memref<512xf32, #tpu.memory_space<hbm>>
    tpu.wait_dma2 semaphore(%arg15 : memref<!tpu.dma_semaphore, #tpu.memory_space<semaphore_mem>>) src(%dma_wait3A_60 : memref<512xf32, #tpu.memory_space<hbm>>) dst(%arg12 : memref<512xf32, #tpu.memory_space<vmem>>)
    %dma_wait3A_61 = arith.constant 0 : i32
    %dma_wait3A_62 = tpu.memref_slice %arg5[%dma_wait3A_61] : memref<1000000xf32, #tpu.memory_space<hbm>> -> memref<512xf32, #tpu.memory_space<hbm>>
    %dma_wait3A_63 = arith.constant 0 : i32
    %dma_wait3A_64 = tpu.memref_slice %arg5[%dma_wait3A_63] : memref<1000000xf32, #tpu.memory_space<hbm>> -> memref<512xf32, #tpu.memory_space<hbm>>
    tpu.wait_dma2 semaphore(%arg15 : memref<!tpu.dma_semaphore, #tpu.memory_space<semaphore_mem>>) src(%dma_wait3A_64 : memref<512xf32, #tpu.memory_space<hbm>>) dst(%arg13 : memref<512xf32, #tpu.memory_space<vmem>>)
    %scan3A = arith.constant 0 : i32
    %scan3A_65 = arith.constant 0 : i32
    %scan3A_66 = arith.constant 32 : i32
    %scan3A_67 = arith.addi %scan3A_65, %scan3A_66 : i32
    %scan3A_68 = arith.constant 1 : i32
    scf.for %scan3A_70 = %scan3A_65 to %scan3A_67 step %scan3A_68  : i32 {
      %mul3A_71 = arith.constant 16 : i32
      %mul3A_72 = arith.muli %scan3A_70, %mul3A_71 : i32
      %add3A_73 = vector.broadcast %mul3A_72 : i32 to vector<16xi32>
      %add3A_74 = arith.addi %add3A_73, %iota3A : vector<16xi32>
      %gather3A = tpu.vector_load_idx %arg12[%add3A_74] : memref<512xf32, #tpu.memory_space<vmem>>[vector<16xi32>], vector<16xf32>,
      %gather3A_75 = tpu.vector_load_idx %arg13[%add3A_74] : memref<512xf32, #tpu.memory_space<vmem>>[vector<16xi32>], vector<16xf32>,
      %add3A_76 = arith.addf %gather3A, %gather3A_75 : vector<16xf32>
      %mul3A_77 = arith.constant 32 : i32
      %mul3A_78 = vector.broadcast %mul3A_77 : i32 to vector<16xi32>
      %mul3A_79 = arith.muli %add3A_74, %mul3A_78 : vector<16xi32>
      %add3A_80 = arith.constant 0 : i32
      %add3A_81 = vector.broadcast %add3A_80 : i32 to vector<16xi32>
      %add3A_82 = arith.addi %mul3A_79, %add3A_81 : vector<16xi32>
      %gather3A_83 = tpu.vector_load_idx %arg10[%add3A_82] : memref<16384xf32, #tpu.memory_space<vmem>>[vector<16xi32>], vector<16xf32>,
      %gather3A_84 = tpu.vector_load_idx %arg11[%add3A_82] : memref<16384xf32, #tpu.memory_space<vmem>>[vector<16xi32>], vector<16xf32>,
      %mul3A_85 = arith.mulf %gather3A_83, %gather3A_84 : vector<16xf32>
      %add3A_86 = arith.addf %add3A_76, %mul3A_85 : vector<16xf32>
      %mul3A_87 = arith.constant 32 : i32
      %mul3A_88 = vector.broadcast %mul3A_87 : i32 to vector<16xi32>
      %mul3A_89 = arith.muli %add3A_74, %mul3A_88 : vector<16xi32>
      %add3A_90 = arith.constant 1 : i32
      %add3A_91 = vector.broadcast %add3A_90 : i32 to vector<16xi32>
      %add3A_92 = arith.addi %mul3A_89, %add3A_91 : vector<16xi32>
      %gather3A_93 = tpu.vector_load_idx %arg10[%add3A_92] : memref<16384xf32, #tpu.memory_space<vmem>>[vector<16xi32>], vector<16xf32>,
      %gather3A_94 = tpu.vector_load_idx %arg11[%add3A_92] : memref<16384xf32, #tpu.memory_space<vmem>>[vector<16xi32>], vector<16xf32>,
      %mul3A_95 = arith.mulf %gather3A_93, %gather3A_94 : vector<16xf32>
      %add3A_96 = arith.addf %add3A_86, %mul3A_95 : vector<16xf32>
      %mul3A_97 = arith.constant 32 : i32
      %mul3A_98 = vector.broadcast %mul3A_97 : i32 to vector<16xi32>
      %mul3A_99 = arith.muli %add3A_74, %mul3A_98 : vector<16xi32>
      %add3A_100 = arith.constant 2 : i32
      %add3A_101 = vector.broadcast %add3A_100 : i32 to vector<16xi32>
      %add3A_102 = arith.addi %mul3A_99, %add3A_101 : vector<16xi32>
      %gather3A_103 = tpu.vector_load_idx %arg10[%add3A_102] : memref<16384xf32, #tpu.memory_space<vmem>>[vector<16xi32>], vector<16xf32>,
      %gather3A_104 = tpu.vector_load_idx %arg11[%add3A_102] : memref<16384xf32, #tpu.memory_space<vmem>>[vector<16xi32>], vector<16xf32>,
      %mul3A_105 = arith.mulf %gather3A_103, %gather3A_104 : vector<16xf32>
      %add3A_106 = arith.addf %add3A_96, %mul3A_105 : vector<16xf32>
      %mul3A_107 = arith.constant 32 : i32
      %mul3A_108 = vector.broadcast %mul3A_107 : i32 to vector<16xi32>
      %mul3A_109 = arith.muli %add3A_74, %mul3A_108 : vector<16xi32>
      %add3A_110 = arith.constant 3 : i32
      %add3A_111 = vector.broadcast %add3A_110 : i32 to vector<16xi32>
      %add3A_112 = arith.addi %mul3A_109, %add3A_111 : vector<16xi32>
      %gather3A_113 = tpu.vector_load_idx %arg10[%add3A_112] : memref<16384xf32, #tpu.memory_space<vmem>>[vector<16xi32>], vector<16xf32>,
      %gather3A_114 = tpu.vector_load_idx %arg11[%add3A_112] : memref<16384xf32, #tpu.memory_space<vmem>>[vector<16xi32>], vector<16xf32>,
      %mul3A_115 = arith.mulf %gather3A_113, %gather3A_114 : vector<16xf32>
      %add3A_116 = arith.addf %add3A_106, %mul3A_115 : vector<16xf32>
      %mul3A_117 = arith.constant 32 : i32
      %mul3A_118 = vector.broadcast %mul3A_117 : i32 to vector<16xi32>
      %mul3A_119 = arith.muli %add3A_74, %mul3A_118 : vector<16xi32>
      %add3A_120 = arith.constant 4 : i32
      %add3A_121 = vector.broadcast %add3A_120 : i32 to vector<16xi32>
      %add3A_122 = arith.addi %mul3A_119, %add3A_121 : vector<16xi32>
      %gather3A_123 = tpu.vector_load_idx %arg10[%add3A_122] : memref<16384xf32, #tpu.memory_space<vmem>>[vector<16xi32>], vector<16xf32>,
      %gather3A_124 = tpu.vector_load_idx %arg11[%add3A_122] : memref<16384xf32, #tpu.memory_space<vmem>>[vector<16xi32>], vector<16xf32>,
      %mul3A_125 = arith.mulf %gather3A_123, %gather3A_124 : vector<16xf32>
      %add3A_126 = arith.addf %add3A_116, %mul3A_125 : vector<16xf32>
      %mul3A_127 = arith.constant 32 : i32
      %mul3A_128 = vector.broadcast %mul3A_127 : i32 to vector<16xi32>
      %mul3A_129 = arith.muli %add3A_74, %mul3A_128 : vector<16xi32>
      %add3A_130 = arith.constant 5 : i32
      %add3A_131 = vector.broadcast %add3A_130 : i32 to vector<16xi32>
      %add3A_132 = arith.addi %mul3A_129, %add3A_131 : vector<16xi32>
      %gather3A_133 = tpu.vector_load_idx %arg10[%add3A_132] : memref<16384xf32, #tpu.memory_space<vmem>>[vector<16xi32>], vector<16xf32>,
      %gather3A_134 = tpu.vector_load_idx %arg11[%add3A_132] : memref<16384xf32, #tpu.memory_space<vmem>>[vector<16xi32>], vector<16xf32>,
      %mul3A_135 = arith.mulf %gather3A_133, %gather3A_134 : vector<16xf32>
      %add3A_136 = arith.addf %add3A_126, %mul3A_135 : vector<16xf32>
      %mul3A_137 = arith.constant 32 : i32
      %mul3A_138 = vector.broadcast %mul3A_137 : i32 to vector<16xi32>
      %mul3A_139 = arith.muli %add3A_74, %mul3A_138 : vector<16xi32>
      %add3A_140 = arith.constant 6 : i32
      %add3A_141 = vector.broadcast %add3A_140 : i32 to vector<16xi32>
      %add3A_142 = arith.addi %mul3A_139, %add3A_141 : vector<16xi32>
      %gather3A_143 = tpu.vector_load_idx %arg10[%add3A_142] : memref<16384xf32, #tpu.memory_space<vmem>>[vector<16xi32>], vector<16xf32>,
      %gather3A_144 = tpu.vector_load_idx %arg11[%add3A_142] : memref<16384xf32, #tpu.memory_space<vmem>>[vector<16xi32>], vector<16xf32>,
      %mul3A_145 = arith.mulf %gather3A_143, %gather3A_144 : vector<16xf32>
      %add3A_146 = arith.addf %add3A_136, %mul3A_145 : vector<16xf32>
      %mul3A_147 = arith.constant 32 : i32
      %mul3A_148 = vector.broadcast %mul3A_147 : i32 to vector<16xi32>
      %mul3A_149 = arith.muli %add3A_74, %mul3A_148 : vector<16xi32>
      %add3A_150 = arith.constant 7 : i32
      %add3A_151 = vector.broadcast %add3A_150 : i32 to vector<16xi32>
      %add3A_152 = arith.addi %mul3A_149, %add3A_151 : vector<16xi32>
      %gather3A_153 = tpu.vector_load_idx %arg10[%add3A_152] : memref<16384xf32, #tpu.memory_space<vmem>>[vector<16xi32>], vector<16xf32>,
      %gather3A_154 = tpu.vector_load_idx %arg11[%add3A_152] : memref<16384xf32, #tpu.memory_space<vmem>>[vector<16xi32>], vector<16xf32>,
      %mul3A_155 = arith.mulf %gather3A_153, %gather3A_154 : vector<16xf32>
      %add3A_156 = arith.addf %add3A_146, %mul3A_155 : vector<16xf32>
      %mul3A_157 = arith.constant 32 : i32
      %mul3A_158 = vector.broadcast %mul3A_157 : i32 to vector<16xi32>
      %mul3A_159 = arith.muli %add3A_74, %mul3A_158 : vector<16xi32>
      %add3A_160 = arith.constant 8 : i32
      %add3A_161 = vector.broadcast %add3A_160 : i32 to vector<16xi32>
      %add3A_162 = arith.addi %mul3A_159, %add3A_161 : vector<16xi32>
      %gather3A_163 = tpu.vector_load_idx %arg10[%add3A_162] : memref<16384xf32, #tpu.memory_space<vmem>>[vector<16xi32>], vector<16xf32>,
      %gather3A_164 = tpu.vector_load_idx %arg11[%add3A_162] : memref<16384xf32, #tpu.memory_space<vmem>>[vector<16xi32>], vector<16xf32>,
      %mul3A_165 = arith.mulf %gather3A_163, %gather3A_164 : vector<16xf32>
      %add3A_166 = arith.addf %add3A_156, %mul3A_165 : vector<16xf32>
      %mul3A_167 = arith.constant 32 : i32
      %mul3A_168 = vector.broadcast %mul3A_167 : i32 to vector<16xi32>
      %mul3A_169 = arith.muli %add3A_74, %mul3A_168 : vector<16xi32>
      %add3A_170 = arith.constant 9 : i32
      %add3A_171 = vector.broadcast %add3A_170 : i32 to vector<16xi32>
      %add3A_172 = arith.addi %mul3A_169, %add3A_171 : vector<16xi32>
      %gather3A_173 = tpu.vector_load_idx %arg10[%add3A_172] : memref<16384xf32, #tpu.memory_space<vmem>>[vector<16xi32>], vector<16xf32>,
      %gather3A_174 = tpu.vector_load_idx %arg11[%add3A_172] : memref<16384xf32, #tpu.memory_space<vmem>>[vector<16xi32>], vector<16xf32>,
      %mul3A_175 = arith.mulf %gather3A_173, %gather3A_174 : vector<16xf32>
      %add3A_176 = arith.addf %add3A_166, %mul3A_175 : vector<16xf32>
      %mul3A_177 = arith.constant 32 : i32
      %mul3A_178 = vector.broadcast %mul3A_177 : i32 to vector<16xi32>
      %mul3A_179 = arith.muli %add3A_74, %mul3A_178 : vector<16xi32>
      %add3A_180 = arith.constant 10 : i32
      %add3A_181 = vector.broadcast %add3A_180 : i32 to vector<16xi32>
      %add3A_182 = arith.addi %mul3A_179, %add3A_181 : vector<16xi32>
      %gather3A_183 = tpu.vector_load_idx %arg10[%add3A_182] : memref<16384xf32, #tpu.memory_space<vmem>>[vector<16xi32>], vector<16xf32>,
      %gather3A_184 = tpu.vector_load_idx %arg11[%add3A_182] : memref<16384xf32, #tpu.memory_space<vmem>>[vector<16xi32>], vector<16xf32>,
      %mul3A_185 = arith.mulf %gather3A_183, %gather3A_184 : vector<16xf32>
      %add3A_186 = arith.addf %add3A_176, %mul3A_185 : vector<16xf32>
      %mul3A_187 = arith.constant 32 : i32
      %mul3A_188 = vector.broadcast %mul3A_187 : i32 to vector<16xi32>
      %mul3A_189 = arith.muli %add3A_74, %mul3A_188 : vector<16xi32>
      %add3A_190 = arith.constant 11 : i32
      %add3A_191 = vector.broadcast %add3A_190 : i32 to vector<16xi32>
      %add3A_192 = arith.addi %mul3A_189, %add3A_191 : vector<16xi32>
      %gather3A_193 = tpu.vector_load_idx %arg10[%add3A_192] : memref<16384xf32, #tpu.memory_space<vmem>>[vector<16xi32>], vector<16xf32>,
      %gather3A_194 = tpu.vector_load_idx %arg11[%add3A_192] : memref<16384xf32, #tpu.memory_space<vmem>>[vector<16xi32>], vector<16xf32>,
      %mul3A_195 = arith.mulf %gather3A_193, %gather3A_194 : vector<16xf32>
      %add3A_196 = arith.addf %add3A_186, %mul3A_195 : vector<16xf32>
      %mul3A_197 = arith.constant 32 : i32
      %mul3A_198 = vector.broadcast %mul3A_197 : i32 to vector<16xi32>
      %mul3A_199 = arith.muli %add3A_74, %mul3A_198 : vector<16xi32>
      %add3A_200 = arith.constant 12 : i32
      %add3A_201 = vector.broadcast %add3A_200 : i32 to vector<16xi32>
      %add3A_202 = arith.addi %mul3A_199, %add3A_201 : vector<16xi32>
      %gather3A_203 = tpu.vector_load_idx %arg10[%add3A_202] : memref<16384xf32, #tpu.memory_space<vmem>>[vector<16xi32>], vector<16xf32>,
      %gather3A_204 = tpu.vector_load_idx %arg11[%add3A_202] : memref<16384xf32, #tpu.memory_space<vmem>>[vector<16xi32>], vector<16xf32>,
      %mul3A_205 = arith.mulf %gather3A_203, %gather3A_204 : vector<16xf32>
      %add3A_206 = arith.addf %add3A_196, %mul3A_205 : vector<16xf32>
      %mul3A_207 = arith.constant 32 : i32
      %mul3A_208 = vector.broadcast %mul3A_207 : i32 to vector<16xi32>
      %mul3A_209 = arith.muli %add3A_74, %mul3A_208 : vector<16xi32>
      %add3A_210 = arith.constant 13 : i32
      %add3A_211 = vector.broadcast %add3A_210 : i32 to vector<16xi32>
      %add3A_212 = arith.addi %mul3A_209, %add3A_211 : vector<16xi32>
      %gather3A_213 = tpu.vector_load_idx %arg10[%add3A_212] : memref<16384xf32, #tpu.memory_space<vmem>>[vector<16xi32>], vector<16xf32>,
      %gather3A_214 = tpu.vector_load_idx %arg11[%add3A_212] : memref<16384xf32, #tpu.memory_space<vmem>>[vector<16xi32>], vector<16xf32>,
      %mul3A_215 = arith.mulf %gather3A_213, %gather3A_214 : vector<16xf32>
      %add3A_216 = arith.addf %add3A_206, %mul3A_215 : vector<16xf32>
      %mul3A_217 = arith.constant 32 : i32
      %mul3A_218 = vector.broadcast %mul3A_217 : i32 to vector<16xi32>
      %mul3A_219 = arith.muli %add3A_74, %mul3A_218 : vector<16xi32>
      %add3A_220 = arith.constant 14 : i32
      %add3A_221 = vector.broadcast %add3A_220 : i32 to vector<16xi32>
      %add3A_222 = arith.addi %mul3A_219, %add3A_221 : vector<16xi32>
      %gather3A_223 = tpu.vector_load_idx %arg10[%add3A_222] : memref<16384xf32, #tpu.memory_space<vmem>>[vector<16xi32>], vector<16xf32>,
      %gather3A_224 = tpu.vector_load_idx %arg11[%add3A_222] : memref<16384xf32, #tpu.memory_space<vmem>>[vector<16xi32>], vector<16xf32>,
      %mul3A_225 = arith.mulf %gather3A_223, %gather3A_224 : vector<16xf32>
      %add3A_226 = arith.addf %add3A_216, %mul3A_225 : vector<16xf32>
      %mul3A_227 = arith.constant 32 : i32
      %mul3A_228 = vector.broadcast %mul3A_227 : i32 to vector<16xi32>
      %mul3A_229 = arith.muli %add3A_74, %mul3A_228 : vector<16xi32>
      %add3A_230 = arith.constant 15 : i32
      %add3A_231 = vector.broadcast %add3A_230 : i32 to vector<16xi32>
      %add3A_232 = arith.addi %mul3A_229, %add3A_231 : vector<16xi32>
      %gather3A_233 = tpu.vector_load_idx %arg10[%add3A_232] : memref<16384xf32, #tpu.memory_space<vmem>>[vector<16xi32>], vector<16xf32>,
      %gather3A_234 = tpu.vector_load_idx %arg11[%add3A_232] : memref<16384xf32, #tpu.memory_space<vmem>>[vector<16xi32>], vector<16xf32>,
      %mul3A_235 = arith.mulf %gather3A_233, %gather3A_234 : vector<16xf32>
      %add3A_236 = arith.addf %add3A_226, %mul3A_235 : vector<16xf32>
      %mul3A_237 = arith.constant 32 : i32
      %mul3A_238 = vector.broadcast %mul3A_237 : i32 to vector<16xi32>
      %mul3A_239 = arith.muli %add3A_74, %mul3A_238 : vector<16xi32>
      %add3A_240 = arith.constant 16 : i32
      %add3A_241 = vector.broadcast %add3A_240 : i32 to vector<16xi32>
      %add3A_242 = arith.addi %mul3A_239, %add3A_241 : vector<16xi32>
      %gather3A_243 = tpu.vector_load_idx %arg10[%add3A_242] : memref<16384xf32, #tpu.memory_space<vmem>>[vector<16xi32>], vector<16xf32>,
      %gather3A_244 = tpu.vector_load_idx %arg11[%add3A_242] : memref<16384xf32, #tpu.memory_space<vmem>>[vector<16xi32>], vector<16xf32>,
      %mul3A_245 = arith.mulf %gather3A_243, %gather3A_244 : vector<16xf32>
      %add3A_246 = arith.addf %add3A_236, %mul3A_245 : vector<16xf32>
      %mul3A_247 = arith.constant 32 : i32
      %mul3A_248 = vector.broadcast %mul3A_247 : i32 to vector<16xi32>
      %mul3A_249 = arith.muli %add3A_74, %mul3A_248 : vector<16xi32>
      %add3A_250 = arith.constant 17 : i32
      %add3A_251 = vector.broadcast %add3A_250 : i32 to vector<16xi32>
      %add3A_252 = arith.addi %mul3A_249, %add3A_251 : vector<16xi32>
      %gather3A_253 = tpu.vector_load_idx %arg10[%add3A_252] : memref<16384xf32, #tpu.memory_space<vmem>>[vector<16xi32>], vector<16xf32>,
      %gather3A_254 = tpu.vector_load_idx %arg11[%add3A_252] : memref<16384xf32, #tpu.memory_space<vmem>>[vector<16xi32>], vector<16xf32>,
      %mul3A_255 = arith.mulf %gather3A_253, %gather3A_254 : vector<16xf32>
      %add3A_256 = arith.addf %add3A_246, %mul3A_255 : vector<16xf32>
      %mul3A_257 = arith.constant 32 : i32
      %mul3A_258 = vector.broadcast %mul3A_257 : i32 to vector<16xi32>
      %mul3A_259 = arith.muli %add3A_74, %mul3A_258 : vector<16xi32>
      %add3A_260 = arith.constant 18 : i32
      %add3A_261 = vector.broadcast %add3A_260 : i32 to vector<16xi32>
      %add3A_262 = arith.addi %mul3A_259, %add3A_261 : vector<16xi32>
      %gather3A_263 = tpu.vector_load_idx %arg10[%add3A_262] : memref<16384xf32, #tpu.memory_space<vmem>>[vector<16xi32>], vector<16xf32>,
      %gather3A_264 = tpu.vector_load_idx %arg11[%add3A_262] : memref<16384xf32, #tpu.memory_space<vmem>>[vector<16xi32>], vector<16xf32>,
      %mul3A_265 = arith.mulf %gather3A_263, %gather3A_264 : vector<16xf32>
      %add3A_266 = arith.addf %add3A_256, %mul3A_265 : vector<16xf32>
      %mul3A_267 = arith.constant 32 : i32
      %mul3A_268 = vector.broadcast %mul3A_267 : i32 to vector<16xi32>
      %mul3A_269 = arith.muli %add3A_74, %mul3A_268 : vector<16xi32>
      %add3A_270 = arith.constant 19 : i32
      %add3A_271 = vector.broadcast %add3A_270 : i32 to vector<16xi32>
      %add3A_272 = arith.addi %mul3A_269, %add3A_271 : vector<16xi32>
      %gather3A_273 = tpu.vector_load_idx %arg10[%add3A_272] : memref<16384xf32, #tpu.memory_space<vmem>>[vector<16xi32>], vector<16xf32>,
      %gather3A_274 = tpu.vector_load_idx %arg11[%add3A_272] : memref<16384xf32, #tpu.memory_space<vmem>>[vector<16xi32>], vector<16xf32>,
      %mul3A_275 = arith.mulf %gather3A_273, %gather3A_274 : vector<16xf32>
      %add3A_276 = arith.addf %add3A_266, %mul3A_275 : vector<16xf32>
      %mul3A_277 = arith.constant 32 : i32
      %mul3A_278 = vector.broadcast %mul3A_277 : i32 to vector<16xi32>
      %mul3A_279 = arith.muli %add3A_74, %mul3A_278 : vector<16xi32>
      %add3A_280 = arith.constant 20 : i32
      %add3A_281 = vector.broadcast %add3A_280 : i32 to vector<16xi32>
      %add3A_282 = arith.addi %mul3A_279, %add3A_281 : vector<16xi32>
      %gather3A_283 = tpu.vector_load_idx %arg10[%add3A_282] : memref<16384xf32, #tpu.memory_space<vmem>>[vector<16xi32>], vector<16xf32>,
      %gather3A_284 = tpu.vector_load_idx %arg11[%add3A_282] : memref<16384xf32, #tpu.memory_space<vmem>>[vector<16xi32>], vector<16xf32>,
      %mul3A_285 = arith.mulf %gather3A_283, %gather3A_284 : vector<16xf32>
      %add3A_286 = arith.addf %add3A_276, %mul3A_285 : vector<16xf32>
      %mul3A_287 = arith.constant 32 : i32
      %mul3A_288 = vector.broadcast %mul3A_287 : i32 to vector<16xi32>
      %mul3A_289 = arith.muli %add3A_74, %mul3A_288 : vector<16xi32>
      %add3A_290 = arith.constant 21 : i32
      %add3A_291 = vector.broadcast %add3A_290 : i32 to vector<16xi32>
      %add3A_292 = arith.addi %mul3A_289, %add3A_291 : vector<16xi32>
      %gather3A_293 = tpu.vector_load_idx %arg10[%add3A_292] : memref<16384xf32, #tpu.memory_space<vmem>>[vector<16xi32>], vector<16xf32>,
      %gather3A_294 = tpu.vector_load_idx %arg11[%add3A_292] : memref<16384xf32, #tpu.memory_space<vmem>>[vector<16xi32>], vector<16xf32>,
      %mul3A_295 = arith.mulf %gather3A_293, %gather3A_294 : vector<16xf32>
      %add3A_296 = arith.addf %add3A_286, %mul3A_295 : vector<16xf32>
      %mul3A_297 = arith.constant 32 : i32
      %mul3A_298 = vector.broadcast %mul3A_297 : i32 to vector<16xi32>
      %mul3A_299 = arith.muli %add3A_74, %mul3A_298 : vector<16xi32>
      %add3A_300 = arith.constant 22 : i32
      %add3A_301 = vector.broadcast %add3A_300 : i32 to vector<16xi32>
      %add3A_302 = arith.addi %mul3A_299, %add3A_301 : vector<16xi32>
      %gather3A_303 = tpu.vector_load_idx %arg10[%add3A_302] : memref<16384xf32, #tpu.memory_space<vmem>>[vector<16xi32>], vector<16xf32>,
      %gather3A_304 = tpu.vector_load_idx %arg11[%add3A_302] : memref<16384xf32, #tpu.memory_space<vmem>>[vector<16xi32>], vector<16xf32>,
      %mul3A_305 = arith.mulf %gather3A_303, %gather3A_304 : vector<16xf32>
      %add3A_306 = arith.addf %add3A_296, %mul3A_305 : vector<16xf32>
      %mul3A_307 = arith.constant 32 : i32
      %mul3A_308 = vector.broadcast %mul3A_307 : i32 to vector<16xi32>
      %mul3A_309 = arith.muli %add3A_74, %mul3A_308 : vector<16xi32>
      %add3A_310 = arith.constant 23 : i32
      %add3A_311 = vector.broadcast %add3A_310 : i32 to vector<16xi32>
      %add3A_312 = arith.addi %mul3A_309, %add3A_311 : vector<16xi32>
      %gather3A_313 = tpu.vector_load_idx %arg10[%add3A_312] : memref<16384xf32, #tpu.memory_space<vmem>>[vector<16xi32>], vector<16xf32>,
      %gather3A_314 = tpu.vector_load_idx %arg11[%add3A_312] : memref<16384xf32, #tpu.memory_space<vmem>>[vector<16xi32>], vector<16xf32>,
      %mul3A_315 = arith.mulf %gather3A_313, %gather3A_314 : vector<16xf32>
      %add3A_316 = arith.addf %add3A_306, %mul3A_315 : vector<16xf32>
      %mul3A_317 = arith.constant 32 : i32
      %mul3A_318 = vector.broadcast %mul3A_317 : i32 to vector<16xi32>
      %mul3A_319 = arith.muli %add3A_74, %mul3A_318 : vector<16xi32>
      %add3A_320 = arith.constant 24 : i32
      %add3A_321 = vector.broadcast %add3A_320 : i32 to vector<16xi32>
      %add3A_322 = arith.addi %mul3A_319, %add3A_321 : vector<16xi32>
      %gather3A_323 = tpu.vector_load_idx %arg10[%add3A_322] : memref<16384xf32, #tpu.memory_space<vmem>>[vector<16xi32>], vector<16xf32>,
      %gather3A_324 = tpu.vector_load_idx %arg11[%add3A_322] : memref<16384xf32, #tpu.memory_space<vmem>>[vector<16xi32>], vector<16xf32>,
      %mul3A_325 = arith.mulf %gather3A_323, %gather3A_324 : vector<16xf32>
      %add3A_326 = arith.addf %add3A_316, %mul3A_325 : vector<16xf32>
      %mul3A_327 = arith.constant 32 : i32
      %mul3A_328 = vector.broadcast %mul3A_327 : i32 to vector<16xi32>
      %mul3A_329 = arith.muli %add3A_74, %mul3A_328 : vector<16xi32>
      %add3A_330 = arith.constant 25 : i32
      %add3A_331 = vector.broadcast %add3A_330 : i32 to vector<16xi32>
      %add3A_332 = arith.addi %mul3A_329, %add3A_331 : vector<16xi32>
      %gather3A_333 = tpu.vector_load_idx %arg10[%add3A_332] : memref<16384xf32, #tpu.memory_space<vmem>>[vector<16xi32>], vector<16xf32>,
      %gather3A_334 = tpu.vector_load_idx %arg11[%add3A_332] : memref<16384xf32, #tpu.memory_space<vmem>>[vector<16xi32>], vector<16xf32>,
      %mul3A_335 = arith.mulf %gather3A_333, %gather3A_334 : vector<16xf32>
      %add3A_336 = arith.addf %add3A_326, %mul3A_335 : vector<16xf32>
      %mul3A_337 = arith.constant 32 : i32
      %mul3A_338 = vector.broadcast %mul3A_337 : i32 to vector<16xi32>
      %mul3A_339 = arith.muli %add3A_74, %mul3A_338 : vector<16xi32>
      %add3A_340 = arith.constant 26 : i32
      %add3A_341 = vector.broadcast %add3A_340 : i32 to vector<16xi32>
      %add3A_342 = arith.addi %mul3A_339, %add3A_341 : vector<16xi32>
      %gather3A_343 = tpu.vector_load_idx %arg10[%add3A_342] : memref<16384xf32, #tpu.memory_space<vmem>>[vector<16xi32>], vector<16xf32>,
      %gather3A_344 = tpu.vector_load_idx %arg11[%add3A_342] : memref<16384xf32, #tpu.memory_space<vmem>>[vector<16xi32>], vector<16xf32>,
      %mul3A_345 = arith.mulf %gather3A_343, %gather3A_344 : vector<16xf32>
      %add3A_346 = arith.addf %add3A_336, %mul3A_345 : vector<16xf32>
      %mul3A_347 = arith.constant 32 : i32
      %mul3A_348 = vector.broadcast %mul3A_347 : i32 to vector<16xi32>
      %mul3A_349 = arith.muli %add3A_74, %mul3A_348 : vector<16xi32>
      %add3A_350 = arith.constant 27 : i32
      %add3A_351 = vector.broadcast %add3A_350 : i32 to vector<16xi32>
      %add3A_352 = arith.addi %mul3A_349, %add3A_351 : vector<16xi32>
      %gather3A_353 = tpu.vector_load_idx %arg10[%add3A_352] : memref<16384xf32, #tpu.memory_space<vmem>>[vector<16xi32>], vector<16xf32>,
      %gather3A_354 = tpu.vector_load_idx %arg11[%add3A_352] : memref<16384xf32, #tpu.memory_space<vmem>>[vector<16xi32>], vector<16xf32>,
      %mul3A_355 = arith.mulf %gather3A_353, %gather3A_354 : vector<16xf32>
      %add3A_356 = arith.addf %add3A_346, %mul3A_355 : vector<16xf32>
      %mul3A_357 = arith.constant 32 : i32
      %mul3A_358 = vector.broadcast %mul3A_357 : i32 to vector<16xi32>
      %mul3A_359 = arith.muli %add3A_74, %mul3A_358 : vector<16xi32>
      %add3A_360 = arith.constant 28 : i32
      %add3A_361 = vector.broadcast %add3A_360 : i32 to vector<16xi32>
      %add3A_362 = arith.addi %mul3A_359, %add3A_361 : vector<16xi32>
      %gather3A_363 = tpu.vector_load_idx %arg10[%add3A_362] : memref<16384xf32, #tpu.memory_space<vmem>>[vector<16xi32>], vector<16xf32>,
      %gather3A_364 = tpu.vector_load_idx %arg11[%add3A_362] : memref<16384xf32, #tpu.memory_space<vmem>>[vector<16xi32>], vector<16xf32>,
      %mul3A_365 = arith.mulf %gather3A_363, %gather3A_364 : vector<16xf32>
      %add3A_366 = arith.addf %add3A_356, %mul3A_365 : vector<16xf32>
      %mul3A_367 = arith.constant 32 : i32
      %mul3A_368 = vector.broadcast %mul3A_367 : i32 to vector<16xi32>
      %mul3A_369 = arith.muli %add3A_74, %mul3A_368 : vector<16xi32>
      %add3A_370 = arith.constant 29 : i32
      %add3A_371 = vector.broadcast %add3A_370 : i32 to vector<16xi32>
      %add3A_372 = arith.addi %mul3A_369, %add3A_371 : vector<16xi32>
      %gather3A_373 = tpu.vector_load_idx %arg10[%add3A_372] : memref<16384xf32, #tpu.memory_space<vmem>>[vector<16xi32>], vector<16xf32>,
      %gather3A_374 = tpu.vector_load_idx %arg11[%add3A_372] : memref<16384xf32, #tpu.memory_space<vmem>>[vector<16xi32>], vector<16xf32>,
      %mul3A_375 = arith.mulf %gather3A_373, %gather3A_374 : vector<16xf32>
      %add3A_376 = arith.addf %add3A_366, %mul3A_375 : vector<16xf32>
      %mul3A_377 = arith.constant 32 : i32
      %mul3A_378 = vector.broadcast %mul3A_377 : i32 to vector<16xi32>
      %mul3A_379 = arith.muli %add3A_74, %mul3A_378 : vector<16xi32>
      %add3A_380 = arith.constant 30 : i32
      %add3A_381 = vector.broadcast %add3A_380 : i32 to vector<16xi32>
      %add3A_382 = arith.addi %mul3A_379, %add3A_381 : vector<16xi32>
      %gather3A_383 = tpu.vector_load_idx %arg10[%add3A_382] : memref<16384xf32, #tpu.memory_space<vmem>>[vector<16xi32>], vector<16xf32>,
      %gather3A_384 = tpu.vector_load_idx %arg11[%add3A_382] : memref<16384xf32, #tpu.memory_space<vmem>>[vector<16xi32>], vector<16xf32>,
      %mul3A_385 = arith.mulf %gather3A_383, %gather3A_384 : vector<16xf32>
      %add3A_386 = arith.addf %add3A_376, %mul3A_385 : vector<16xf32>
      %mul3A_387 = arith.constant 32 : i32
      %mul3A_388 = vector.broadcast %mul3A_387 : i32 to vector<16xi32>
      %mul3A_389 = arith.muli %add3A_74, %mul3A_388 : vector<16xi32>
      %add3A_390 = arith.constant 31 : i32
      %add3A_391 = vector.broadcast %add3A_390 : i32 to vector<16xi32>
      %add3A_392 = arith.addi %mul3A_389, %add3A_391 : vector<16xi32>
      %gather3A_393 = tpu.vector_load_idx %arg10[%add3A_392] : memref<16384xf32, #tpu.memory_space<vmem>>[vector<16xi32>], vector<16xf32>,
      %gather3A_394 = tpu.vector_load_idx %arg11[%add3A_392] : memref<16384xf32, #tpu.memory_space<vmem>>[vector<16xi32>], vector<16xf32>,
      %mul3A_395 = arith.mulf %gather3A_393, %gather3A_394 : vector<16xf32>
      %add3A_396 = arith.addf %add3A_386, %mul3A_395 : vector<16xf32>
      tpu.vector_store_idx %arg14[%add3A_74], %add3A_396 : memref<512xf32, #tpu.memory_space<vmem>>[vector<16xi32>], vector<16xf32>,
    }
    %scan3A_69 = arith.constant 32 : i32
    "tpu.region"() ({
      %run_scoped3A = tpu.sem_alloc : memref<!tpu.dma_semaphore, #tpu.memory_space<semaphore_mem>>
      %dma_start3A_70 = tpu.memref_slice %arg7[%mul3A_2] : memref<16384xf32, #tpu.memory_space<hbm>> -> memref<512xf32, #tpu.memory_space<hbm>>
      %dma_start3A_71 = tpu.memref_slice %arg7[%mul3A_2] : memref<16384xf32, #tpu.memory_space<hbm>> -> memref<512xf32, #tpu.memory_space<hbm>>
      tpu.enqueue_dma source(%arg14 : memref<512xf32, #tpu.memory_space<vmem>>) target(%dma_start3A_71 : memref<512xf32, #tpu.memory_space<hbm>>) target_semaphore(%run_scoped3A : memref<!tpu.dma_semaphore, #tpu.memory_space<semaphore_mem>>)
      %dma_wait3A_72 = tpu.memref_slice %arg7[%mul3A_2] : memref<16384xf32, #tpu.memory_space<hbm>> -> memref<512xf32, #tpu.memory_space<hbm>>
      %dma_wait3A_73 = tpu.memref_slice %arg7[%mul3A_2] : memref<16384xf32, #tpu.memory_space<hbm>> -> memref<512xf32, #tpu.memory_space<hbm>>
      tpu.wait_dma2 semaphore(%run_scoped3A : memref<!tpu.dma_semaphore, #tpu.memory_space<semaphore_mem>>) src(%arg14 : memref<512xf32, #tpu.memory_space<vmem>>) dst(%dma_wait3A_73 : memref<512xf32, #tpu.memory_space<hbm>>)
      tpu.yield
    }) : () -> ()
    return
  }
}

#map = affine_map<(d0, d1) -> (0)>
#map1 = affine_map<(d0, d1) -> (0, 0)>
module attributes {stable_mosaic.version = 14 : i64} {
  func.func @_phase1_body(%arg0: i32, %arg1: i32, %arg2: memref<16384xi32, #tpu.memory_space<hbm>>, %arg3: memref<16384xi32, #tpu.memory_space<hbm>>, %arg4: memref<32x1000000xf32, #tpu.memory_space<hbm>>, %arg5: memref<32x1000000xf32, #tpu.memory_space<hbm>>, %arg6: memref<18432xf32, #tpu.memory_space<hbm>>, %arg7: memref<18432xf32, #tpu.memory_space<hbm>>, %arg8: memref<1114112xf32, #tpu.memory_space<hbm>>, %arg9: memref<16384xi32, #tpu.memory_space<vmem>>, %arg10: memref<16400xi32, #tpu.memory_space<vmem>>, %arg11: memref<16400xi32, #tpu.memory_space<vmem>>, %arg12: memref<16x1024xf32, #tpu.memory_space<vmem>>, %arg13: memref<16x1024xf32, #tpu.memory_space<vmem>>, %arg14: memref<18432xf32, #tpu.memory_space<vmem>>, %arg15: memref<16384xf32, #tpu.memory_space<vmem>>, %arg16: memref<!tpu.dma_semaphore, #tpu.memory_space<semaphore_mem>>, %arg17: memref<!tpu.dma_semaphore, #tpu.memory_space<semaphore_mem>>) attributes {dimension_semantics = [#tpu.dimension_semantics<core_parallel>, #tpu.dimension_semantics<subcore_parallel>], iteration_bounds = array<i64: 2, 16>, scalar_prefetch = 0 : i64, scratch_operands = 9 : i64, tpu.core_type = #tpu.core_type<sc_vector_subcore>, window_params = [{transform_indices = #map}, {transform_indices = #map}, {transform_indices = #map1}, {transform_indices = #map1}, {transform_indices = #map}, {transform_indices = #map}, {transform_indices = #map}]} {
    %mul3A = arith.constant 2 : i32
    %mul3A_0 = arith.muli %arg1, %mul3A : i32
    %add3A = arith.addi %mul3A_0, %arg0 : i32
    %iota3A = tpu.iota {dimensions = array<i32: 0>} : vector<16xi32>
    "tpu.region"() ({
      %run_scoped3A = tpu.sem_alloc : memref<!tpu.dma_semaphore, #tpu.memory_space<semaphore_mem>>
      tpu.enqueue_dma source(%arg2 : memref<16384xi32, #tpu.memory_space<hbm>>) target(%arg9 : memref<16384xi32, #tpu.memory_space<vmem>>) target_semaphore(%run_scoped3A : memref<!tpu.dma_semaphore, #tpu.memory_space<semaphore_mem>>)
      tpu.wait_dma2 semaphore(%run_scoped3A : memref<!tpu.dma_semaphore, #tpu.memory_space<semaphore_mem>>) src(%arg2 : memref<16384xi32, #tpu.memory_space<hbm>>) dst(%arg9 : memref<16384xi32, #tpu.memory_space<vmem>>)
      tpu.yield
    }) : () -> ()
    %scan3A = arith.constant 0 : i32
    %scan3A_1 = arith.constant 0 : i32
    %scan3A_2 = arith.constant 1024 : i32
    %scan3A_3 = arith.addi %scan3A_1, %scan3A_2 : i32
    %scan3A_4 = arith.constant 1 : i32
    %scan3A_5 = scf.for %scan3A_173 = %scan3A_1 to %scan3A_3 step %scan3A_4 iter_args(%scan3A_174 = %scan3A) -> (i32)  : i32 {
      %mul3A_175 = arith.constant 16 : i32
      %mul3A_176 = arith.muli %scan3A_173, %mul3A_175 : i32
      %add3A_177 = vector.broadcast %mul3A_176 : i32 to vector<16xi32>
      %add3A_178 = arith.addi %add3A_177, %iota3A : vector<16xi32>
      %gather3A = tpu.vector_load_idx %arg9[%add3A_178] : memref<16384xi32, #tpu.memory_space<vmem>>[vector<16xi32>], vector<16xi32>,
      %shift_right_arithmetic3A = arith.constant 10 : i32
      %shift_right_arithmetic3A_179 = vector.broadcast %shift_right_arithmetic3A : i32 to vector<16xi32>
      %shift_right_arithmetic3A_180 = arith.shrsi %gather3A, %shift_right_arithmetic3A_179 : vector<16xi32>
      %and3A_181 = arith.constant 31 : i32
      %and3A_182 = vector.broadcast %and3A_181 : i32 to vector<16xi32>
      %and3A_183 = arith.andi %shift_right_arithmetic3A_180, %and3A_182 : vector<16xi32>
      %eq3A_184 = vector.broadcast %add3A : i32 to vector<16xi32>
      %eq3A_185 = arith.cmpi eq, %and3A_183, %eq3A_184 : vector<16xi32>
      %jit3A_186 = arith.constant 1 : i32
      %jit3A_187 = arith.constant 0 : i32
      %broadcast_in_dim3A_188 = vector.broadcast %jit3A_186 : i32 to vector<16xi32>
      %broadcast_in_dim3A_189 = vector.broadcast %jit3A_187 : i32 to vector<16xi32>
      %select_n3A_190 = arith.select %eq3A_185, %broadcast_in_dim3A_188, %broadcast_in_dim3A_189 : vector<16xi1>, vector<16xi32>
      %broadcast_in_dim3A_191 = arith.constant true
      %broadcast_in_dim3A_192 = vector.broadcast %broadcast_in_dim3A_191 : i1 to vector<16xi1>
      %masked_cumsum3A = tpu.scan <sum>, %select_n3A_190 masked %broadcast_in_dim3A_192 : vector<16xi32>, vector<16xi1> -> vector<16xi32>
      %add3A_193 = vector.broadcast %scan3A_174 : i32 to vector<16xi32>
      %add3A_194 = arith.addi %add3A_193, %masked_cumsum3A : vector<16xi32>
      %sub3A_195 = arith.constant 1 : i32
      %sub3A_196 = vector.broadcast %sub3A_195 : i32 to vector<16xi32>
      %sub3A_197 = arith.subi %add3A_194, %sub3A_196 : vector<16xi32>
      tpu.vector_store_idx %arg10[%sub3A_197], %gather3A masked %eq3A_185 : memref<16400xi32, #tpu.memory_space<vmem>>[vector<16xi32>], vector<16xi32>, vector<16xi1>
      %mul3A_198 = arith.constant 16 : i32
      %mul3A_199 = arith.muli %scan3A_173, %mul3A_198 : i32
      %add3A_200 = vector.broadcast %mul3A_199 : i32 to vector<16xi32>
      %add3A_201 = arith.addi %add3A_200, %iota3A : vector<16xi32>
      tpu.vector_store_idx %arg11[%sub3A_197], %add3A_201 masked %eq3A_185 : memref<16400xi32, #tpu.memory_space<vmem>>[vector<16xi32>], vector<16xi32>, vector<16xi1>
      %slice3A = vector.extract_strided_slice %masked_cumsum3A {offsets = [15], sizes = [1], strides = [1]} : vector<16xi32> to vector<1xi32>
      %squeeze3A = vector.extract %slice3A[0] : i32 from vector<1xi32>
      %add3A_202 = arith.addi %scan3A_174, %squeeze3A : i32
      scf.yield %add3A_202 : i32
    }
    %scan3A_6 = arith.constant 1024 : i32
    %add3A_7 = vector.broadcast %scan3A_5 : i32 to vector<16xi32>
    %add3A_8 = arith.addi %add3A_7, %iota3A : vector<16xi32>
    %broadcast_in_dim3A = arith.constant 2147483647 : i32
    %broadcast_in_dim3A_9 = vector.broadcast %broadcast_in_dim3A : i32 to vector<16xi32>
    tpu.vector_store_idx %arg10[%add3A_8], %broadcast_in_dim3A_9 : memref<16400xi32, #tpu.memory_space<vmem>>[vector<16xi32>], vector<16xi32>,
    %add3A_10 = vector.broadcast %scan3A_5 : i32 to vector<16xi32>
    %add3A_11 = arith.addi %add3A_10, %iota3A : vector<16xi32>
    %broadcast_in_dim3A_12 = arith.constant 0 : i32
    %broadcast_in_dim3A_13 = vector.broadcast %broadcast_in_dim3A_12 : i32 to vector<16xi32>
    tpu.vector_store_idx %arg11[%add3A_11], %broadcast_in_dim3A_13 : memref<16400xi32, #tpu.memory_space<vmem>>[vector<16xi32>], vector<16xi32>,
    %add3A_14 = arith.constant 16 : i32
    %add3A_15 = arith.addi %scan3A_5, %add3A_14 : i32
    %sub3A = arith.constant 1 : i32
    %sub3A_16 = arith.subi %add3A_15, %sub3A : i32
    %jit3A = arith.constant 16 : i32
    %div3A = arith.divsi %sub3A_16, %jit3A : i32
    %sign3A = arith.constant 0 : i32
    %sign3A_17 = arith.cmpi sgt, %sub3A_16, %sign3A : i32
    %sign3A_18 = arith.extui %sign3A_17 : i1 to i32
    %sign3A_19 = arith.constant 0 : i32
    %sign3A_20 = arith.cmpi slt, %sub3A_16, %sign3A_19 : i32
    %sign3A_21 = arith.extui %sign3A_20 : i1 to i32
    %sign3A_22 = arith.subi %sign3A_18, %sign3A_21 : i32
    %sign3A_23 = arith.constant 0 : i32
    %sign3A_24 = arith.cmpi sgt, %jit3A, %sign3A_23 : i32
    %sign3A_25 = arith.extui %sign3A_24 : i1 to i32
    %sign3A_26 = arith.constant 0 : i32
    %sign3A_27 = arith.cmpi slt, %jit3A, %sign3A_26 : i32
    %sign3A_28 = arith.extui %sign3A_27 : i1 to i32
    %sign3A_29 = arith.subi %sign3A_25, %sign3A_28 : i32
    %ne3A = arith.cmpi ne, %sign3A_22, %sign3A_29 : i32
    %rem3A = arith.remsi %sub3A_16, %jit3A : i32
    %ne3A_30 = arith.constant 0 : i32
    %ne3A_31 = arith.cmpi ne, %rem3A, %ne3A_30 : i32
    %and3A = arith.andi %ne3A, %ne3A_31 : i1
    %sub3A_32 = arith.constant 1 : i32
    %sub3A_33 = arith.subi %div3A, %sub3A_32 : i32
    %select_n3A = arith.select %and3A, %sub3A_33, %div3A : i32
    %scan3A_34 = arith.constant 0 : i32
    %scan3A_35 = arith.constant 0 : i32
    %scan3A_36 = arith.constant 0 : i32
    %scan3A_37 = arith.constant 31 : i32
    %scan3A_38 = arith.addi %scan3A_36, %scan3A_37 : i32
    %scan3A_39 = arith.constant 1 : i32
    %scan3A_40:2 = scf.for %scan3A_173 = %scan3A_36 to %scan3A_38 step %scan3A_39 iter_args(%scan3A_174 = %scan3A_34, %scan3A_175 = %scan3A_35) -> (i32, i32)  : i32 {
      %mul3A_176 = arith.constant 32 : i32
      %mul3A_177 = arith.muli %scan3A_173, %mul3A_176 : i32
      %add3A_178 = arith.addi %add3A, %mul3A_177 : i32
      %lt3A = arith.constant 976 : i32
      %lt3A_179 = arith.cmpi slt, %add3A_178, %lt3A : i32
      %convert_element_type3A_180 = arith.extui %lt3A_179 : i1 to i32
      %cond3A_181 = arith.constant 0 : i32
      %cond3A_182 = arith.cmpi ne, %convert_element_type3A_180, %cond3A_181 : i32
      %cond3A_183:2 = scf.if %cond3A_182 -> (i32, i32) {
        %mul3A_184 = arith.constant 1024 : i32
        %mul3A_185 = arith.muli %add3A_178, %mul3A_184 : i32
        %multiple_of3A = tpu.assume_multiple %mul3A_185, 1024 : i32
        %dma_start3A = arith.constant 0 : i32
        %dma_start3A_186 = tpu.memref_slice %arg4[%dma_start3A, %multiple_of3A] : memref<32x1000000xf32, #tpu.memory_space<hbm>> -> memref<16x1024xf32, #tpu.memory_space<hbm>>
        %dma_start3A_187 = arith.constant 0 : i32
        %dma_start3A_188 = tpu.memref_slice %arg4[%dma_start3A_187, %multiple_of3A] : memref<32x1000000xf32, #tpu.memory_space<hbm>> -> memref<16x1024xf32, #tpu.memory_space<hbm>>
        tpu.enqueue_dma source(%dma_start3A_188 : memref<16x1024xf32, #tpu.memory_space<hbm>>) target(%arg12 : memref<16x1024xf32, #tpu.memory_space<vmem>>) target_semaphore(%arg17 : memref<!tpu.dma_semaphore, #tpu.memory_space<semaphore_mem>>)
        %dma_start3A_189 = arith.constant 16 : i32
        %dma_start3A_190 = tpu.memref_slice %arg4[%dma_start3A_189, %multiple_of3A] : memref<32x1000000xf32, #tpu.memory_space<hbm>> -> memref<16x1024xf32, #tpu.memory_space<hbm>>
        %dma_start3A_191 = arith.constant 16 : i32
        %dma_start3A_192 = tpu.memref_slice %arg4[%dma_start3A_191, %multiple_of3A] : memref<32x1000000xf32, #tpu.memory_space<hbm>> -> memref<16x1024xf32, #tpu.memory_space<hbm>>
        tpu.enqueue_dma source(%dma_start3A_192 : memref<16x1024xf32, #tpu.memory_space<hbm>>) target(%arg13 : memref<16x1024xf32, #tpu.memory_space<vmem>>) target_semaphore(%arg17 : memref<!tpu.dma_semaphore, #tpu.memory_space<semaphore_mem>>)
        %dma_wait3A = arith.constant 0 : i32
        %dma_wait3A_193 = tpu.memref_slice %arg4[%dma_wait3A, %multiple_of3A] : memref<32x1000000xf32, #tpu.memory_space<hbm>> -> memref<16x1024xf32, #tpu.memory_space<hbm>>
        %dma_wait3A_194 = arith.constant 0 : i32
        %dma_wait3A_195 = tpu.memref_slice %arg4[%dma_wait3A_194, %multiple_of3A] : memref<32x1000000xf32, #tpu.memory_space<hbm>> -> memref<16x1024xf32, #tpu.memory_space<hbm>>
        tpu.wait_dma2 semaphore(%arg17 : memref<!tpu.dma_semaphore, #tpu.memory_space<semaphore_mem>>) src(%dma_wait3A_195 : memref<16x1024xf32, #tpu.memory_space<hbm>>) dst(%arg12 : memref<16x1024xf32, #tpu.memory_space<vmem>>)
        %dma_wait3A_196 = arith.constant 16 : i32
        %dma_wait3A_197 = tpu.memref_slice %arg4[%dma_wait3A_196, %multiple_of3A] : memref<32x1000000xf32, #tpu.memory_space<hbm>> -> memref<16x1024xf32, #tpu.memory_space<hbm>>
        %dma_wait3A_198 = arith.constant 16 : i32
        %dma_wait3A_199 = tpu.memref_slice %arg4[%dma_wait3A_198, %multiple_of3A] : memref<32x1000000xf32, #tpu.memory_space<hbm>> -> memref<16x1024xf32, #tpu.memory_space<hbm>>
        tpu.wait_dma2 semaphore(%arg17 : memref<!tpu.dma_semaphore, #tpu.memory_space<semaphore_mem>>) src(%dma_wait3A_199 : memref<16x1024xf32, #tpu.memory_space<hbm>>) dst(%arg13 : memref<16x1024xf32, #tpu.memory_space<vmem>>)
        %while3A_200 = arith.constant 0 : i32
        %while3A_201 = arith.subi %select_n3A, %while3A_200 : i32
        %while3A_202 = arith.addi %while3A_200, %while3A_201 : i32
        %while3A_203 = arith.constant 1 : i32
        %while3A_204 = arith.divsi %while3A_201, %while3A_203 : i32
        %while3A_205 = arith.muli %while3A_204, %while3A_203 : i32
        %while3A_206 = arith.addi %while3A_200, %while3A_205 : i32
        %while3A_207 = arith.constant 1 : i32
        %while3A_208:2 = scf.for %while3A_211 = %while3A_200 to %while3A_206 step %while3A_207 iter_args(%while3A_212 = %scan3A_174, %while3A_213 = %scan3A_175) -> (i32, i32)  : i32 {
          %mul3A_214 = arith.constant 16 : i32
          %mul3A_215 = arith.muli %while3A_211, %mul3A_214 : i32
          %add3A_216 = vector.broadcast %mul3A_215 : i32 to vector<16xi32>
          %add3A_217 = arith.addi %add3A_216, %iota3A : vector<16xi32>
          %gather3A = tpu.vector_load_idx %arg10[%add3A_217] : memref<16400xi32, #tpu.memory_space<vmem>>[vector<16xi32>], vector<16xi32>,
          %shift_right_arithmetic3A = arith.constant 10 : i32
          %shift_right_arithmetic3A_218 = vector.broadcast %shift_right_arithmetic3A : i32 to vector<16xi32>
          %shift_right_arithmetic3A_219 = arith.shrsi %gather3A, %shift_right_arithmetic3A_218 : vector<16xi32>
          %eq3A_220 = vector.broadcast %add3A_178 : i32 to vector<16xi32>
          %eq3A_221 = arith.cmpi eq, %shift_right_arithmetic3A_219, %eq3A_220 : vector<16xi32>
          %reduce_or3A = arith.constant 1.000000e+00 : f32
          %reduce_or3A_222 = arith.constant 0.000000e+00 : f32
          %reduce_or3A_223 = vector.broadcast %reduce_or3A : f32 to vector<16xf32>
          %reduce_or3A_224 = vector.broadcast %reduce_or3A_222 : f32 to vector<16xf32>
          %reduce_or3A_225 = arith.select %eq3A_221, %reduce_or3A_223, %reduce_or3A_224 : vector<16xi1>, vector<16xf32>
          %reduce_or3A_226 = arith.constant true
          %reduce_or3A_227 = vector.broadcast %reduce_or3A_226 : i1 to vector<16xi1>
          %reduce_or3A_228 = tpu.scan <max>, %reduce_or3A_225 masked %reduce_or3A_227 : vector<16xf32>, vector<16xi1> -> vector<16xf32>
          %reduce_or3A_229 = vector.extract %reduce_or3A_228[15] : f32 from vector<16xf32>
          %reduce_or3A_230 = arith.constant 0.000000e+00 : f32
          %reduce_or3A_231 = arith.cmpf ogt, %reduce_or3A_229, %reduce_or3A_230 : f32
          %convert_element_type3A_232 = arith.extui %reduce_or3A_231 : i1 to i32
          %cond3A_233 = arith.constant 0 : i32
          %cond3A_234 = arith.cmpi ne, %convert_element_type3A_232, %cond3A_233 : i32
          %cond3A_235:2 = scf.if %cond3A_234 -> (i32, i32) {
            %while3A_236:3 = scf.while (%while3A_237 = %eq3A_221, %while3A_238 = %while3A_212, %while3A_239 = %while3A_213) : (vector<16xi1>, i32, i32) -> (vector<16xi1>, i32, i32) {
              %reduce_or3A_240 = arith.constant 1.000000e+00 : f32
              %reduce_or3A_241 = arith.constant 0.000000e+00 : f32
              %reduce_or3A_242 = vector.broadcast %reduce_or3A_240 : f32 to vector<16xf32>
              %reduce_or3A_243 = vector.broadcast %reduce_or3A_241 : f32 to vector<16xf32>
              %reduce_or3A_244 = arith.select %while3A_237, %reduce_or3A_242, %reduce_or3A_243 : vector<16xi1>, vector<16xf32>
              %reduce_or3A_245 = arith.constant true
              %reduce_or3A_246 = vector.broadcast %reduce_or3A_245 : i1 to vector<16xi1>
              %reduce_or3A_247 = tpu.scan <max>, %reduce_or3A_244 masked %reduce_or3A_246 : vector<16xf32>, vector<16xi1> -> vector<16xf32>
              %reduce_or3A_248 = vector.extract %reduce_or3A_247[15] : f32 from vector<16xf32>
              %reduce_or3A_249 = arith.constant 0.000000e+00 : f32
              %reduce_or3A_250 = arith.cmpf ogt, %reduce_or3A_248, %reduce_or3A_249 : f32
              scf.condition(%reduce_or3A_250) %while3A_237, %while3A_238, %while3A_239 : vector<16xi1>, i32, i32
            } do {
            ^bb0(%while3A_237: vector<16xi1>, %while3A_238: i32, %while3A_239: i32):
              %all_reduce_ffs3A = tpu.all_reduce %while3A_237 {dim = 0 : i64, kind = #tpu.reduction_kind<find_first_set>} : vector<16xi1> -> vector<16xi32>
              %eq3A_240 = arith.cmpi eq, %iota3A, %all_reduce_ffs3A : vector<16xi32>
              %jit3A_241 = arith.constant 0 : i32
              %broadcast_in_dim3A_242 = vector.broadcast %jit3A_241 : i32 to vector<16xi32>
              %select_n3A_243 = arith.select %eq3A_240, %gather3A, %broadcast_in_dim3A_242 : vector<16xi1>, vector<16xi32>
              %reduce_sum3A = arith.constant true
              %reduce_sum3A_244 = vector.broadcast %reduce_sum3A : i1 to vector<16xi1>
              %reduce_sum3A_245 = tpu.scan <sum>, %select_n3A_243 masked %reduce_sum3A_244 : vector<16xi32>, vector<16xi1> -> vector<16xi32>
              %reduce_sum3A_246 = vector.extract %reduce_sum3A_245[15] : i32 from vector<16xi32>
              %mul3A_247 = arith.constant 16 : i32
              %mul3A_248 = arith.muli %while3A_211, %mul3A_247 : i32
              %add3A_249 = vector.broadcast %mul3A_248 : i32 to vector<16xi32>
              %add3A_250 = arith.addi %add3A_249, %iota3A : vector<16xi32>
              %gather3A_251 = tpu.vector_load_idx %arg11[%add3A_250] : memref<16400xi32, #tpu.memory_space<vmem>>[vector<16xi32>], vector<16xi32>,
              %jit3A_252 = arith.constant 0 : i32
              %broadcast_in_dim3A_253 = vector.broadcast %jit3A_252 : i32 to vector<16xi32>
              %select_n3A_254 = arith.select %eq3A_240, %gather3A_251, %broadcast_in_dim3A_253 : vector<16xi1>, vector<16xi32>
              %reduce_sum3A_255 = arith.constant true
              %reduce_sum3A_256 = vector.broadcast %reduce_sum3A_255 : i1 to vector<16xi1>
              %reduce_sum3A_257 = tpu.scan <sum>, %select_n3A_254 masked %reduce_sum3A_256 : vector<16xi32>, vector<16xi1> -> vector<16xi32>
              %reduce_sum3A_258 = vector.extract %reduce_sum3A_257[15] : i32 from vector<16xi32>
              %broadcast_in_dim3A_259 = arith.constant 0 : i32
              %broadcast_in_dim3A_260 = vector.broadcast %broadcast_in_dim3A_259 : i32 to vector<16xi32>
              %mul3A_261 = arith.constant 1024 : i32
              %mul3A_262 = arith.muli %add3A_178, %mul3A_261 : i32
              %sub3A_263 = arith.subi %reduce_sum3A_246, %mul3A_262 : i32
              %add3A_264 = vector.broadcast %sub3A_263 : i32 to vector<16xi32>
              %add3A_265 = arith.addi %broadcast_in_dim3A_260, %add3A_264 : vector<16xi32>
              %gather3A_266 = tpu.vector_load_idx %arg12[%iota3A, %add3A_265] : memref<16x1024xf32, #tpu.memory_space<vmem>>[vector<16xi32>, vector<16xi32>], vector<16xf32>,
              %gather3A_267 = tpu.vector_load_idx %arg13[%iota3A, %add3A_265] : memref<16x1024xf32, #tpu.memory_space<vmem>>[vector<16xi32>, vector<16xi32>], vector<16xf32>,
              %and3A_268 = arith.constant 511 : i32
              %and3A_269 = arith.andi %while3A_238, %and3A_268 : i32
              %mul3A_270 = arith.constant 32 : i32
              %mul3A_271 = arith.muli %and3A_269, %mul3A_270 : i32
              %add3A_272 = vector.broadcast %mul3A_271 : i32 to vector<16xi32>
              %add3A_273 = arith.addi %add3A_272, %iota3A : vector<16xi32>
              tpu.vector_store_idx %arg15[%add3A_273], %gather3A_266 : memref<16384xf32, #tpu.memory_space<vmem>>[vector<16xi32>], vector<16xf32>,
              %add3A_274 = arith.constant 16 : i32
              %add3A_275 = arith.addi %mul3A_271, %add3A_274 : i32
              %add3A_276 = vector.broadcast %add3A_275 : i32 to vector<16xi32>
              %add3A_277 = arith.addi %add3A_276, %iota3A : vector<16xi32>
              tpu.vector_store_idx %arg15[%add3A_277], %gather3A_267 : memref<16384xf32, #tpu.memory_space<vmem>>[vector<16xi32>], vector<16xf32>,
              %mul3A_278 = arith.constant 32 : i32
              %mul3A_279 = arith.muli %reduce_sum3A_258, %mul3A_278 : i32
              %add3A_280 = arith.constant 0 : i32
              %add3A_281 = arith.addi %add3A_280, %mul3A_279 : i32
              %dma_start3A_282 = tpu.memref_slice %arg15[%mul3A_271] : memref<16384xf32, #tpu.memory_space<vmem>> -> memref<32xf32, #tpu.memory_space<vmem>>
              %dma_start3A_283 = tpu.memref_slice %arg8[%add3A_281] : memref<1114112xf32, #tpu.memory_space<hbm>> -> memref<32xf32, #tpu.memory_space<hbm>>
              %dma_start3A_284 = tpu.memref_slice %arg8[%add3A_281] : memref<1114112xf32, #tpu.memory_space<hbm>> -> memref<32xf32, #tpu.memory_space<hbm>>
              %dma_start3A_285 = tpu.memref_slice %arg15[%mul3A_271] : memref<16384xf32, #tpu.memory_space<vmem>> -> memref<32xf32, #tpu.memory_space<vmem>>
              tpu.enqueue_dma source(%dma_start3A_285 : memref<32xf32, #tpu.memory_space<vmem>>) target(%dma_start3A_284 : memref<32xf32, #tpu.memory_space<hbm>>) target_semaphore(%arg16 : memref<!tpu.dma_semaphore, #tpu.memory_space<semaphore_mem>>)
              %and3A_286 = arith.constant 511 : i32
              %and3A_287 = arith.andi %while3A_238, %and3A_286 : i32
              %eq3A_288 = arith.constant 511 : i32
              %eq3A_289 = arith.cmpi eq, %and3A_287, %eq3A_288 : i32
              %convert_element_type3A_290 = arith.extui %eq3A_289 : i1 to i32
              %cond3A_291 = arith.constant 0 : i32
              %cond3A_292 = arith.cmpi ne, %convert_element_type3A_290, %cond3A_291 : i32
              %cond3A_293 = scf.if %cond3A_292 -> (i32) {
                %dma_wait3A_298 = arith.constant 0 : i32
                %dma_wait3A_299 = tpu.memref_slice %arg8[%dma_wait3A_298] : memref<1114112xf32, #tpu.memory_space<hbm>> -> memref<16384xf32, #tpu.memory_space<hbm>>
                %dma_wait3A_300 = arith.constant 0 : i32
                %dma_wait3A_301 = tpu.memref_slice %arg8[%dma_wait3A_300] : memref<1114112xf32, #tpu.memory_space<hbm>> -> memref<16384xf32, #tpu.memory_space<hbm>>
                tpu.wait_dma2 semaphore(%arg16 : memref<!tpu.dma_semaphore, #tpu.memory_space<semaphore_mem>>) src(%arg15 : memref<16384xf32, #tpu.memory_space<vmem>>) dst(%dma_wait3A_301 : memref<16384xf32, #tpu.memory_space<hbm>>)
                %add3A_302 = arith.constant 1 : i32
                %add3A_303 = arith.addi %while3A_238, %add3A_302 : i32
                scf.yield %add3A_303 : i32
              } else {
                scf.yield %while3A_239 : i32
              }
              %not3A = arith.constant dense<true> : vector<16xi1>
              %not3A_294 = arith.xori %eq3A_240, %not3A : vector<16xi1>
              %and3A_295 = arith.andi %while3A_237, %not3A_294 : vector<16xi1>
              %add3A_296 = arith.constant 1 : i32
              %add3A_297 = arith.addi %while3A_238, %add3A_296 : i32
              scf.yield %and3A_295, %add3A_297, %cond3A_293 : vector<16xi1>, i32, i32
            }
            scf.yield %while3A_236#1, %while3A_236#2 : i32, i32
          } else {
            scf.yield %while3A_212, %while3A_213 : i32, i32
          }
          scf.yield %cond3A_235#0, %cond3A_235#1 : i32, i32
        }
        %while3A_209 = arith.constant 1 : i32
        %while3A_210:2 = scf.for %while3A_211 = %while3A_206 to %while3A_202 step %while3A_209 iter_args(%while3A_212 = %while3A_208#0, %while3A_213 = %while3A_208#1) -> (i32, i32)  : i32 {
          %mul3A_214 = arith.constant 16 : i32
          %mul3A_215 = arith.muli %while3A_211, %mul3A_214 : i32
          %add3A_216 = vector.broadcast %mul3A_215 : i32 to vector<16xi32>
          %add3A_217 = arith.addi %add3A_216, %iota3A : vector<16xi32>
          %gather3A = tpu.vector_load_idx %arg10[%add3A_217] : memref<16400xi32, #tpu.memory_space<vmem>>[vector<16xi32>], vector<16xi32>,
          %shift_right_arithmetic3A = arith.constant 10 : i32
          %shift_right_arithmetic3A_218 = vector.broadcast %shift_right_arithmetic3A : i32 to vector<16xi32>
          %shift_right_arithmetic3A_219 = arith.shrsi %gather3A, %shift_right_arithmetic3A_218 : vector<16xi32>
          %eq3A_220 = vector.broadcast %add3A_178 : i32 to vector<16xi32>
          %eq3A_221 = arith.cmpi eq, %shift_right_arithmetic3A_219, %eq3A_220 : vector<16xi32>
          %reduce_or3A = arith.constant 1.000000e+00 : f32
          %reduce_or3A_222 = arith.constant 0.000000e+00 : f32
          %reduce_or3A_223 = vector.broadcast %reduce_or3A : f32 to vector<16xf32>
          %reduce_or3A_224 = vector.broadcast %reduce_or3A_222 : f32 to vector<16xf32>
          %reduce_or3A_225 = arith.select %eq3A_221, %reduce_or3A_223, %reduce_or3A_224 : vector<16xi1>, vector<16xf32>
          %reduce_or3A_226 = arith.constant true
          %reduce_or3A_227 = vector.broadcast %reduce_or3A_226 : i1 to vector<16xi1>
          %reduce_or3A_228 = tpu.scan <max>, %reduce_or3A_225 masked %reduce_or3A_227 : vector<16xf32>, vector<16xi1> -> vector<16xf32>
          %reduce_or3A_229 = vector.extract %reduce_or3A_228[15] : f32 from vector<16xf32>
          %reduce_or3A_230 = arith.constant 0.000000e+00 : f32
          %reduce_or3A_231 = arith.cmpf ogt, %reduce_or3A_229, %reduce_or3A_230 : f32
          %convert_element_type3A_232 = arith.extui %reduce_or3A_231 : i1 to i32
          %cond3A_233 = arith.constant 0 : i32
          %cond3A_234 = arith.cmpi ne, %convert_element_type3A_232, %cond3A_233 : i32
          %cond3A_235:2 = scf.if %cond3A_234 -> (i32, i32) {
            %while3A_236:3 = scf.while (%while3A_237 = %eq3A_221, %while3A_238 = %while3A_212, %while3A_239 = %while3A_213) : (vector<16xi1>, i32, i32) -> (vector<16xi1>, i32, i32) {
              %reduce_or3A_240 = arith.constant 1.000000e+00 : f32
              %reduce_or3A_241 = arith.constant 0.000000e+00 : f32
              %reduce_or3A_242 = vector.broadcast %reduce_or3A_240 : f32 to vector<16xf32>
              %reduce_or3A_243 = vector.broadcast %reduce_or3A_241 : f32 to vector<16xf32>
              %reduce_or3A_244 = arith.select %while3A_237, %reduce_or3A_242, %reduce_or3A_243 : vector<16xi1>, vector<16xf32>
              %reduce_or3A_245 = arith.constant true
              %reduce_or3A_246 = vector.broadcast %reduce_or3A_245 : i1 to vector<16xi1>
              %reduce_or3A_247 = tpu.scan <max>, %reduce_or3A_244 masked %reduce_or3A_246 : vector<16xf32>, vector<16xi1> -> vector<16xf32>
              %reduce_or3A_248 = vector.extract %reduce_or3A_247[15] : f32 from vector<16xf32>
              %reduce_or3A_249 = arith.constant 0.000000e+00 : f32
              %reduce_or3A_250 = arith.cmpf ogt, %reduce_or3A_248, %reduce_or3A_249 : f32
              scf.condition(%reduce_or3A_250) %while3A_237, %while3A_238, %while3A_239 : vector<16xi1>, i32, i32
            } do {
            ^bb0(%while3A_237: vector<16xi1>, %while3A_238: i32, %while3A_239: i32):
              %all_reduce_ffs3A = tpu.all_reduce %while3A_237 {dim = 0 : i64, kind = #tpu.reduction_kind<find_first_set>} : vector<16xi1> -> vector<16xi32>
              %eq3A_240 = arith.cmpi eq, %iota3A, %all_reduce_ffs3A : vector<16xi32>
              %jit3A_241 = arith.constant 0 : i32
              %broadcast_in_dim3A_242 = vector.broadcast %jit3A_241 : i32 to vector<16xi32>
              %select_n3A_243 = arith.select %eq3A_240, %gather3A, %broadcast_in_dim3A_242 : vector<16xi1>, vector<16xi32>
              %reduce_sum3A = arith.constant true
              %reduce_sum3A_244 = vector.broadcast %reduce_sum3A : i1 to vector<16xi1>
              %reduce_sum3A_245 = tpu.scan <sum>, %select_n3A_243 masked %reduce_sum3A_244 : vector<16xi32>, vector<16xi1> -> vector<16xi32>
              %reduce_sum3A_246 = vector.extract %reduce_sum3A_245[15] : i32 from vector<16xi32>
              %mul3A_247 = arith.constant 16 : i32
              %mul3A_248 = arith.muli %while3A_211, %mul3A_247 : i32
              %add3A_249 = vector.broadcast %mul3A_248 : i32 to vector<16xi32>
              %add3A_250 = arith.addi %add3A_249, %iota3A : vector<16xi32>
              %gather3A_251 = tpu.vector_load_idx %arg11[%add3A_250] : memref<16400xi32, #tpu.memory_space<vmem>>[vector<16xi32>], vector<16xi32>,
              %jit3A_252 = arith.constant 0 : i32
              %broadcast_in_dim3A_253 = vector.broadcast %jit3A_252 : i32 to vector<16xi32>
              %select_n3A_254 = arith.select %eq3A_240, %gather3A_251, %broadcast_in_dim3A_253 : vector<16xi1>, vector<16xi32>
              %reduce_sum3A_255 = arith.constant true
              %reduce_sum3A_256 = vector.broadcast %reduce_sum3A_255 : i1 to vector<16xi1>
              %reduce_sum3A_257 = tpu.scan <sum>, %select_n3A_254 masked %reduce_sum3A_256 : vector<16xi32>, vector<16xi1> -> vector<16xi32>
              %reduce_sum3A_258 = vector.extract %reduce_sum3A_257[15] : i32 from vector<16xi32>
              %broadcast_in_dim3A_259 = arith.constant 0 : i32
              %broadcast_in_dim3A_260 = vector.broadcast %broadcast_in_dim3A_259 : i32 to vector<16xi32>
              %mul3A_261 = arith.constant 1024 : i32
              %mul3A_262 = arith.muli %add3A_178, %mul3A_261 : i32
              %sub3A_263 = arith.subi %reduce_sum3A_246, %mul3A_262 : i32
              %add3A_264 = vector.broadcast %sub3A_263 : i32 to vector<16xi32>
              %add3A_265 = arith.addi %broadcast_in_dim3A_260, %add3A_264 : vector<16xi32>
              %gather3A_266 = tpu.vector_load_idx %arg12[%iota3A, %add3A_265] : memref<16x1024xf32, #tpu.memory_space<vmem>>[vector<16xi32>, vector<16xi32>], vector<16xf32>,
              %gather3A_267 = tpu.vector_load_idx %arg13[%iota3A, %add3A_265] : memref<16x1024xf32, #tpu.memory_space<vmem>>[vector<16xi32>, vector<16xi32>], vector<16xf32>,
              %and3A_268 = arith.constant 511 : i32
              %and3A_269 = arith.andi %while3A_238, %and3A_268 : i32
              %mul3A_270 = arith.constant 32 : i32
              %mul3A_271 = arith.muli %and3A_269, %mul3A_270 : i32
              %add3A_272 = vector.broadcast %mul3A_271 : i32 to vector<16xi32>
              %add3A_273 = arith.addi %add3A_272, %iota3A : vector<16xi32>
              tpu.vector_store_idx %arg15[%add3A_273], %gather3A_266 : memref<16384xf32, #tpu.memory_space<vmem>>[vector<16xi32>], vector<16xf32>,
              %add3A_274 = arith.constant 16 : i32
              %add3A_275 = arith.addi %mul3A_271, %add3A_274 : i32
              %add3A_276 = vector.broadcast %add3A_275 : i32 to vector<16xi32>
              %add3A_277 = arith.addi %add3A_276, %iota3A : vector<16xi32>
              tpu.vector_store_idx %arg15[%add3A_277], %gather3A_267 : memref<16384xf32, #tpu.memory_space<vmem>>[vector<16xi32>], vector<16xf32>,
              %mul3A_278 = arith.constant 32 : i32
              %mul3A_279 = arith.muli %reduce_sum3A_258, %mul3A_278 : i32
              %add3A_280 = arith.constant 0 : i32
              %add3A_281 = arith.addi %add3A_280, %mul3A_279 : i32
              %dma_start3A_282 = tpu.memref_slice %arg15[%mul3A_271] : memref<16384xf32, #tpu.memory_space<vmem>> -> memref<32xf32, #tpu.memory_space<vmem>>
              %dma_start3A_283 = tpu.memref_slice %arg8[%add3A_281] : memref<1114112xf32, #tpu.memory_space<hbm>> -> memref<32xf32, #tpu.memory_space<hbm>>
              %dma_start3A_284 = tpu.memref_slice %arg8[%add3A_281] : memref<1114112xf32, #tpu.memory_space<hbm>> -> memref<32xf32, #tpu.memory_space<hbm>>
              %dma_start3A_285 = tpu.memref_slice %arg15[%mul3A_271] : memref<16384xf32, #tpu.memory_space<vmem>> -> memref<32xf32, #tpu.memory_space<vmem>>
              tpu.enqueue_dma source(%dma_start3A_285 : memref<32xf32, #tpu.memory_space<vmem>>) target(%dma_start3A_284 : memref<32xf32, #tpu.memory_space<hbm>>) target_semaphore(%arg16 : memref<!tpu.dma_semaphore, #tpu.memory_space<semaphore_mem>>)
              %and3A_286 = arith.constant 511 : i32
              %and3A_287 = arith.andi %while3A_238, %and3A_286 : i32
              %eq3A_288 = arith.constant 511 : i32
              %eq3A_289 = arith.cmpi eq, %and3A_287, %eq3A_288 : i32
              %convert_element_type3A_290 = arith.extui %eq3A_289 : i1 to i32
              %cond3A_291 = arith.constant 0 : i32
              %cond3A_292 = arith.cmpi ne, %convert_element_type3A_290, %cond3A_291 : i32
              %cond3A_293 = scf.if %cond3A_292 -> (i32) {
                %dma_wait3A_298 = arith.constant 0 : i32
                %dma_wait3A_299 = tpu.memref_slice %arg8[%dma_wait3A_298] : memref<1114112xf32, #tpu.memory_space<hbm>> -> memref<16384xf32, #tpu.memory_space<hbm>>
                %dma_wait3A_300 = arith.constant 0 : i32
                %dma_wait3A_301 = tpu.memref_slice %arg8[%dma_wait3A_300] : memref<1114112xf32, #tpu.memory_space<hbm>> -> memref<16384xf32, #tpu.memory_space<hbm>>
                tpu.wait_dma2 semaphore(%arg16 : memref<!tpu.dma_semaphore, #tpu.memory_space<semaphore_mem>>) src(%arg15 : memref<16384xf32, #tpu.memory_space<vmem>>) dst(%dma_wait3A_301 : memref<16384xf32, #tpu.memory_space<hbm>>)
                %add3A_302 = arith.constant 1 : i32
                %add3A_303 = arith.addi %while3A_238, %add3A_302 : i32
                scf.yield %add3A_303 : i32
              } else {
                scf.yield %while3A_239 : i32
              }
              %not3A = arith.constant dense<true> : vector<16xi1>
              %not3A_294 = arith.xori %eq3A_240, %not3A : vector<16xi1>
              %and3A_295 = arith.andi %while3A_237, %not3A_294 : vector<16xi1>
              %add3A_296 = arith.constant 1 : i32
              %add3A_297 = arith.addi %while3A_238, %add3A_296 : i32
              scf.yield %and3A_295, %add3A_297, %cond3A_293 : vector<16xi1>, i32, i32
            }
            scf.yield %while3A_236#1, %while3A_236#2 : i32, i32
          } else {
            scf.yield %while3A_212, %while3A_213 : i32, i32
          }
          scf.yield %cond3A_235#0, %cond3A_235#1 : i32, i32
        }
        scf.yield %while3A_210#0, %while3A_210#1 : i32, i32
      } else {
        scf.yield %scan3A_174, %scan3A_175 : i32, i32
      }
      scf.yield %cond3A_183#0, %cond3A_183#1 : i32, i32
    }
    %scan3A_41 = arith.constant 31 : i32
    %eq3A = arith.constant 16 : i32
    %eq3A_42 = arith.cmpi eq, %add3A, %eq3A : i32
    %convert_element_type3A = arith.extui %eq3A_42 : i1 to i32
    %cond3A = arith.constant 0 : i32
    %cond3A_43 = arith.cmpi ne, %convert_element_type3A, %cond3A : i32
    %cond3A_44:2 = scf.if %cond3A_43 -> (i32, i32) {
      "tpu.region"() ({
        %run_scoped3A = tpu.sem_alloc : memref<!tpu.dma_semaphore, #tpu.memory_space<semaphore_mem>>
        tpu.enqueue_dma source(%arg6 : memref<18432xf32, #tpu.memory_space<hbm>>) target(%arg14 : memref<18432xf32, #tpu.memory_space<vmem>>) target_semaphore(%run_scoped3A : memref<!tpu.dma_semaphore, #tpu.memory_space<semaphore_mem>>)
        tpu.wait_dma2 semaphore(%run_scoped3A : memref<!tpu.dma_semaphore, #tpu.memory_space<semaphore_mem>>) src(%arg6 : memref<18432xf32, #tpu.memory_space<hbm>>) dst(%arg14 : memref<18432xf32, #tpu.memory_space<vmem>>)
        tpu.yield
      }) : () -> ()
      %while3A_173 = arith.constant 0 : i32
      %while3A_174 = arith.subi %select_n3A, %while3A_173 : i32
      %while3A_175 = arith.addi %while3A_173, %while3A_174 : i32
      %while3A_176 = arith.constant 1 : i32
      %while3A_177 = arith.divsi %while3A_174, %while3A_176 : i32
      %while3A_178 = arith.muli %while3A_177, %while3A_176 : i32
      %while3A_179 = arith.addi %while3A_173, %while3A_178 : i32
      %while3A_180 = arith.constant 1 : i32
      %while3A_181:2 = scf.for %while3A_184 = %while3A_173 to %while3A_179 step %while3A_180 iter_args(%while3A_185 = %scan3A_40#0, %while3A_186 = %scan3A_40#1) -> (i32, i32)  : i32 {
        %mul3A_187 = arith.constant 16 : i32
        %mul3A_188 = arith.muli %while3A_184, %mul3A_187 : i32
        %add3A_189 = vector.broadcast %mul3A_188 : i32 to vector<16xi32>
        %add3A_190 = arith.addi %add3A_189, %iota3A : vector<16xi32>
        %gather3A = tpu.vector_load_idx %arg10[%add3A_190] : memref<16400xi32, #tpu.memory_space<vmem>>[vector<16xi32>], vector<16xi32>,
        %shift_right_arithmetic3A = arith.constant 10 : i32
        %shift_right_arithmetic3A_191 = vector.broadcast %shift_right_arithmetic3A : i32 to vector<16xi32>
        %shift_right_arithmetic3A_192 = arith.shrsi %gather3A, %shift_right_arithmetic3A_191 : vector<16xi32>
        %eq3A_193 = arith.constant 976 : i32
        %eq3A_194 = vector.broadcast %eq3A_193 : i32 to vector<16xi32>
        %eq3A_195 = arith.cmpi eq, %shift_right_arithmetic3A_192, %eq3A_194 : vector<16xi32>
        %reduce_or3A = arith.constant 1.000000e+00 : f32
        %reduce_or3A_196 = arith.constant 0.000000e+00 : f32
        %reduce_or3A_197 = vector.broadcast %reduce_or3A : f32 to vector<16xf32>
        %reduce_or3A_198 = vector.broadcast %reduce_or3A_196 : f32 to vector<16xf32>
        %reduce_or3A_199 = arith.select %eq3A_195, %reduce_or3A_197, %reduce_or3A_198 : vector<16xi1>, vector<16xf32>
        %reduce_or3A_200 = arith.constant true
        %reduce_or3A_201 = vector.broadcast %reduce_or3A_200 : i1 to vector<16xi1>
        %reduce_or3A_202 = tpu.scan <max>, %reduce_or3A_199 masked %reduce_or3A_201 : vector<16xf32>, vector<16xi1> -> vector<16xf32>
        %reduce_or3A_203 = vector.extract %reduce_or3A_202[15] : f32 from vector<16xf32>
        %reduce_or3A_204 = arith.constant 0.000000e+00 : f32
        %reduce_or3A_205 = arith.cmpf ogt, %reduce_or3A_203, %reduce_or3A_204 : f32
        %convert_element_type3A_206 = arith.extui %reduce_or3A_205 : i1 to i32
        %cond3A_207 = arith.constant 0 : i32
        %cond3A_208 = arith.cmpi ne, %convert_element_type3A_206, %cond3A_207 : i32
        %cond3A_209:2 = scf.if %cond3A_208 -> (i32, i32) {
          %while3A_210:3 = scf.while (%while3A_211 = %eq3A_195, %while3A_212 = %while3A_185, %while3A_213 = %while3A_186) : (vector<16xi1>, i32, i32) -> (vector<16xi1>, i32, i32) {
            %reduce_or3A_214 = arith.constant 1.000000e+00 : f32
            %reduce_or3A_215 = arith.constant 0.000000e+00 : f32
            %reduce_or3A_216 = vector.broadcast %reduce_or3A_214 : f32 to vector<16xf32>
            %reduce_or3A_217 = vector.broadcast %reduce_or3A_215 : f32 to vector<16xf32>
            %reduce_or3A_218 = arith.select %while3A_211, %reduce_or3A_216, %reduce_or3A_217 : vector<16xi1>, vector<16xf32>
            %reduce_or3A_219 = arith.constant true
            %reduce_or3A_220 = vector.broadcast %reduce_or3A_219 : i1 to vector<16xi1>
            %reduce_or3A_221 = tpu.scan <max>, %reduce_or3A_218 masked %reduce_or3A_220 : vector<16xf32>, vector<16xi1> -> vector<16xf32>
            %reduce_or3A_222 = vector.extract %reduce_or3A_221[15] : f32 from vector<16xf32>
            %reduce_or3A_223 = arith.constant 0.000000e+00 : f32
            %reduce_or3A_224 = arith.cmpf ogt, %reduce_or3A_222, %reduce_or3A_223 : f32
            scf.condition(%reduce_or3A_224) %while3A_211, %while3A_212, %while3A_213 : vector<16xi1>, i32, i32
          } do {
          ^bb0(%while3A_211: vector<16xi1>, %while3A_212: i32, %while3A_213: i32):
            %all_reduce_ffs3A = tpu.all_reduce %while3A_211 {dim = 0 : i64, kind = #tpu.reduction_kind<find_first_set>} : vector<16xi1> -> vector<16xi32>
            %eq3A_214 = arith.cmpi eq, %iota3A, %all_reduce_ffs3A : vector<16xi32>
            %jit3A_215 = arith.constant 0 : i32
            %broadcast_in_dim3A_216 = vector.broadcast %jit3A_215 : i32 to vector<16xi32>
            %select_n3A_217 = arith.select %eq3A_214, %gather3A, %broadcast_in_dim3A_216 : vector<16xi1>, vector<16xi32>
            %reduce_sum3A = arith.constant true
            %reduce_sum3A_218 = vector.broadcast %reduce_sum3A : i1 to vector<16xi1>
            %reduce_sum3A_219 = tpu.scan <sum>, %select_n3A_217 masked %reduce_sum3A_218 : vector<16xi32>, vector<16xi1> -> vector<16xi32>
            %reduce_sum3A_220 = vector.extract %reduce_sum3A_219[15] : i32 from vector<16xi32>
            %mul3A_221 = arith.constant 16 : i32
            %mul3A_222 = arith.muli %while3A_184, %mul3A_221 : i32
            %add3A_223 = vector.broadcast %mul3A_222 : i32 to vector<16xi32>
            %add3A_224 = arith.addi %add3A_223, %iota3A : vector<16xi32>
            %gather3A_225 = tpu.vector_load_idx %arg11[%add3A_224] : memref<16400xi32, #tpu.memory_space<vmem>>[vector<16xi32>], vector<16xi32>,
            %jit3A_226 = arith.constant 0 : i32
            %broadcast_in_dim3A_227 = vector.broadcast %jit3A_226 : i32 to vector<16xi32>
            %select_n3A_228 = arith.select %eq3A_214, %gather3A_225, %broadcast_in_dim3A_227 : vector<16xi1>, vector<16xi32>
            %reduce_sum3A_229 = arith.constant true
            %reduce_sum3A_230 = vector.broadcast %reduce_sum3A_229 : i1 to vector<16xi1>
            %reduce_sum3A_231 = tpu.scan <sum>, %select_n3A_228 masked %reduce_sum3A_230 : vector<16xi32>, vector<16xi1> -> vector<16xi32>
            %reduce_sum3A_232 = vector.extract %reduce_sum3A_231[15] : i32 from vector<16xi32>
            %broadcast_in_dim3A_233 = arith.constant 0 : i32
            %broadcast_in_dim3A_234 = vector.broadcast %broadcast_in_dim3A_233 : i32 to vector<16xi32>
            %sub3A_235 = arith.constant 999424 : i32
            %sub3A_236 = arith.subi %reduce_sum3A_220, %sub3A_235 : i32
            %add3A_237 = vector.broadcast %sub3A_236 : i32 to vector<16xi32>
            %add3A_238 = arith.addi %broadcast_in_dim3A_234, %add3A_237 : vector<16xi32>
            %mul3A_239 = arith.constant 576 : i32
            %mul3A_240 = vector.broadcast %mul3A_239 : i32 to vector<16xi32>
            %mul3A_241 = arith.muli %iota3A, %mul3A_240 : vector<16xi32>
            %add3A_242 = arith.addi %mul3A_241, %add3A_238 : vector<16xi32>
            %gather3A_243 = tpu.vector_load_idx %arg14[%add3A_242] : memref<18432xf32, #tpu.memory_space<vmem>>[vector<16xi32>], vector<16xf32>,
            %add3A_244 = arith.constant 16 : i32
            %add3A_245 = vector.broadcast %add3A_244 : i32 to vector<16xi32>
            %add3A_246 = arith.addi %add3A_245, %iota3A : vector<16xi32>
            %mul3A_247 = arith.constant 576 : i32
            %mul3A_248 = vector.broadcast %mul3A_247 : i32 to vector<16xi32>
            %mul3A_249 = arith.muli %add3A_246, %mul3A_248 : vector<16xi32>
            %add3A_250 = arith.addi %mul3A_249, %add3A_238 : vector<16xi32>
            %gather3A_251 = tpu.vector_load_idx %arg14[%add3A_250] : memref<18432xf32, #tpu.memory_space<vmem>>[vector<16xi32>], vector<16xf32>,
            %and3A_252 = arith.constant 511 : i32
            %and3A_253 = arith.andi %while3A_212, %and3A_252 : i32
            %mul3A_254 = arith.constant 32 : i32
            %mul3A_255 = arith.muli %and3A_253, %mul3A_254 : i32
            %add3A_256 = vector.broadcast %mul3A_255 : i32 to vector<16xi32>
            %add3A_257 = arith.addi %add3A_256, %iota3A : vector<16xi32>
            tpu.vector_store_idx %arg15[%add3A_257], %gather3A_243 : memref<16384xf32, #tpu.memory_space<vmem>>[vector<16xi32>], vector<16xf32>,
            %add3A_258 = arith.constant 16 : i32
            %add3A_259 = arith.addi %mul3A_255, %add3A_258 : i32
            %add3A_260 = vector.broadcast %add3A_259 : i32 to vector<16xi32>
            %add3A_261 = arith.addi %add3A_260, %iota3A : vector<16xi32>
            tpu.vector_store_idx %arg15[%add3A_261], %gather3A_251 : memref<16384xf32, #tpu.memory_space<vmem>>[vector<16xi32>], vector<16xf32>,
            %mul3A_262 = arith.constant 32 : i32
            %mul3A_263 = arith.muli %reduce_sum3A_232, %mul3A_262 : i32
            %add3A_264 = arith.constant 0 : i32
            %add3A_265 = arith.addi %add3A_264, %mul3A_263 : i32
            %dma_start3A = tpu.memref_slice %arg15[%mul3A_255] : memref<16384xf32, #tpu.memory_space<vmem>> -> memref<32xf32, #tpu.memory_space<vmem>>
            %dma_start3A_266 = tpu.memref_slice %arg8[%add3A_265] : memref<1114112xf32, #tpu.memory_space<hbm>> -> memref<32xf32, #tpu.memory_space<hbm>>
            %dma_start3A_267 = tpu.memref_slice %arg8[%add3A_265] : memref<1114112xf32, #tpu.memory_space<hbm>> -> memref<32xf32, #tpu.memory_space<hbm>>
            %dma_start3A_268 = tpu.memref_slice %arg15[%mul3A_255] : memref<16384xf32, #tpu.memory_space<vmem>> -> memref<32xf32, #tpu.memory_space<vmem>>
            tpu.enqueue_dma source(%dma_start3A_268 : memref<32xf32, #tpu.memory_space<vmem>>) target(%dma_start3A_267 : memref<32xf32, #tpu.memory_space<hbm>>) target_semaphore(%arg16 : memref<!tpu.dma_semaphore, #tpu.memory_space<semaphore_mem>>)
            %and3A_269 = arith.constant 511 : i32
            %and3A_270 = arith.andi %while3A_212, %and3A_269 : i32
            %eq3A_271 = arith.constant 511 : i32
            %eq3A_272 = arith.cmpi eq, %and3A_270, %eq3A_271 : i32
            %convert_element_type3A_273 = arith.extui %eq3A_272 : i1 to i32
            %cond3A_274 = arith.constant 0 : i32
            %cond3A_275 = arith.cmpi ne, %convert_element_type3A_273, %cond3A_274 : i32
            %cond3A_276 = scf.if %cond3A_275 -> (i32) {
              %dma_wait3A = arith.constant 0 : i32
              %dma_wait3A_281 = tpu.memref_slice %arg8[%dma_wait3A] : memref<1114112xf32, #tpu.memory_space<hbm>> -> memref<16384xf32, #tpu.memory_space<hbm>>
              %dma_wait3A_282 = arith.constant 0 : i32
              %dma_wait3A_283 = tpu.memref_slice %arg8[%dma_wait3A_282] : memref<1114112xf32, #tpu.memory_space<hbm>> -> memref<16384xf32, #tpu.memory_space<hbm>>
              tpu.wait_dma2 semaphore(%arg16 : memref<!tpu.dma_semaphore, #tpu.memory_space<semaphore_mem>>) src(%arg15 : memref<16384xf32, #tpu.memory_space<vmem>>) dst(%dma_wait3A_283 : memref<16384xf32, #tpu.memory_space<hbm>>)
              %add3A_284 = arith.constant 1 : i32
              %add3A_285 = arith.addi %while3A_212, %add3A_284 : i32
              scf.yield %add3A_285 : i32
            } else {
              scf.yield %while3A_213 : i32
            }
            %not3A = arith.constant dense<true> : vector<16xi1>
            %not3A_277 = arith.xori %eq3A_214, %not3A : vector<16xi1>
            %and3A_278 = arith.andi %while3A_211, %not3A_277 : vector<16xi1>
            %add3A_279 = arith.constant 1 : i32
            %add3A_280 = arith.addi %while3A_212, %add3A_279 : i32
            scf.yield %and3A_278, %add3A_280, %cond3A_276 : vector<16xi1>, i32, i32
          }
          scf.yield %while3A_210#1, %while3A_210#2 : i32, i32
        } else {
          scf.yield %while3A_185, %while3A_186 : i32, i32
        }
        scf.yield %cond3A_209#0, %cond3A_209#1 : i32, i32
      }
      %while3A_182 = arith.constant 1 : i32
      %while3A_183:2 = scf.for %while3A_184 = %while3A_179 to %while3A_175 step %while3A_182 iter_args(%while3A_185 = %while3A_181#0, %while3A_186 = %while3A_181#1) -> (i32, i32)  : i32 {
        %mul3A_187 = arith.constant 16 : i32
        %mul3A_188 = arith.muli %while3A_184, %mul3A_187 : i32
        %add3A_189 = vector.broadcast %mul3A_188 : i32 to vector<16xi32>
        %add3A_190 = arith.addi %add3A_189, %iota3A : vector<16xi32>
        %gather3A = tpu.vector_load_idx %arg10[%add3A_190] : memref<16400xi32, #tpu.memory_space<vmem>>[vector<16xi32>], vector<16xi32>,
        %shift_right_arithmetic3A = arith.constant 10 : i32
        %shift_right_arithmetic3A_191 = vector.broadcast %shift_right_arithmetic3A : i32 to vector<16xi32>
        %shift_right_arithmetic3A_192 = arith.shrsi %gather3A, %shift_right_arithmetic3A_191 : vector<16xi32>
        %eq3A_193 = arith.constant 976 : i32
        %eq3A_194 = vector.broadcast %eq3A_193 : i32 to vector<16xi32>
        %eq3A_195 = arith.cmpi eq, %shift_right_arithmetic3A_192, %eq3A_194 : vector<16xi32>
        %reduce_or3A = arith.constant 1.000000e+00 : f32
        %reduce_or3A_196 = arith.constant 0.000000e+00 : f32
        %reduce_or3A_197 = vector.broadcast %reduce_or3A : f32 to vector<16xf32>
        %reduce_or3A_198 = vector.broadcast %reduce_or3A_196 : f32 to vector<16xf32>
        %reduce_or3A_199 = arith.select %eq3A_195, %reduce_or3A_197, %reduce_or3A_198 : vector<16xi1>, vector<16xf32>
        %reduce_or3A_200 = arith.constant true
        %reduce_or3A_201 = vector.broadcast %reduce_or3A_200 : i1 to vector<16xi1>
        %reduce_or3A_202 = tpu.scan <max>, %reduce_or3A_199 masked %reduce_or3A_201 : vector<16xf32>, vector<16xi1> -> vector<16xf32>
        %reduce_or3A_203 = vector.extract %reduce_or3A_202[15] : f32 from vector<16xf32>
        %reduce_or3A_204 = arith.constant 0.000000e+00 : f32
        %reduce_or3A_205 = arith.cmpf ogt, %reduce_or3A_203, %reduce_or3A_204 : f32
        %convert_element_type3A_206 = arith.extui %reduce_or3A_205 : i1 to i32
        %cond3A_207 = arith.constant 0 : i32
        %cond3A_208 = arith.cmpi ne, %convert_element_type3A_206, %cond3A_207 : i32
        %cond3A_209:2 = scf.if %cond3A_208 -> (i32, i32) {
          %while3A_210:3 = scf.while (%while3A_211 = %eq3A_195, %while3A_212 = %while3A_185, %while3A_213 = %while3A_186) : (vector<16xi1>, i32, i32) -> (vector<16xi1>, i32, i32) {
            %reduce_or3A_214 = arith.constant 1.000000e+00 : f32
            %reduce_or3A_215 = arith.constant 0.000000e+00 : f32
            %reduce_or3A_216 = vector.broadcast %reduce_or3A_214 : f32 to vector<16xf32>
            %reduce_or3A_217 = vector.broadcast %reduce_or3A_215 : f32 to vector<16xf32>
            %reduce_or3A_218 = arith.select %while3A_211, %reduce_or3A_216, %reduce_or3A_217 : vector<16xi1>, vector<16xf32>
            %reduce_or3A_219 = arith.constant true
            %reduce_or3A_220 = vector.broadcast %reduce_or3A_219 : i1 to vector<16xi1>
            %reduce_or3A_221 = tpu.scan <max>, %reduce_or3A_218 masked %reduce_or3A_220 : vector<16xf32>, vector<16xi1> -> vector<16xf32>
            %reduce_or3A_222 = vector.extract %reduce_or3A_221[15] : f32 from vector<16xf32>
            %reduce_or3A_223 = arith.constant 0.000000e+00 : f32
            %reduce_or3A_224 = arith.cmpf ogt, %reduce_or3A_222, %reduce_or3A_223 : f32
            scf.condition(%reduce_or3A_224) %while3A_211, %while3A_212, %while3A_213 : vector<16xi1>, i32, i32
          } do {
          ^bb0(%while3A_211: vector<16xi1>, %while3A_212: i32, %while3A_213: i32):
            %all_reduce_ffs3A = tpu.all_reduce %while3A_211 {dim = 0 : i64, kind = #tpu.reduction_kind<find_first_set>} : vector<16xi1> -> vector<16xi32>
            %eq3A_214 = arith.cmpi eq, %iota3A, %all_reduce_ffs3A : vector<16xi32>
            %jit3A_215 = arith.constant 0 : i32
            %broadcast_in_dim3A_216 = vector.broadcast %jit3A_215 : i32 to vector<16xi32>
            %select_n3A_217 = arith.select %eq3A_214, %gather3A, %broadcast_in_dim3A_216 : vector<16xi1>, vector<16xi32>
            %reduce_sum3A = arith.constant true
            %reduce_sum3A_218 = vector.broadcast %reduce_sum3A : i1 to vector<16xi1>
            %reduce_sum3A_219 = tpu.scan <sum>, %select_n3A_217 masked %reduce_sum3A_218 : vector<16xi32>, vector<16xi1> -> vector<16xi32>
            %reduce_sum3A_220 = vector.extract %reduce_sum3A_219[15] : i32 from vector<16xi32>
            %mul3A_221 = arith.constant 16 : i32
            %mul3A_222 = arith.muli %while3A_184, %mul3A_221 : i32
            %add3A_223 = vector.broadcast %mul3A_222 : i32 to vector<16xi32>
            %add3A_224 = arith.addi %add3A_223, %iota3A : vector<16xi32>
            %gather3A_225 = tpu.vector_load_idx %arg11[%add3A_224] : memref<16400xi32, #tpu.memory_space<vmem>>[vector<16xi32>], vector<16xi32>,
            %jit3A_226 = arith.constant 0 : i32
            %broadcast_in_dim3A_227 = vector.broadcast %jit3A_226 : i32 to vector<16xi32>
            %select_n3A_228 = arith.select %eq3A_214, %gather3A_225, %broadcast_in_dim3A_227 : vector<16xi1>, vector<16xi32>
            %reduce_sum3A_229 = arith.constant true
            %reduce_sum3A_230 = vector.broadcast %reduce_sum3A_229 : i1 to vector<16xi1>
            %reduce_sum3A_231 = tpu.scan <sum>, %select_n3A_228 masked %reduce_sum3A_230 : vector<16xi32>, vector<16xi1> -> vector<16xi32>
            %reduce_sum3A_232 = vector.extract %reduce_sum3A_231[15] : i32 from vector<16xi32>
            %broadcast_in_dim3A_233 = arith.constant 0 : i32
            %broadcast_in_dim3A_234 = vector.broadcast %broadcast_in_dim3A_233 : i32 to vector<16xi32>
            %sub3A_235 = arith.constant 999424 : i32
            %sub3A_236 = arith.subi %reduce_sum3A_220, %sub3A_235 : i32
            %add3A_237 = vector.broadcast %sub3A_236 : i32 to vector<16xi32>
            %add3A_238 = arith.addi %broadcast_in_dim3A_234, %add3A_237 : vector<16xi32>
            %mul3A_239 = arith.constant 576 : i32
            %mul3A_240 = vector.broadcast %mul3A_239 : i32 to vector<16xi32>
            %mul3A_241 = arith.muli %iota3A, %mul3A_240 : vector<16xi32>
            %add3A_242 = arith.addi %mul3A_241, %add3A_238 : vector<16xi32>
            %gather3A_243 = tpu.vector_load_idx %arg14[%add3A_242] : memref<18432xf32, #tpu.memory_space<vmem>>[vector<16xi32>], vector<16xf32>,
            %add3A_244 = arith.constant 16 : i32
            %add3A_245 = vector.broadcast %add3A_244 : i32 to vector<16xi32>
            %add3A_246 = arith.addi %add3A_245, %iota3A : vector<16xi32>
            %mul3A_247 = arith.constant 576 : i32
            %mul3A_248 = vector.broadcast %mul3A_247 : i32 to vector<16xi32>
            %mul3A_249 = arith.muli %add3A_246, %mul3A_248 : vector<16xi32>
            %add3A_250 = arith.addi %mul3A_249, %add3A_238 : vector<16xi32>
            %gather3A_251 = tpu.vector_load_idx %arg14[%add3A_250] : memref<18432xf32, #tpu.memory_space<vmem>>[vector<16xi32>], vector<16xf32>,
            %and3A_252 = arith.constant 511 : i32
            %and3A_253 = arith.andi %while3A_212, %and3A_252 : i32
            %mul3A_254 = arith.constant 32 : i32
            %mul3A_255 = arith.muli %and3A_253, %mul3A_254 : i32
            %add3A_256 = vector.broadcast %mul3A_255 : i32 to vector<16xi32>
            %add3A_257 = arith.addi %add3A_256, %iota3A : vector<16xi32>
            tpu.vector_store_idx %arg15[%add3A_257], %gather3A_243 : memref<16384xf32, #tpu.memory_space<vmem>>[vector<16xi32>], vector<16xf32>,
            %add3A_258 = arith.constant 16 : i32
            %add3A_259 = arith.addi %mul3A_255, %add3A_258 : i32
            %add3A_260 = vector.broadcast %add3A_259 : i32 to vector<16xi32>
            %add3A_261 = arith.addi %add3A_260, %iota3A : vector<16xi32>
            tpu.vector_store_idx %arg15[%add3A_261], %gather3A_251 : memref<16384xf32, #tpu.memory_space<vmem>>[vector<16xi32>], vector<16xf32>,
            %mul3A_262 = arith.constant 32 : i32
            %mul3A_263 = arith.muli %reduce_sum3A_232, %mul3A_262 : i32
            %add3A_264 = arith.constant 0 : i32
            %add3A_265 = arith.addi %add3A_264, %mul3A_263 : i32
            %dma_start3A = tpu.memref_slice %arg15[%mul3A_255] : memref<16384xf32, #tpu.memory_space<vmem>> -> memref<32xf32, #tpu.memory_space<vmem>>
            %dma_start3A_266 = tpu.memref_slice %arg8[%add3A_265] : memref<1114112xf32, #tpu.memory_space<hbm>> -> memref<32xf32, #tpu.memory_space<hbm>>
            %dma_start3A_267 = tpu.memref_slice %arg8[%add3A_265] : memref<1114112xf32, #tpu.memory_space<hbm>> -> memref<32xf32, #tpu.memory_space<hbm>>
            %dma_start3A_268 = tpu.memref_slice %arg15[%mul3A_255] : memref<16384xf32, #tpu.memory_space<vmem>> -> memref<32xf32, #tpu.memory_space<vmem>>
            tpu.enqueue_dma source(%dma_start3A_268 : memref<32xf32, #tpu.memory_space<vmem>>) target(%dma_start3A_267 : memref<32xf32, #tpu.memory_space<hbm>>) target_semaphore(%arg16 : memref<!tpu.dma_semaphore, #tpu.memory_space<semaphore_mem>>)
            %and3A_269 = arith.constant 511 : i32
            %and3A_270 = arith.andi %while3A_212, %and3A_269 : i32
            %eq3A_271 = arith.constant 511 : i32
            %eq3A_272 = arith.cmpi eq, %and3A_270, %eq3A_271 : i32
            %convert_element_type3A_273 = arith.extui %eq3A_272 : i1 to i32
            %cond3A_274 = arith.constant 0 : i32
            %cond3A_275 = arith.cmpi ne, %convert_element_type3A_273, %cond3A_274 : i32
            %cond3A_276 = scf.if %cond3A_275 -> (i32) {
              %dma_wait3A = arith.constant 0 : i32
              %dma_wait3A_281 = tpu.memref_slice %arg8[%dma_wait3A] : memref<1114112xf32, #tpu.memory_space<hbm>> -> memref<16384xf32, #tpu.memory_space<hbm>>
              %dma_wait3A_282 = arith.constant 0 : i32
              %dma_wait3A_283 = tpu.memref_slice %arg8[%dma_wait3A_282] : memref<1114112xf32, #tpu.memory_space<hbm>> -> memref<16384xf32, #tpu.memory_space<hbm>>
              tpu.wait_dma2 semaphore(%arg16 : memref<!tpu.dma_semaphore, #tpu.memory_space<semaphore_mem>>) src(%arg15 : memref<16384xf32, #tpu.memory_space<vmem>>) dst(%dma_wait3A_283 : memref<16384xf32, #tpu.memory_space<hbm>>)
              %add3A_284 = arith.constant 1 : i32
              %add3A_285 = arith.addi %while3A_212, %add3A_284 : i32
              scf.yield %add3A_285 : i32
            } else {
              scf.yield %while3A_213 : i32
            }
            %not3A = arith.constant dense<true> : vector<16xi1>
            %not3A_277 = arith.xori %eq3A_214, %not3A : vector<16xi1>
            %and3A_278 = arith.andi %while3A_211, %not3A_277 : vector<16xi1>
            %add3A_279 = arith.constant 1 : i32
            %add3A_280 = arith.addi %while3A_212, %add3A_279 : i32
            scf.yield %and3A_278, %add3A_280, %cond3A_276 : vector<16xi1>, i32, i32
          }
          scf.yield %while3A_210#1, %while3A_210#2 : i32, i32
        } else {
          scf.yield %while3A_185, %while3A_186 : i32, i32
        }
        scf.yield %cond3A_209#0, %cond3A_209#1 : i32, i32
      }
      scf.yield %while3A_183#0, %while3A_183#1 : i32, i32
    } else {
      scf.yield %scan3A_40#0, %scan3A_40#1 : i32, i32
    }
    %while3A = scf.while (%while3A_173 = %cond3A_44#0) : (i32) -> i32 {
      %and3A_174 = arith.constant 15 : i32
      %and3A_175 = arith.andi %while3A_173, %and3A_174 : i32
      %ne3A_176 = arith.constant 0 : i32
      %ne3A_177 = arith.cmpi ne, %and3A_175, %ne3A_176 : i32
      scf.condition(%ne3A_177) %while3A_173 : i32
    } do {
    ^bb0(%while3A_173: i32):
      %and3A_174 = arith.constant 511 : i32
      %and3A_175 = arith.andi %while3A_173, %and3A_174 : i32
      %mul3A_176 = arith.constant 32 : i32
      %mul3A_177 = arith.muli %and3A_175, %mul3A_176 : i32
      %mul3A_178 = arith.constant 2048 : i32
      %mul3A_179 = arith.muli %add3A, %mul3A_178 : i32
      %add3A_180 = arith.constant 1048576 : i32
      %add3A_181 = arith.addi %add3A_180, %mul3A_179 : i32
      %and3A_182 = arith.constant 63 : i32
      %and3A_183 = arith.andi %while3A_173, %and3A_182 : i32
      %mul3A_184 = arith.constant 32 : i32
      %mul3A_185 = arith.muli %and3A_183, %mul3A_184 : i32
      %add3A_186 = arith.addi %add3A_181, %mul3A_185 : i32
      %dma_start3A = tpu.memref_slice %arg15[%mul3A_177] : memref<16384xf32, #tpu.memory_space<vmem>> -> memref<32xf32, #tpu.memory_space<vmem>>
      %dma_start3A_187 = tpu.memref_slice %arg8[%add3A_186] : memref<1114112xf32, #tpu.memory_space<hbm>> -> memref<32xf32, #tpu.memory_space<hbm>>
      %dma_start3A_188 = tpu.memref_slice %arg8[%add3A_186] : memref<1114112xf32, #tpu.memory_space<hbm>> -> memref<32xf32, #tpu.memory_space<hbm>>
      %dma_start3A_189 = tpu.memref_slice %arg15[%mul3A_177] : memref<16384xf32, #tpu.memory_space<vmem>> -> memref<32xf32, #tpu.memory_space<vmem>>
      tpu.enqueue_dma source(%dma_start3A_189 : memref<32xf32, #tpu.memory_space<vmem>>) target(%dma_start3A_188 : memref<32xf32, #tpu.memory_space<hbm>>) target_semaphore(%arg16 : memref<!tpu.dma_semaphore, #tpu.memory_space<semaphore_mem>>)
      %add3A_190 = arith.constant 1 : i32
      %add3A_191 = arith.addi %while3A_173, %add3A_190 : i32
      scf.yield %add3A_191 : i32
    }
    %sub3A_45 = arith.subi %while3A, %cond3A_44#1 : i32
    %jit3A_46 = arith.constant 16 : i32
    %div3A_47 = arith.divsi %sub3A_45, %jit3A_46 : i32
    %sign3A_48 = arith.constant 0 : i32
    %sign3A_49 = arith.cmpi sgt, %sub3A_45, %sign3A_48 : i32
    %sign3A_50 = arith.extui %sign3A_49 : i1 to i32
    %sign3A_51 = arith.constant 0 : i32
    %sign3A_52 = arith.cmpi slt, %sub3A_45, %sign3A_51 : i32
    %sign3A_53 = arith.extui %sign3A_52 : i1 to i32
    %sign3A_54 = arith.subi %sign3A_50, %sign3A_53 : i32
    %sign3A_55 = arith.constant 0 : i32
    %sign3A_56 = arith.cmpi sgt, %jit3A_46, %sign3A_55 : i32
    %sign3A_57 = arith.extui %sign3A_56 : i1 to i32
    %sign3A_58 = arith.constant 0 : i32
    %sign3A_59 = arith.cmpi slt, %jit3A_46, %sign3A_58 : i32
    %sign3A_60 = arith.extui %sign3A_59 : i1 to i32
    %sign3A_61 = arith.subi %sign3A_57, %sign3A_60 : i32
    %ne3A_62 = arith.cmpi ne, %sign3A_54, %sign3A_61 : i32
    %rem3A_63 = arith.remsi %sub3A_45, %jit3A_46 : i32
    %ne3A_64 = arith.constant 0 : i32
    %ne3A_65 = arith.cmpi ne, %rem3A_63, %ne3A_64 : i32
    %and3A_66 = arith.andi %ne3A_62, %ne3A_65 : i1
    %sub3A_67 = arith.constant 1 : i32
    %sub3A_68 = arith.subi %div3A_47, %sub3A_67 : i32
    %select_n3A_69 = arith.select %and3A_66, %sub3A_68, %div3A_47 : i32
    %while3A_70 = arith.constant 0 : i32
    %while3A_71 = arith.constant 0 : i32
    %while3A_72 = arith.subi %select_n3A_69, %while3A_71 : i32
    %while3A_73 = arith.addi %while3A_71, %while3A_72 : i32
    %while3A_74 = arith.constant 1 : i32
    %while3A_75 = arith.divsi %while3A_72, %while3A_74 : i32
    %while3A_76 = arith.muli %while3A_75, %while3A_74 : i32
    %while3A_77 = arith.addi %while3A_71, %while3A_76 : i32
    %while3A_78 = arith.constant 1 : i32
    scf.for %while3A_173 = %while3A_71 to %while3A_77 step %while3A_78  : i32 {
      %dma_wait3A = arith.constant 0 : i32
      %dma_wait3A_174 = tpu.memref_slice %arg15[%dma_wait3A] : memref<16384xf32, #tpu.memory_space<vmem>> -> memref<512xf32, #tpu.memory_space<vmem>>
      %dma_wait3A_175 = arith.constant 0 : i32
      %dma_wait3A_176 = tpu.memref_slice %arg8[%dma_wait3A_175] : memref<1114112xf32, #tpu.memory_space<hbm>> -> memref<512xf32, #tpu.memory_space<hbm>>
      %dma_wait3A_177 = arith.constant 0 : i32
      %dma_wait3A_178 = tpu.memref_slice %arg8[%dma_wait3A_177] : memref<1114112xf32, #tpu.memory_space<hbm>> -> memref<512xf32, #tpu.memory_space<hbm>>
      %dma_wait3A_179 = arith.constant 0 : i32
      %dma_wait3A_180 = tpu.memref_slice %arg15[%dma_wait3A_179] : memref<16384xf32, #tpu.memory_space<vmem>> -> memref<512xf32, #tpu.memory_space<vmem>>
      tpu.wait_dma2 semaphore(%arg16 : memref<!tpu.dma_semaphore, #tpu.memory_space<semaphore_mem>>) src(%dma_wait3A_180 : memref<512xf32, #tpu.memory_space<vmem>>) dst(%dma_wait3A_178 : memref<512xf32, #tpu.memory_space<hbm>>)
    }
    %while3A_79 = arith.constant 1 : i32
    scf.for %while3A_173 = %while3A_77 to %while3A_73 step %while3A_79  : i32 {
      %dma_wait3A = arith.constant 0 : i32
      %dma_wait3A_174 = tpu.memref_slice %arg15[%dma_wait3A] : memref<16384xf32, #tpu.memory_space<vmem>> -> memref<512xf32, #tpu.memory_space<vmem>>
      %dma_wait3A_175 = arith.constant 0 : i32
      %dma_wait3A_176 = tpu.memref_slice %arg8[%dma_wait3A_175] : memref<1114112xf32, #tpu.memory_space<hbm>> -> memref<512xf32, #tpu.memory_space<hbm>>
      %dma_wait3A_177 = arith.constant 0 : i32
      %dma_wait3A_178 = tpu.memref_slice %arg8[%dma_wait3A_177] : memref<1114112xf32, #tpu.memory_space<hbm>> -> memref<512xf32, #tpu.memory_space<hbm>>
      %dma_wait3A_179 = arith.constant 0 : i32
      %dma_wait3A_180 = tpu.memref_slice %arg15[%dma_wait3A_179] : memref<16384xf32, #tpu.memory_space<vmem>> -> memref<512xf32, #tpu.memory_space<vmem>>
      tpu.wait_dma2 semaphore(%arg16 : memref<!tpu.dma_semaphore, #tpu.memory_space<semaphore_mem>>) src(%dma_wait3A_180 : memref<512xf32, #tpu.memory_space<vmem>>) dst(%dma_wait3A_178 : memref<512xf32, #tpu.memory_space<hbm>>)
    }
    "tpu.region"() ({
      %run_scoped3A = tpu.sem_alloc : memref<!tpu.dma_semaphore, #tpu.memory_space<semaphore_mem>>
      tpu.enqueue_dma source(%arg3 : memref<16384xi32, #tpu.memory_space<hbm>>) target(%arg9 : memref<16384xi32, #tpu.memory_space<vmem>>) target_semaphore(%run_scoped3A : memref<!tpu.dma_semaphore, #tpu.memory_space<semaphore_mem>>)
      tpu.wait_dma2 semaphore(%run_scoped3A : memref<!tpu.dma_semaphore, #tpu.memory_space<semaphore_mem>>) src(%arg3 : memref<16384xi32, #tpu.memory_space<hbm>>) dst(%arg9 : memref<16384xi32, #tpu.memory_space<vmem>>)
      tpu.yield
    }) : () -> ()
    %scan3A_80 = arith.constant 0 : i32
    %scan3A_81 = arith.constant 0 : i32
    %scan3A_82 = arith.constant 1024 : i32
    %scan3A_83 = arith.addi %scan3A_81, %scan3A_82 : i32
    %scan3A_84 = arith.constant 1 : i32
    %scan3A_85 = scf.for %scan3A_173 = %scan3A_81 to %scan3A_83 step %scan3A_84 iter_args(%scan3A_174 = %scan3A_80) -> (i32)  : i32 {
      %mul3A_175 = arith.constant 16 : i32
      %mul3A_176 = arith.muli %scan3A_173, %mul3A_175 : i32
      %add3A_177 = vector.broadcast %mul3A_176 : i32 to vector<16xi32>
      %add3A_178 = arith.addi %add3A_177, %iota3A : vector<16xi32>
      %gather3A = tpu.vector_load_idx %arg9[%add3A_178] : memref<16384xi32, #tpu.memory_space<vmem>>[vector<16xi32>], vector<16xi32>,
      %shift_right_arithmetic3A = arith.constant 10 : i32
      %shift_right_arithmetic3A_179 = vector.broadcast %shift_right_arithmetic3A : i32 to vector<16xi32>
      %shift_right_arithmetic3A_180 = arith.shrsi %gather3A, %shift_right_arithmetic3A_179 : vector<16xi32>
      %and3A_181 = arith.constant 31 : i32
      %and3A_182 = vector.broadcast %and3A_181 : i32 to vector<16xi32>
      %and3A_183 = arith.andi %shift_right_arithmetic3A_180, %and3A_182 : vector<16xi32>
      %eq3A_184 = vector.broadcast %add3A : i32 to vector<16xi32>
      %eq3A_185 = arith.cmpi eq, %and3A_183, %eq3A_184 : vector<16xi32>
      %jit3A_186 = arith.constant 1 : i32
      %jit3A_187 = arith.constant 0 : i32
      %broadcast_in_dim3A_188 = vector.broadcast %jit3A_186 : i32 to vector<16xi32>
      %broadcast_in_dim3A_189 = vector.broadcast %jit3A_187 : i32 to vector<16xi32>
      %select_n3A_190 = arith.select %eq3A_185, %broadcast_in_dim3A_188, %broadcast_in_dim3A_189 : vector<16xi1>, vector<16xi32>
      %broadcast_in_dim3A_191 = arith.constant true
      %broadcast_in_dim3A_192 = vector.broadcast %broadcast_in_dim3A_191 : i1 to vector<16xi1>
      %masked_cumsum3A = tpu.scan <sum>, %select_n3A_190 masked %broadcast_in_dim3A_192 : vector<16xi32>, vector<16xi1> -> vector<16xi32>
      %add3A_193 = vector.broadcast %scan3A_174 : i32 to vector<16xi32>
      %add3A_194 = arith.addi %add3A_193, %masked_cumsum3A : vector<16xi32>
      %sub3A_195 = arith.constant 1 : i32
      %sub3A_196 = vector.broadcast %sub3A_195 : i32 to vector<16xi32>
      %sub3A_197 = arith.subi %add3A_194, %sub3A_196 : vector<16xi32>
      tpu.vector_store_idx %arg10[%sub3A_197], %gather3A masked %eq3A_185 : memref<16400xi32, #tpu.memory_space<vmem>>[vector<16xi32>], vector<16xi32>, vector<16xi1>
      %mul3A_198 = arith.constant 16 : i32
      %mul3A_199 = arith.muli %scan3A_173, %mul3A_198 : i32
      %add3A_200 = vector.broadcast %mul3A_199 : i32 to vector<16xi32>
      %add3A_201 = arith.addi %add3A_200, %iota3A : vector<16xi32>
      tpu.vector_store_idx %arg11[%sub3A_197], %add3A_201 masked %eq3A_185 : memref<16400xi32, #tpu.memory_space<vmem>>[vector<16xi32>], vector<16xi32>, vector<16xi1>
      %slice3A = vector.extract_strided_slice %masked_cumsum3A {offsets = [15], sizes = [1], strides = [1]} : vector<16xi32> to vector<1xi32>
      %squeeze3A = vector.extract %slice3A[0] : i32 from vector<1xi32>
      %add3A_202 = arith.addi %scan3A_174, %squeeze3A : i32
      scf.yield %add3A_202 : i32
    }
    %scan3A_86 = arith.constant 1024 : i32
    %add3A_87 = vector.broadcast %scan3A_85 : i32 to vector<16xi32>
    %add3A_88 = arith.addi %add3A_87, %iota3A : vector<16xi32>
    %broadcast_in_dim3A_89 = arith.constant 2147483647 : i32
    %broadcast_in_dim3A_90 = vector.broadcast %broadcast_in_dim3A_89 : i32 to vector<16xi32>
    tpu.vector_store_idx %arg10[%add3A_88], %broadcast_in_dim3A_90 : memref<16400xi32, #tpu.memory_space<vmem>>[vector<16xi32>], vector<16xi32>,
    %add3A_91 = vector.broadcast %scan3A_85 : i32 to vector<16xi32>
    %add3A_92 = arith.addi %add3A_91, %iota3A : vector<16xi32>
    %broadcast_in_dim3A_93 = arith.constant 0 : i32
    %broadcast_in_dim3A_94 = vector.broadcast %broadcast_in_dim3A_93 : i32 to vector<16xi32>
    tpu.vector_store_idx %arg11[%add3A_92], %broadcast_in_dim3A_94 : memref<16400xi32, #tpu.memory_space<vmem>>[vector<16xi32>], vector<16xi32>,
    %add3A_95 = arith.constant 16 : i32
    %add3A_96 = arith.addi %scan3A_85, %add3A_95 : i32
    %sub3A_97 = arith.constant 1 : i32
    %sub3A_98 = arith.subi %add3A_96, %sub3A_97 : i32
    %jit3A_99 = arith.constant 16 : i32
    %div3A_100 = arith.divsi %sub3A_98, %jit3A_99 : i32
    %sign3A_101 = arith.constant 0 : i32
    %sign3A_102 = arith.cmpi sgt, %sub3A_98, %sign3A_101 : i32
    %sign3A_103 = arith.extui %sign3A_102 : i1 to i32
    %sign3A_104 = arith.constant 0 : i32
    %sign3A_105 = arith.cmpi slt, %sub3A_98, %sign3A_104 : i32
    %sign3A_106 = arith.extui %sign3A_105 : i1 to i32
    %sign3A_107 = arith.subi %sign3A_103, %sign3A_106 : i32
    %sign3A_108 = arith.constant 0 : i32
    %sign3A_109 = arith.cmpi sgt, %jit3A_99, %sign3A_108 : i32
    %sign3A_110 = arith.extui %sign3A_109 : i1 to i32
    %sign3A_111 = arith.constant 0 : i32
    %sign3A_112 = arith.cmpi slt, %jit3A_99, %sign3A_111 : i32
    %sign3A_113 = arith.extui %sign3A_112 : i1 to i32
    %sign3A_114 = arith.subi %sign3A_110, %sign3A_113 : i32
    %ne3A_115 = arith.cmpi ne, %sign3A_107, %sign3A_114 : i32
    %rem3A_116 = arith.remsi %sub3A_98, %jit3A_99 : i32
    %ne3A_117 = arith.constant 0 : i32
    %ne3A_118 = arith.cmpi ne, %rem3A_116, %ne3A_117 : i32
    %and3A_119 = arith.andi %ne3A_115, %ne3A_118 : i1
    %sub3A_120 = arith.constant 1 : i32
    %sub3A_121 = arith.subi %div3A_100, %sub3A_120 : i32
    %select_n3A_122 = arith.select %and3A_119, %sub3A_121, %div3A_100 : i32
    %scan3A_123 = arith.constant 0 : i32
    %scan3A_124 = arith.constant 0 : i32
    %scan3A_125 = arith.constant 0 : i32
    %scan3A_126 = arith.constant 31 : i32
    %scan3A_127 = arith.addi %scan3A_125, %scan3A_126 : i32
    %scan3A_128 = arith.constant 1 : i32
    %scan3A_129:2 = scf.for %scan3A_173 = %scan3A_125 to %scan3A_127 step %scan3A_128 iter_args(%scan3A_174 = %scan3A_123, %scan3A_175 = %scan3A_124) -> (i32, i32)  : i32 {
      %mul3A_176 = arith.constant 32 : i32
      %mul3A_177 = arith.muli %scan3A_173, %mul3A_176 : i32
      %add3A_178 = arith.addi %add3A, %mul3A_177 : i32
      %lt3A = arith.constant 976 : i32
      %lt3A_179 = arith.cmpi slt, %add3A_178, %lt3A : i32
      %convert_element_type3A_180 = arith.extui %lt3A_179 : i1 to i32
      %cond3A_181 = arith.constant 0 : i32
      %cond3A_182 = arith.cmpi ne, %convert_element_type3A_180, %cond3A_181 : i32
      %cond3A_183:2 = scf.if %cond3A_182 -> (i32, i32) {
        %mul3A_184 = arith.constant 1024 : i32
        %mul3A_185 = arith.muli %add3A_178, %mul3A_184 : i32
        %multiple_of3A = tpu.assume_multiple %mul3A_185, 1024 : i32
        %dma_start3A = arith.constant 0 : i32
        %dma_start3A_186 = tpu.memref_slice %arg5[%dma_start3A, %multiple_of3A] : memref<32x1000000xf32, #tpu.memory_space<hbm>> -> memref<16x1024xf32, #tpu.memory_space<hbm>>
        %dma_start3A_187 = arith.constant 0 : i32
        %dma_start3A_188 = tpu.memref_slice %arg5[%dma_start3A_187, %multiple_of3A] : memref<32x1000000xf32, #tpu.memory_space<hbm>> -> memref<16x1024xf32, #tpu.memory_space<hbm>>
        tpu.enqueue_dma source(%dma_start3A_188 : memref<16x1024xf32, #tpu.memory_space<hbm>>) target(%arg12 : memref<16x1024xf32, #tpu.memory_space<vmem>>) target_semaphore(%arg17 : memref<!tpu.dma_semaphore, #tpu.memory_space<semaphore_mem>>)
        %dma_start3A_189 = arith.constant 16 : i32
        %dma_start3A_190 = tpu.memref_slice %arg5[%dma_start3A_189, %multiple_of3A] : memref<32x1000000xf32, #tpu.memory_space<hbm>> -> memref<16x1024xf32, #tpu.memory_space<hbm>>
        %dma_start3A_191 = arith.constant 16 : i32
        %dma_start3A_192 = tpu.memref_slice %arg5[%dma_start3A_191, %multiple_of3A] : memref<32x1000000xf32, #tpu.memory_space<hbm>> -> memref<16x1024xf32, #tpu.memory_space<hbm>>
        tpu.enqueue_dma source(%dma_start3A_192 : memref<16x1024xf32, #tpu.memory_space<hbm>>) target(%arg13 : memref<16x1024xf32, #tpu.memory_space<vmem>>) target_semaphore(%arg17 : memref<!tpu.dma_semaphore, #tpu.memory_space<semaphore_mem>>)
        %dma_wait3A = arith.constant 0 : i32
        %dma_wait3A_193 = tpu.memref_slice %arg5[%dma_wait3A, %multiple_of3A] : memref<32x1000000xf32, #tpu.memory_space<hbm>> -> memref<16x1024xf32, #tpu.memory_space<hbm>>
        %dma_wait3A_194 = arith.constant 0 : i32
        %dma_wait3A_195 = tpu.memref_slice %arg5[%dma_wait3A_194, %multiple_of3A] : memref<32x1000000xf32, #tpu.memory_space<hbm>> -> memref<16x1024xf32, #tpu.memory_space<hbm>>
        tpu.wait_dma2 semaphore(%arg17 : memref<!tpu.dma_semaphore, #tpu.memory_space<semaphore_mem>>) src(%dma_wait3A_195 : memref<16x1024xf32, #tpu.memory_space<hbm>>) dst(%arg12 : memref<16x1024xf32, #tpu.memory_space<vmem>>)
        %dma_wait3A_196 = arith.constant 16 : i32
        %dma_wait3A_197 = tpu.memref_slice %arg5[%dma_wait3A_196, %multiple_of3A] : memref<32x1000000xf32, #tpu.memory_space<hbm>> -> memref<16x1024xf32, #tpu.memory_space<hbm>>
        %dma_wait3A_198 = arith.constant 16 : i32
        %dma_wait3A_199 = tpu.memref_slice %arg5[%dma_wait3A_198, %multiple_of3A] : memref<32x1000000xf32, #tpu.memory_space<hbm>> -> memref<16x1024xf32, #tpu.memory_space<hbm>>
        tpu.wait_dma2 semaphore(%arg17 : memref<!tpu.dma_semaphore, #tpu.memory_space<semaphore_mem>>) src(%dma_wait3A_199 : memref<16x1024xf32, #tpu.memory_space<hbm>>) dst(%arg13 : memref<16x1024xf32, #tpu.memory_space<vmem>>)
        %while3A_200 = arith.constant 0 : i32
        %while3A_201 = arith.subi %select_n3A_122, %while3A_200 : i32
        %while3A_202 = arith.addi %while3A_200, %while3A_201 : i32
        %while3A_203 = arith.constant 1 : i32
        %while3A_204 = arith.divsi %while3A_201, %while3A_203 : i32
        %while3A_205 = arith.muli %while3A_204, %while3A_203 : i32
        %while3A_206 = arith.addi %while3A_200, %while3A_205 : i32
        %while3A_207 = arith.constant 1 : i32
        %while3A_208:2 = scf.for %while3A_211 = %while3A_200 to %while3A_206 step %while3A_207 iter_args(%while3A_212 = %scan3A_174, %while3A_213 = %scan3A_175) -> (i32, i32)  : i32 {
          %mul3A_214 = arith.constant 16 : i32
          %mul3A_215 = arith.muli %while3A_211, %mul3A_214 : i32
          %add3A_216 = vector.broadcast %mul3A_215 : i32 to vector<16xi32>
          %add3A_217 = arith.addi %add3A_216, %iota3A : vector<16xi32>
          %gather3A = tpu.vector_load_idx %arg10[%add3A_217] : memref<16400xi32, #tpu.memory_space<vmem>>[vector<16xi32>], vector<16xi32>,
          %shift_right_arithmetic3A = arith.constant 10 : i32
          %shift_right_arithmetic3A_218 = vector.broadcast %shift_right_arithmetic3A : i32 to vector<16xi32>
          %shift_right_arithmetic3A_219 = arith.shrsi %gather3A, %shift_right_arithmetic3A_218 : vector<16xi32>
          %eq3A_220 = vector.broadcast %add3A_178 : i32 to vector<16xi32>
          %eq3A_221 = arith.cmpi eq, %shift_right_arithmetic3A_219, %eq3A_220 : vector<16xi32>
          %reduce_or3A = arith.constant 1.000000e+00 : f32
          %reduce_or3A_222 = arith.constant 0.000000e+00 : f32
          %reduce_or3A_223 = vector.broadcast %reduce_or3A : f32 to vector<16xf32>
          %reduce_or3A_224 = vector.broadcast %reduce_or3A_222 : f32 to vector<16xf32>
          %reduce_or3A_225 = arith.select %eq3A_221, %reduce_or3A_223, %reduce_or3A_224 : vector<16xi1>, vector<16xf32>
          %reduce_or3A_226 = arith.constant true
          %reduce_or3A_227 = vector.broadcast %reduce_or3A_226 : i1 to vector<16xi1>
          %reduce_or3A_228 = tpu.scan <max>, %reduce_or3A_225 masked %reduce_or3A_227 : vector<16xf32>, vector<16xi1> -> vector<16xf32>
          %reduce_or3A_229 = vector.extract %reduce_or3A_228[15] : f32 from vector<16xf32>
          %reduce_or3A_230 = arith.constant 0.000000e+00 : f32
          %reduce_or3A_231 = arith.cmpf ogt, %reduce_or3A_229, %reduce_or3A_230 : f32
          %convert_element_type3A_232 = arith.extui %reduce_or3A_231 : i1 to i32
          %cond3A_233 = arith.constant 0 : i32
          %cond3A_234 = arith.cmpi ne, %convert_element_type3A_232, %cond3A_233 : i32
          %cond3A_235:2 = scf.if %cond3A_234 -> (i32, i32) {
            %while3A_236:3 = scf.while (%while3A_237 = %eq3A_221, %while3A_238 = %while3A_212, %while3A_239 = %while3A_213) : (vector<16xi1>, i32, i32) -> (vector<16xi1>, i32, i32) {
              %reduce_or3A_240 = arith.constant 1.000000e+00 : f32
              %reduce_or3A_241 = arith.constant 0.000000e+00 : f32
              %reduce_or3A_242 = vector.broadcast %reduce_or3A_240 : f32 to vector<16xf32>
              %reduce_or3A_243 = vector.broadcast %reduce_or3A_241 : f32 to vector<16xf32>
              %reduce_or3A_244 = arith.select %while3A_237, %reduce_or3A_242, %reduce_or3A_243 : vector<16xi1>, vector<16xf32>
              %reduce_or3A_245 = arith.constant true
              %reduce_or3A_246 = vector.broadcast %reduce_or3A_245 : i1 to vector<16xi1>
              %reduce_or3A_247 = tpu.scan <max>, %reduce_or3A_244 masked %reduce_or3A_246 : vector<16xf32>, vector<16xi1> -> vector<16xf32>
              %reduce_or3A_248 = vector.extract %reduce_or3A_247[15] : f32 from vector<16xf32>
              %reduce_or3A_249 = arith.constant 0.000000e+00 : f32
              %reduce_or3A_250 = arith.cmpf ogt, %reduce_or3A_248, %reduce_or3A_249 : f32
              scf.condition(%reduce_or3A_250) %while3A_237, %while3A_238, %while3A_239 : vector<16xi1>, i32, i32
            } do {
            ^bb0(%while3A_237: vector<16xi1>, %while3A_238: i32, %while3A_239: i32):
              %all_reduce_ffs3A = tpu.all_reduce %while3A_237 {dim = 0 : i64, kind = #tpu.reduction_kind<find_first_set>} : vector<16xi1> -> vector<16xi32>
              %eq3A_240 = arith.cmpi eq, %iota3A, %all_reduce_ffs3A : vector<16xi32>
              %jit3A_241 = arith.constant 0 : i32
              %broadcast_in_dim3A_242 = vector.broadcast %jit3A_241 : i32 to vector<16xi32>
              %select_n3A_243 = arith.select %eq3A_240, %gather3A, %broadcast_in_dim3A_242 : vector<16xi1>, vector<16xi32>
              %reduce_sum3A = arith.constant true
              %reduce_sum3A_244 = vector.broadcast %reduce_sum3A : i1 to vector<16xi1>
              %reduce_sum3A_245 = tpu.scan <sum>, %select_n3A_243 masked %reduce_sum3A_244 : vector<16xi32>, vector<16xi1> -> vector<16xi32>
              %reduce_sum3A_246 = vector.extract %reduce_sum3A_245[15] : i32 from vector<16xi32>
              %mul3A_247 = arith.constant 16 : i32
              %mul3A_248 = arith.muli %while3A_211, %mul3A_247 : i32
              %add3A_249 = vector.broadcast %mul3A_248 : i32 to vector<16xi32>
              %add3A_250 = arith.addi %add3A_249, %iota3A : vector<16xi32>
              %gather3A_251 = tpu.vector_load_idx %arg11[%add3A_250] : memref<16400xi32, #tpu.memory_space<vmem>>[vector<16xi32>], vector<16xi32>,
              %jit3A_252 = arith.constant 0 : i32
              %broadcast_in_dim3A_253 = vector.broadcast %jit3A_252 : i32 to vector<16xi32>
              %select_n3A_254 = arith.select %eq3A_240, %gather3A_251, %broadcast_in_dim3A_253 : vector<16xi1>, vector<16xi32>
              %reduce_sum3A_255 = arith.constant true
              %reduce_sum3A_256 = vector.broadcast %reduce_sum3A_255 : i1 to vector<16xi1>
              %reduce_sum3A_257 = tpu.scan <sum>, %select_n3A_254 masked %reduce_sum3A_256 : vector<16xi32>, vector<16xi1> -> vector<16xi32>
              %reduce_sum3A_258 = vector.extract %reduce_sum3A_257[15] : i32 from vector<16xi32>
              %broadcast_in_dim3A_259 = arith.constant 0 : i32
              %broadcast_in_dim3A_260 = vector.broadcast %broadcast_in_dim3A_259 : i32 to vector<16xi32>
              %mul3A_261 = arith.constant 1024 : i32
              %mul3A_262 = arith.muli %add3A_178, %mul3A_261 : i32
              %sub3A_263 = arith.subi %reduce_sum3A_246, %mul3A_262 : i32
              %add3A_264 = vector.broadcast %sub3A_263 : i32 to vector<16xi32>
              %add3A_265 = arith.addi %broadcast_in_dim3A_260, %add3A_264 : vector<16xi32>
              %gather3A_266 = tpu.vector_load_idx %arg12[%iota3A, %add3A_265] : memref<16x1024xf32, #tpu.memory_space<vmem>>[vector<16xi32>, vector<16xi32>], vector<16xf32>,
              %gather3A_267 = tpu.vector_load_idx %arg13[%iota3A, %add3A_265] : memref<16x1024xf32, #tpu.memory_space<vmem>>[vector<16xi32>, vector<16xi32>], vector<16xf32>,
              %and3A_268 = arith.constant 511 : i32
              %and3A_269 = arith.andi %while3A_238, %and3A_268 : i32
              %mul3A_270 = arith.constant 32 : i32
              %mul3A_271 = arith.muli %and3A_269, %mul3A_270 : i32
              %add3A_272 = vector.broadcast %mul3A_271 : i32 to vector<16xi32>
              %add3A_273 = arith.addi %add3A_272, %iota3A : vector<16xi32>
              tpu.vector_store_idx %arg15[%add3A_273], %gather3A_266 : memref<16384xf32, #tpu.memory_space<vmem>>[vector<16xi32>], vector<16xf32>,
              %add3A_274 = arith.constant 16 : i32
              %add3A_275 = arith.addi %mul3A_271, %add3A_274 : i32
              %add3A_276 = vector.broadcast %add3A_275 : i32 to vector<16xi32>
              %add3A_277 = arith.addi %add3A_276, %iota3A : vector<16xi32>
              tpu.vector_store_idx %arg15[%add3A_277], %gather3A_267 : memref<16384xf32, #tpu.memory_space<vmem>>[vector<16xi32>], vector<16xf32>,
              %mul3A_278 = arith.constant 32 : i32
              %mul3A_279 = arith.muli %reduce_sum3A_258, %mul3A_278 : i32
              %add3A_280 = arith.constant 524288 : i32
              %add3A_281 = arith.addi %add3A_280, %mul3A_279 : i32
              %dma_start3A_282 = tpu.memref_slice %arg15[%mul3A_271] : memref<16384xf32, #tpu.memory_space<vmem>> -> memref<32xf32, #tpu.memory_space<vmem>>
              %dma_start3A_283 = tpu.memref_slice %arg8[%add3A_281] : memref<1114112xf32, #tpu.memory_space<hbm>> -> memref<32xf32, #tpu.memory_space<hbm>>
              %dma_start3A_284 = tpu.memref_slice %arg8[%add3A_281] : memref<1114112xf32, #tpu.memory_space<hbm>> -> memref<32xf32, #tpu.memory_space<hbm>>
              %dma_start3A_285 = tpu.memref_slice %arg15[%mul3A_271] : memref<16384xf32, #tpu.memory_space<vmem>> -> memref<32xf32, #tpu.memory_space<vmem>>
              tpu.enqueue_dma source(%dma_start3A_285 : memref<32xf32, #tpu.memory_space<vmem>>) target(%dma_start3A_284 : memref<32xf32, #tpu.memory_space<hbm>>) target_semaphore(%arg16 : memref<!tpu.dma_semaphore, #tpu.memory_space<semaphore_mem>>)
              %and3A_286 = arith.constant 511 : i32
              %and3A_287 = arith.andi %while3A_238, %and3A_286 : i32
              %eq3A_288 = arith.constant 511 : i32
              %eq3A_289 = arith.cmpi eq, %and3A_287, %eq3A_288 : i32
              %convert_element_type3A_290 = arith.extui %eq3A_289 : i1 to i32
              %cond3A_291 = arith.constant 0 : i32
              %cond3A_292 = arith.cmpi ne, %convert_element_type3A_290, %cond3A_291 : i32
              %cond3A_293 = scf.if %cond3A_292 -> (i32) {
                %dma_wait3A_298 = arith.constant 0 : i32
                %dma_wait3A_299 = tpu.memref_slice %arg8[%dma_wait3A_298] : memref<1114112xf32, #tpu.memory_space<hbm>> -> memref<16384xf32, #tpu.memory_space<hbm>>
                %dma_wait3A_300 = arith.constant 0 : i32
                %dma_wait3A_301 = tpu.memref_slice %arg8[%dma_wait3A_300] : memref<1114112xf32, #tpu.memory_space<hbm>> -> memref<16384xf32, #tpu.memory_space<hbm>>
                tpu.wait_dma2 semaphore(%arg16 : memref<!tpu.dma_semaphore, #tpu.memory_space<semaphore_mem>>) src(%arg15 : memref<16384xf32, #tpu.memory_space<vmem>>) dst(%dma_wait3A_301 : memref<16384xf32, #tpu.memory_space<hbm>>)
                %add3A_302 = arith.constant 1 : i32
                %add3A_303 = arith.addi %while3A_238, %add3A_302 : i32
                scf.yield %add3A_303 : i32
              } else {
                scf.yield %while3A_239 : i32
              }
              %not3A = arith.constant dense<true> : vector<16xi1>
              %not3A_294 = arith.xori %eq3A_240, %not3A : vector<16xi1>
              %and3A_295 = arith.andi %while3A_237, %not3A_294 : vector<16xi1>
              %add3A_296 = arith.constant 1 : i32
              %add3A_297 = arith.addi %while3A_238, %add3A_296 : i32
              scf.yield %and3A_295, %add3A_297, %cond3A_293 : vector<16xi1>, i32, i32
            }
            scf.yield %while3A_236#1, %while3A_236#2 : i32, i32
          } else {
            scf.yield %while3A_212, %while3A_213 : i32, i32
          }
          scf.yield %cond3A_235#0, %cond3A_235#1 : i32, i32
        }
        %while3A_209 = arith.constant 1 : i32
        %while3A_210:2 = scf.for %while3A_211 = %while3A_206 to %while3A_202 step %while3A_209 iter_args(%while3A_212 = %while3A_208#0, %while3A_213 = %while3A_208#1) -> (i32, i32)  : i32 {
          %mul3A_214 = arith.constant 16 : i32
          %mul3A_215 = arith.muli %while3A_211, %mul3A_214 : i32
          %add3A_216 = vector.broadcast %mul3A_215 : i32 to vector<16xi32>
          %add3A_217 = arith.addi %add3A_216, %iota3A : vector<16xi32>
          %gather3A = tpu.vector_load_idx %arg10[%add3A_217] : memref<16400xi32, #tpu.memory_space<vmem>>[vector<16xi32>], vector<16xi32>,
          %shift_right_arithmetic3A = arith.constant 10 : i32
          %shift_right_arithmetic3A_218 = vector.broadcast %shift_right_arithmetic3A : i32 to vector<16xi32>
          %shift_right_arithmetic3A_219 = arith.shrsi %gather3A, %shift_right_arithmetic3A_218 : vector<16xi32>
          %eq3A_220 = vector.broadcast %add3A_178 : i32 to vector<16xi32>
          %eq3A_221 = arith.cmpi eq, %shift_right_arithmetic3A_219, %eq3A_220 : vector<16xi32>
          %reduce_or3A = arith.constant 1.000000e+00 : f32
          %reduce_or3A_222 = arith.constant 0.000000e+00 : f32
          %reduce_or3A_223 = vector.broadcast %reduce_or3A : f32 to vector<16xf32>
          %reduce_or3A_224 = vector.broadcast %reduce_or3A_222 : f32 to vector<16xf32>
          %reduce_or3A_225 = arith.select %eq3A_221, %reduce_or3A_223, %reduce_or3A_224 : vector<16xi1>, vector<16xf32>
          %reduce_or3A_226 = arith.constant true
          %reduce_or3A_227 = vector.broadcast %reduce_or3A_226 : i1 to vector<16xi1>
          %reduce_or3A_228 = tpu.scan <max>, %reduce_or3A_225 masked %reduce_or3A_227 : vector<16xf32>, vector<16xi1> -> vector<16xf32>
          %reduce_or3A_229 = vector.extract %reduce_or3A_228[15] : f32 from vector<16xf32>
          %reduce_or3A_230 = arith.constant 0.000000e+00 : f32
          %reduce_or3A_231 = arith.cmpf ogt, %reduce_or3A_229, %reduce_or3A_230 : f32
          %convert_element_type3A_232 = arith.extui %reduce_or3A_231 : i1 to i32
          %cond3A_233 = arith.constant 0 : i32
          %cond3A_234 = arith.cmpi ne, %convert_element_type3A_232, %cond3A_233 : i32
          %cond3A_235:2 = scf.if %cond3A_234 -> (i32, i32) {
            %while3A_236:3 = scf.while (%while3A_237 = %eq3A_221, %while3A_238 = %while3A_212, %while3A_239 = %while3A_213) : (vector<16xi1>, i32, i32) -> (vector<16xi1>, i32, i32) {
              %reduce_or3A_240 = arith.constant 1.000000e+00 : f32
              %reduce_or3A_241 = arith.constant 0.000000e+00 : f32
              %reduce_or3A_242 = vector.broadcast %reduce_or3A_240 : f32 to vector<16xf32>
              %reduce_or3A_243 = vector.broadcast %reduce_or3A_241 : f32 to vector<16xf32>
              %reduce_or3A_244 = arith.select %while3A_237, %reduce_or3A_242, %reduce_or3A_243 : vector<16xi1>, vector<16xf32>
              %reduce_or3A_245 = arith.constant true
              %reduce_or3A_246 = vector.broadcast %reduce_or3A_245 : i1 to vector<16xi1>
              %reduce_or3A_247 = tpu.scan <max>, %reduce_or3A_244 masked %reduce_or3A_246 : vector<16xf32>, vector<16xi1> -> vector<16xf32>
              %reduce_or3A_248 = vector.extract %reduce_or3A_247[15] : f32 from vector<16xf32>
              %reduce_or3A_249 = arith.constant 0.000000e+00 : f32
              %reduce_or3A_250 = arith.cmpf ogt, %reduce_or3A_248, %reduce_or3A_249 : f32
              scf.condition(%reduce_or3A_250) %while3A_237, %while3A_238, %while3A_239 : vector<16xi1>, i32, i32
            } do {
            ^bb0(%while3A_237: vector<16xi1>, %while3A_238: i32, %while3A_239: i32):
              %all_reduce_ffs3A = tpu.all_reduce %while3A_237 {dim = 0 : i64, kind = #tpu.reduction_kind<find_first_set>} : vector<16xi1> -> vector<16xi32>
              %eq3A_240 = arith.cmpi eq, %iota3A, %all_reduce_ffs3A : vector<16xi32>
              %jit3A_241 = arith.constant 0 : i32
              %broadcast_in_dim3A_242 = vector.broadcast %jit3A_241 : i32 to vector<16xi32>
              %select_n3A_243 = arith.select %eq3A_240, %gather3A, %broadcast_in_dim3A_242 : vector<16xi1>, vector<16xi32>
              %reduce_sum3A = arith.constant true
              %reduce_sum3A_244 = vector.broadcast %reduce_sum3A : i1 to vector<16xi1>
              %reduce_sum3A_245 = tpu.scan <sum>, %select_n3A_243 masked %reduce_sum3A_244 : vector<16xi32>, vector<16xi1> -> vector<16xi32>
              %reduce_sum3A_246 = vector.extract %reduce_sum3A_245[15] : i32 from vector<16xi32>
              %mul3A_247 = arith.constant 16 : i32
              %mul3A_248 = arith.muli %while3A_211, %mul3A_247 : i32
              %add3A_249 = vector.broadcast %mul3A_248 : i32 to vector<16xi32>
              %add3A_250 = arith.addi %add3A_249, %iota3A : vector<16xi32>
              %gather3A_251 = tpu.vector_load_idx %arg11[%add3A_250] : memref<16400xi32, #tpu.memory_space<vmem>>[vector<16xi32>], vector<16xi32>,
              %jit3A_252 = arith.constant 0 : i32
              %broadcast_in_dim3A_253 = vector.broadcast %jit3A_252 : i32 to vector<16xi32>
              %select_n3A_254 = arith.select %eq3A_240, %gather3A_251, %broadcast_in_dim3A_253 : vector<16xi1>, vector<16xi32>
              %reduce_sum3A_255 = arith.constant true
              %reduce_sum3A_256 = vector.broadcast %reduce_sum3A_255 : i1 to vector<16xi1>
              %reduce_sum3A_257 = tpu.scan <sum>, %select_n3A_254 masked %reduce_sum3A_256 : vector<16xi32>, vector<16xi1> -> vector<16xi32>
              %reduce_sum3A_258 = vector.extract %reduce_sum3A_257[15] : i32 from vector<16xi32>
              %broadcast_in_dim3A_259 = arith.constant 0 : i32
              %broadcast_in_dim3A_260 = vector.broadcast %broadcast_in_dim3A_259 : i32 to vector<16xi32>
              %mul3A_261 = arith.constant 1024 : i32
              %mul3A_262 = arith.muli %add3A_178, %mul3A_261 : i32
              %sub3A_263 = arith.subi %reduce_sum3A_246, %mul3A_262 : i32
              %add3A_264 = vector.broadcast %sub3A_263 : i32 to vector<16xi32>
              %add3A_265 = arith.addi %broadcast_in_dim3A_260, %add3A_264 : vector<16xi32>
              %gather3A_266 = tpu.vector_load_idx %arg12[%iota3A, %add3A_265] : memref<16x1024xf32, #tpu.memory_space<vmem>>[vector<16xi32>, vector<16xi32>], vector<16xf32>,
              %gather3A_267 = tpu.vector_load_idx %arg13[%iota3A, %add3A_265] : memref<16x1024xf32, #tpu.memory_space<vmem>>[vector<16xi32>, vector<16xi32>], vector<16xf32>,
              %and3A_268 = arith.constant 511 : i32
              %and3A_269 = arith.andi %while3A_238, %and3A_268 : i32
              %mul3A_270 = arith.constant 32 : i32
              %mul3A_271 = arith.muli %and3A_269, %mul3A_270 : i32
              %add3A_272 = vector.broadcast %mul3A_271 : i32 to vector<16xi32>
              %add3A_273 = arith.addi %add3A_272, %iota3A : vector<16xi32>
              tpu.vector_store_idx %arg15[%add3A_273], %gather3A_266 : memref<16384xf32, #tpu.memory_space<vmem>>[vector<16xi32>], vector<16xf32>,
              %add3A_274 = arith.constant 16 : i32
              %add3A_275 = arith.addi %mul3A_271, %add3A_274 : i32
              %add3A_276 = vector.broadcast %add3A_275 : i32 to vector<16xi32>
              %add3A_277 = arith.addi %add3A_276, %iota3A : vector<16xi32>
              tpu.vector_store_idx %arg15[%add3A_277], %gather3A_267 : memref<16384xf32, #tpu.memory_space<vmem>>[vector<16xi32>], vector<16xf32>,
              %mul3A_278 = arith.constant 32 : i32
              %mul3A_279 = arith.muli %reduce_sum3A_258, %mul3A_278 : i32
              %add3A_280 = arith.constant 524288 : i32
              %add3A_281 = arith.addi %add3A_280, %mul3A_279 : i32
              %dma_start3A_282 = tpu.memref_slice %arg15[%mul3A_271] : memref<16384xf32, #tpu.memory_space<vmem>> -> memref<32xf32, #tpu.memory_space<vmem>>
              %dma_start3A_283 = tpu.memref_slice %arg8[%add3A_281] : memref<1114112xf32, #tpu.memory_space<hbm>> -> memref<32xf32, #tpu.memory_space<hbm>>
              %dma_start3A_284 = tpu.memref_slice %arg8[%add3A_281] : memref<1114112xf32, #tpu.memory_space<hbm>> -> memref<32xf32, #tpu.memory_space<hbm>>
              %dma_start3A_285 = tpu.memref_slice %arg15[%mul3A_271] : memref<16384xf32, #tpu.memory_space<vmem>> -> memref<32xf32, #tpu.memory_space<vmem>>
              tpu.enqueue_dma source(%dma_start3A_285 : memref<32xf32, #tpu.memory_space<vmem>>) target(%dma_start3A_284 : memref<32xf32, #tpu.memory_space<hbm>>) target_semaphore(%arg16 : memref<!tpu.dma_semaphore, #tpu.memory_space<semaphore_mem>>)
              %and3A_286 = arith.constant 511 : i32
              %and3A_287 = arith.andi %while3A_238, %and3A_286 : i32
              %eq3A_288 = arith.constant 511 : i32
              %eq3A_289 = arith.cmpi eq, %and3A_287, %eq3A_288 : i32
              %convert_element_type3A_290 = arith.extui %eq3A_289 : i1 to i32
              %cond3A_291 = arith.constant 0 : i32
              %cond3A_292 = arith.cmpi ne, %convert_element_type3A_290, %cond3A_291 : i32
              %cond3A_293 = scf.if %cond3A_292 -> (i32) {
                %dma_wait3A_298 = arith.constant 0 : i32
                %dma_wait3A_299 = tpu.memref_slice %arg8[%dma_wait3A_298] : memref<1114112xf32, #tpu.memory_space<hbm>> -> memref<16384xf32, #tpu.memory_space<hbm>>
                %dma_wait3A_300 = arith.constant 0 : i32
                %dma_wait3A_301 = tpu.memref_slice %arg8[%dma_wait3A_300] : memref<1114112xf32, #tpu.memory_space<hbm>> -> memref<16384xf32, #tpu.memory_space<hbm>>
                tpu.wait_dma2 semaphore(%arg16 : memref<!tpu.dma_semaphore, #tpu.memory_space<semaphore_mem>>) src(%arg15 : memref<16384xf32, #tpu.memory_space<vmem>>) dst(%dma_wait3A_301 : memref<16384xf32, #tpu.memory_space<hbm>>)
                %add3A_302 = arith.constant 1 : i32
                %add3A_303 = arith.addi %while3A_238, %add3A_302 : i32
                scf.yield %add3A_303 : i32
              } else {
                scf.yield %while3A_239 : i32
              }
              %not3A = arith.constant dense<true> : vector<16xi1>
              %not3A_294 = arith.xori %eq3A_240, %not3A : vector<16xi1>
              %and3A_295 = arith.andi %while3A_237, %not3A_294 : vector<16xi1>
              %add3A_296 = arith.constant 1 : i32
              %add3A_297 = arith.addi %while3A_238, %add3A_296 : i32
              scf.yield %and3A_295, %add3A_297, %cond3A_293 : vector<16xi1>, i32, i32
            }
            scf.yield %while3A_236#1, %while3A_236#2 : i32, i32
          } else {
            scf.yield %while3A_212, %while3A_213 : i32, i32
          }
          scf.yield %cond3A_235#0, %cond3A_235#1 : i32, i32
        }
        scf.yield %while3A_210#0, %while3A_210#1 : i32, i32
      } else {
        scf.yield %scan3A_174, %scan3A_175 : i32, i32
      }
      scf.yield %cond3A_183#0, %cond3A_183#1 : i32, i32
    }
    %scan3A_130 = arith.constant 31 : i32
    %eq3A_131 = arith.constant 16 : i32
    %eq3A_132 = arith.cmpi eq, %add3A, %eq3A_131 : i32
    %convert_element_type3A_133 = arith.extui %eq3A_132 : i1 to i32
    %cond3A_134 = arith.constant 0 : i32
    %cond3A_135 = arith.cmpi ne, %convert_element_type3A_133, %cond3A_134 : i32
    %cond3A_136:2 = scf.if %cond3A_135 -> (i32, i32) {
      "tpu.region"() ({
        %run_scoped3A = tpu.sem_alloc : memref<!tpu.dma_semaphore, #tpu.memory_space<semaphore_mem>>
        tpu.enqueue_dma source(%arg7 : memref<18432xf32, #tpu.memory_space<hbm>>) target(%arg14 : memref<18432xf32, #tpu.memory_space<vmem>>) target_semaphore(%run_scoped3A : memref<!tpu.dma_semaphore, #tpu.memory_space<semaphore_mem>>)
        tpu.wait_dma2 semaphore(%run_scoped3A : memref<!tpu.dma_semaphore, #tpu.memory_space<semaphore_mem>>) src(%arg7 : memref<18432xf32, #tpu.memory_space<hbm>>) dst(%arg14 : memref<18432xf32, #tpu.memory_space<vmem>>)
        tpu.yield
      }) : () -> ()
      %while3A_173 = arith.constant 0 : i32
      %while3A_174 = arith.subi %select_n3A_122, %while3A_173 : i32
      %while3A_175 = arith.addi %while3A_173, %while3A_174 : i32
      %while3A_176 = arith.constant 1 : i32
      %while3A_177 = arith.divsi %while3A_174, %while3A_176 : i32
      %while3A_178 = arith.muli %while3A_177, %while3A_176 : i32
      %while3A_179 = arith.addi %while3A_173, %while3A_178 : i32
      %while3A_180 = arith.constant 1 : i32
      %while3A_181:2 = scf.for %while3A_184 = %while3A_173 to %while3A_179 step %while3A_180 iter_args(%while3A_185 = %scan3A_129#0, %while3A_186 = %scan3A_129#1) -> (i32, i32)  : i32 {
        %mul3A_187 = arith.constant 16 : i32
        %mul3A_188 = arith.muli %while3A_184, %mul3A_187 : i32
        %add3A_189 = vector.broadcast %mul3A_188 : i32 to vector<16xi32>
        %add3A_190 = arith.addi %add3A_189, %iota3A : vector<16xi32>
        %gather3A = tpu.vector_load_idx %arg10[%add3A_190] : memref<16400xi32, #tpu.memory_space<vmem>>[vector<16xi32>], vector<16xi32>,
        %shift_right_arithmetic3A = arith.constant 10 : i32
        %shift_right_arithmetic3A_191 = vector.broadcast %shift_right_arithmetic3A : i32 to vector<16xi32>
        %shift_right_arithmetic3A_192 = arith.shrsi %gather3A, %shift_right_arithmetic3A_191 : vector<16xi32>
        %eq3A_193 = arith.constant 976 : i32
        %eq3A_194 = vector.broadcast %eq3A_193 : i32 to vector<16xi32>
        %eq3A_195 = arith.cmpi eq, %shift_right_arithmetic3A_192, %eq3A_194 : vector<16xi32>
        %reduce_or3A = arith.constant 1.000000e+00 : f32
        %reduce_or3A_196 = arith.constant 0.000000e+00 : f32
        %reduce_or3A_197 = vector.broadcast %reduce_or3A : f32 to vector<16xf32>
        %reduce_or3A_198 = vector.broadcast %reduce_or3A_196 : f32 to vector<16xf32>
        %reduce_or3A_199 = arith.select %eq3A_195, %reduce_or3A_197, %reduce_or3A_198 : vector<16xi1>, vector<16xf32>
        %reduce_or3A_200 = arith.constant true
        %reduce_or3A_201 = vector.broadcast %reduce_or3A_200 : i1 to vector<16xi1>
        %reduce_or3A_202 = tpu.scan <max>, %reduce_or3A_199 masked %reduce_or3A_201 : vector<16xf32>, vector<16xi1> -> vector<16xf32>
        %reduce_or3A_203 = vector.extract %reduce_or3A_202[15] : f32 from vector<16xf32>
        %reduce_or3A_204 = arith.constant 0.000000e+00 : f32
        %reduce_or3A_205 = arith.cmpf ogt, %reduce_or3A_203, %reduce_or3A_204 : f32
        %convert_element_type3A_206 = arith.extui %reduce_or3A_205 : i1 to i32
        %cond3A_207 = arith.constant 0 : i32
        %cond3A_208 = arith.cmpi ne, %convert_element_type3A_206, %cond3A_207 : i32
        %cond3A_209:2 = scf.if %cond3A_208 -> (i32, i32) {
          %while3A_210:3 = scf.while (%while3A_211 = %eq3A_195, %while3A_212 = %while3A_185, %while3A_213 = %while3A_186) : (vector<16xi1>, i32, i32) -> (vector<16xi1>, i32, i32) {
            %reduce_or3A_214 = arith.constant 1.000000e+00 : f32
            %reduce_or3A_215 = arith.constant 0.000000e+00 : f32
            %reduce_or3A_216 = vector.broadcast %reduce_or3A_214 : f32 to vector<16xf32>
            %reduce_or3A_217 = vector.broadcast %reduce_or3A_215 : f32 to vector<16xf32>
            %reduce_or3A_218 = arith.select %while3A_211, %reduce_or3A_216, %reduce_or3A_217 : vector<16xi1>, vector<16xf32>
            %reduce_or3A_219 = arith.constant true
            %reduce_or3A_220 = vector.broadcast %reduce_or3A_219 : i1 to vector<16xi1>
            %reduce_or3A_221 = tpu.scan <max>, %reduce_or3A_218 masked %reduce_or3A_220 : vector<16xf32>, vector<16xi1> -> vector<16xf32>
            %reduce_or3A_222 = vector.extract %reduce_or3A_221[15] : f32 from vector<16xf32>
            %reduce_or3A_223 = arith.constant 0.000000e+00 : f32
            %reduce_or3A_224 = arith.cmpf ogt, %reduce_or3A_222, %reduce_or3A_223 : f32
            scf.condition(%reduce_or3A_224) %while3A_211, %while3A_212, %while3A_213 : vector<16xi1>, i32, i32
          } do {
          ^bb0(%while3A_211: vector<16xi1>, %while3A_212: i32, %while3A_213: i32):
            %all_reduce_ffs3A = tpu.all_reduce %while3A_211 {dim = 0 : i64, kind = #tpu.reduction_kind<find_first_set>} : vector<16xi1> -> vector<16xi32>
            %eq3A_214 = arith.cmpi eq, %iota3A, %all_reduce_ffs3A : vector<16xi32>
            %jit3A_215 = arith.constant 0 : i32
            %broadcast_in_dim3A_216 = vector.broadcast %jit3A_215 : i32 to vector<16xi32>
            %select_n3A_217 = arith.select %eq3A_214, %gather3A, %broadcast_in_dim3A_216 : vector<16xi1>, vector<16xi32>
            %reduce_sum3A = arith.constant true
            %reduce_sum3A_218 = vector.broadcast %reduce_sum3A : i1 to vector<16xi1>
            %reduce_sum3A_219 = tpu.scan <sum>, %select_n3A_217 masked %reduce_sum3A_218 : vector<16xi32>, vector<16xi1> -> vector<16xi32>
            %reduce_sum3A_220 = vector.extract %reduce_sum3A_219[15] : i32 from vector<16xi32>
            %mul3A_221 = arith.constant 16 : i32
            %mul3A_222 = arith.muli %while3A_184, %mul3A_221 : i32
            %add3A_223 = vector.broadcast %mul3A_222 : i32 to vector<16xi32>
            %add3A_224 = arith.addi %add3A_223, %iota3A : vector<16xi32>
            %gather3A_225 = tpu.vector_load_idx %arg11[%add3A_224] : memref<16400xi32, #tpu.memory_space<vmem>>[vector<16xi32>], vector<16xi32>,
            %jit3A_226 = arith.constant 0 : i32
            %broadcast_in_dim3A_227 = vector.broadcast %jit3A_226 : i32 to vector<16xi32>
            %select_n3A_228 = arith.select %eq3A_214, %gather3A_225, %broadcast_in_dim3A_227 : vector<16xi1>, vector<16xi32>
            %reduce_sum3A_229 = arith.constant true
            %reduce_sum3A_230 = vector.broadcast %reduce_sum3A_229 : i1 to vector<16xi1>
            %reduce_sum3A_231 = tpu.scan <sum>, %select_n3A_228 masked %reduce_sum3A_230 : vector<16xi32>, vector<16xi1> -> vector<16xi32>
            %reduce_sum3A_232 = vector.extract %reduce_sum3A_231[15] : i32 from vector<16xi32>
            %broadcast_in_dim3A_233 = arith.constant 0 : i32
            %broadcast_in_dim3A_234 = vector.broadcast %broadcast_in_dim3A_233 : i32 to vector<16xi32>
            %sub3A_235 = arith.constant 999424 : i32
            %sub3A_236 = arith.subi %reduce_sum3A_220, %sub3A_235 : i32
            %add3A_237 = vector.broadcast %sub3A_236 : i32 to vector<16xi32>
            %add3A_238 = arith.addi %broadcast_in_dim3A_234, %add3A_237 : vector<16xi32>
            %mul3A_239 = arith.constant 576 : i32
            %mul3A_240 = vector.broadcast %mul3A_239 : i32 to vector<16xi32>
            %mul3A_241 = arith.muli %iota3A, %mul3A_240 : vector<16xi32>
            %add3A_242 = arith.addi %mul3A_241, %add3A_238 : vector<16xi32>
            %gather3A_243 = tpu.vector_load_idx %arg14[%add3A_242] : memref<18432xf32, #tpu.memory_space<vmem>>[vector<16xi32>], vector<16xf32>,
            %add3A_244 = arith.constant 16 : i32
            %add3A_245 = vector.broadcast %add3A_244 : i32 to vector<16xi32>
            %add3A_246 = arith.addi %add3A_245, %iota3A : vector<16xi32>
            %mul3A_247 = arith.constant 576 : i32
            %mul3A_248 = vector.broadcast %mul3A_247 : i32 to vector<16xi32>
            %mul3A_249 = arith.muli %add3A_246, %mul3A_248 : vector<16xi32>
            %add3A_250 = arith.addi %mul3A_249, %add3A_238 : vector<16xi32>
            %gather3A_251 = tpu.vector_load_idx %arg14[%add3A_250] : memref<18432xf32, #tpu.memory_space<vmem>>[vector<16xi32>], vector<16xf32>,
            %and3A_252 = arith.constant 511 : i32
            %and3A_253 = arith.andi %while3A_212, %and3A_252 : i32
            %mul3A_254 = arith.constant 32 : i32
            %mul3A_255 = arith.muli %and3A_253, %mul3A_254 : i32
            %add3A_256 = vector.broadcast %mul3A_255 : i32 to vector<16xi32>
            %add3A_257 = arith.addi %add3A_256, %iota3A : vector<16xi32>
            tpu.vector_store_idx %arg15[%add3A_257], %gather3A_243 : memref<16384xf32, #tpu.memory_space<vmem>>[vector<16xi32>], vector<16xf32>,
            %add3A_258 = arith.constant 16 : i32
            %add3A_259 = arith.addi %mul3A_255, %add3A_258 : i32
            %add3A_260 = vector.broadcast %add3A_259 : i32 to vector<16xi32>
            %add3A_261 = arith.addi %add3A_260, %iota3A : vector<16xi32>
            tpu.vector_store_idx %arg15[%add3A_261], %gather3A_251 : memref<16384xf32, #tpu.memory_space<vmem>>[vector<16xi32>], vector<16xf32>,
            %mul3A_262 = arith.constant 32 : i32
            %mul3A_263 = arith.muli %reduce_sum3A_232, %mul3A_262 : i32
            %add3A_264 = arith.constant 524288 : i32
            %add3A_265 = arith.addi %add3A_264, %mul3A_263 : i32
            %dma_start3A = tpu.memref_slice %arg15[%mul3A_255] : memref<16384xf32, #tpu.memory_space<vmem>> -> memref<32xf32, #tpu.memory_space<vmem>>
            %dma_start3A_266 = tpu.memref_slice %arg8[%add3A_265] : memref<1114112xf32, #tpu.memory_space<hbm>> -> memref<32xf32, #tpu.memory_space<hbm>>
            %dma_start3A_267 = tpu.memref_slice %arg8[%add3A_265] : memref<1114112xf32, #tpu.memory_space<hbm>> -> memref<32xf32, #tpu.memory_space<hbm>>
            %dma_start3A_268 = tpu.memref_slice %arg15[%mul3A_255] : memref<16384xf32, #tpu.memory_space<vmem>> -> memref<32xf32, #tpu.memory_space<vmem>>
            tpu.enqueue_dma source(%dma_start3A_268 : memref<32xf32, #tpu.memory_space<vmem>>) target(%dma_start3A_267 : memref<32xf32, #tpu.memory_space<hbm>>) target_semaphore(%arg16 : memref<!tpu.dma_semaphore, #tpu.memory_space<semaphore_mem>>)
            %and3A_269 = arith.constant 511 : i32
            %and3A_270 = arith.andi %while3A_212, %and3A_269 : i32
            %eq3A_271 = arith.constant 511 : i32
            %eq3A_272 = arith.cmpi eq, %and3A_270, %eq3A_271 : i32
            %convert_element_type3A_273 = arith.extui %eq3A_272 : i1 to i32
            %cond3A_274 = arith.constant 0 : i32
            %cond3A_275 = arith.cmpi ne, %convert_element_type3A_273, %cond3A_274 : i32
            %cond3A_276 = scf.if %cond3A_275 -> (i32) {
              %dma_wait3A = arith.constant 0 : i32
              %dma_wait3A_281 = tpu.memref_slice %arg8[%dma_wait3A] : memref<1114112xf32, #tpu.memory_space<hbm>> -> memref<16384xf32, #tpu.memory_space<hbm>>
              %dma_wait3A_282 = arith.constant 0 : i32
              %dma_wait3A_283 = tpu.memref_slice %arg8[%dma_wait3A_282] : memref<1114112xf32, #tpu.memory_space<hbm>> -> memref<16384xf32, #tpu.memory_space<hbm>>
              tpu.wait_dma2 semaphore(%arg16 : memref<!tpu.dma_semaphore, #tpu.memory_space<semaphore_mem>>) src(%arg15 : memref<16384xf32, #tpu.memory_space<vmem>>) dst(%dma_wait3A_283 : memref<16384xf32, #tpu.memory_space<hbm>>)
              %add3A_284 = arith.constant 1 : i32
              %add3A_285 = arith.addi %while3A_212, %add3A_284 : i32
              scf.yield %add3A_285 : i32
            } else {
              scf.yield %while3A_213 : i32
            }
            %not3A = arith.constant dense<true> : vector<16xi1>
            %not3A_277 = arith.xori %eq3A_214, %not3A : vector<16xi1>
            %and3A_278 = arith.andi %while3A_211, %not3A_277 : vector<16xi1>
            %add3A_279 = arith.constant 1 : i32
            %add3A_280 = arith.addi %while3A_212, %add3A_279 : i32
            scf.yield %and3A_278, %add3A_280, %cond3A_276 : vector<16xi1>, i32, i32
          }
          scf.yield %while3A_210#1, %while3A_210#2 : i32, i32
        } else {
          scf.yield %while3A_185, %while3A_186 : i32, i32
        }
        scf.yield %cond3A_209#0, %cond3A_209#1 : i32, i32
      }
      %while3A_182 = arith.constant 1 : i32
      %while3A_183:2 = scf.for %while3A_184 = %while3A_179 to %while3A_175 step %while3A_182 iter_args(%while3A_185 = %while3A_181#0, %while3A_186 = %while3A_181#1) -> (i32, i32)  : i32 {
        %mul3A_187 = arith.constant 16 : i32
        %mul3A_188 = arith.muli %while3A_184, %mul3A_187 : i32
        %add3A_189 = vector.broadcast %mul3A_188 : i32 to vector<16xi32>
        %add3A_190 = arith.addi %add3A_189, %iota3A : vector<16xi32>
        %gather3A = tpu.vector_load_idx %arg10[%add3A_190] : memref<16400xi32, #tpu.memory_space<vmem>>[vector<16xi32>], vector<16xi32>,
        %shift_right_arithmetic3A = arith.constant 10 : i32
        %shift_right_arithmetic3A_191 = vector.broadcast %shift_right_arithmetic3A : i32 to vector<16xi32>
        %shift_right_arithmetic3A_192 = arith.shrsi %gather3A, %shift_right_arithmetic3A_191 : vector<16xi32>
        %eq3A_193 = arith.constant 976 : i32
        %eq3A_194 = vector.broadcast %eq3A_193 : i32 to vector<16xi32>
        %eq3A_195 = arith.cmpi eq, %shift_right_arithmetic3A_192, %eq3A_194 : vector<16xi32>
        %reduce_or3A = arith.constant 1.000000e+00 : f32
        %reduce_or3A_196 = arith.constant 0.000000e+00 : f32
        %reduce_or3A_197 = vector.broadcast %reduce_or3A : f32 to vector<16xf32>
        %reduce_or3A_198 = vector.broadcast %reduce_or3A_196 : f32 to vector<16xf32>
        %reduce_or3A_199 = arith.select %eq3A_195, %reduce_or3A_197, %reduce_or3A_198 : vector<16xi1>, vector<16xf32>
        %reduce_or3A_200 = arith.constant true
        %reduce_or3A_201 = vector.broadcast %reduce_or3A_200 : i1 to vector<16xi1>
        %reduce_or3A_202 = tpu.scan <max>, %reduce_or3A_199 masked %reduce_or3A_201 : vector<16xf32>, vector<16xi1> -> vector<16xf32>
        %reduce_or3A_203 = vector.extract %reduce_or3A_202[15] : f32 from vector<16xf32>
        %reduce_or3A_204 = arith.constant 0.000000e+00 : f32
        %reduce_or3A_205 = arith.cmpf ogt, %reduce_or3A_203, %reduce_or3A_204 : f32
        %convert_element_type3A_206 = arith.extui %reduce_or3A_205 : i1 to i32
        %cond3A_207 = arith.constant 0 : i32
        %cond3A_208 = arith.cmpi ne, %convert_element_type3A_206, %cond3A_207 : i32
        %cond3A_209:2 = scf.if %cond3A_208 -> (i32, i32) {
          %while3A_210:3 = scf.while (%while3A_211 = %eq3A_195, %while3A_212 = %while3A_185, %while3A_213 = %while3A_186) : (vector<16xi1>, i32, i32) -> (vector<16xi1>, i32, i32) {
            %reduce_or3A_214 = arith.constant 1.000000e+00 : f32
            %reduce_or3A_215 = arith.constant 0.000000e+00 : f32
            %reduce_or3A_216 = vector.broadcast %reduce_or3A_214 : f32 to vector<16xf32>
            %reduce_or3A_217 = vector.broadcast %reduce_or3A_215 : f32 to vector<16xf32>
            %reduce_or3A_218 = arith.select %while3A_211, %reduce_or3A_216, %reduce_or3A_217 : vector<16xi1>, vector<16xf32>
            %reduce_or3A_219 = arith.constant true
            %reduce_or3A_220 = vector.broadcast %reduce_or3A_219 : i1 to vector<16xi1>
            %reduce_or3A_221 = tpu.scan <max>, %reduce_or3A_218 masked %reduce_or3A_220 : vector<16xf32>, vector<16xi1> -> vector<16xf32>
            %reduce_or3A_222 = vector.extract %reduce_or3A_221[15] : f32 from vector<16xf32>
            %reduce_or3A_223 = arith.constant 0.000000e+00 : f32
            %reduce_or3A_224 = arith.cmpf ogt, %reduce_or3A_222, %reduce_or3A_223 : f32
            scf.condition(%reduce_or3A_224) %while3A_211, %while3A_212, %while3A_213 : vector<16xi1>, i32, i32
          } do {
          ^bb0(%while3A_211: vector<16xi1>, %while3A_212: i32, %while3A_213: i32):
            %all_reduce_ffs3A = tpu.all_reduce %while3A_211 {dim = 0 : i64, kind = #tpu.reduction_kind<find_first_set>} : vector<16xi1> -> vector<16xi32>
            %eq3A_214 = arith.cmpi eq, %iota3A, %all_reduce_ffs3A : vector<16xi32>
            %jit3A_215 = arith.constant 0 : i32
            %broadcast_in_dim3A_216 = vector.broadcast %jit3A_215 : i32 to vector<16xi32>
            %select_n3A_217 = arith.select %eq3A_214, %gather3A, %broadcast_in_dim3A_216 : vector<16xi1>, vector<16xi32>
            %reduce_sum3A = arith.constant true
            %reduce_sum3A_218 = vector.broadcast %reduce_sum3A : i1 to vector<16xi1>
            %reduce_sum3A_219 = tpu.scan <sum>, %select_n3A_217 masked %reduce_sum3A_218 : vector<16xi32>, vector<16xi1> -> vector<16xi32>
            %reduce_sum3A_220 = vector.extract %reduce_sum3A_219[15] : i32 from vector<16xi32>
            %mul3A_221 = arith.constant 16 : i32
            %mul3A_222 = arith.muli %while3A_184, %mul3A_221 : i32
            %add3A_223 = vector.broadcast %mul3A_222 : i32 to vector<16xi32>
            %add3A_224 = arith.addi %add3A_223, %iota3A : vector<16xi32>
            %gather3A_225 = tpu.vector_load_idx %arg11[%add3A_224] : memref<16400xi32, #tpu.memory_space<vmem>>[vector<16xi32>], vector<16xi32>,
            %jit3A_226 = arith.constant 0 : i32
            %broadcast_in_dim3A_227 = vector.broadcast %jit3A_226 : i32 to vector<16xi32>
            %select_n3A_228 = arith.select %eq3A_214, %gather3A_225, %broadcast_in_dim3A_227 : vector<16xi1>, vector<16xi32>
            %reduce_sum3A_229 = arith.constant true
            %reduce_sum3A_230 = vector.broadcast %reduce_sum3A_229 : i1 to vector<16xi1>
            %reduce_sum3A_231 = tpu.scan <sum>, %select_n3A_228 masked %reduce_sum3A_230 : vector<16xi32>, vector<16xi1> -> vector<16xi32>
            %reduce_sum3A_232 = vector.extract %reduce_sum3A_231[15] : i32 from vector<16xi32>
            %broadcast_in_dim3A_233 = arith.constant 0 : i32
            %broadcast_in_dim3A_234 = vector.broadcast %broadcast_in_dim3A_233 : i32 to vector<16xi32>
            %sub3A_235 = arith.constant 999424 : i32
            %sub3A_236 = arith.subi %reduce_sum3A_220, %sub3A_235 : i32
            %add3A_237 = vector.broadcast %sub3A_236 : i32 to vector<16xi32>
            %add3A_238 = arith.addi %broadcast_in_dim3A_234, %add3A_237 : vector<16xi32>
            %mul3A_239 = arith.constant 576 : i32
            %mul3A_240 = vector.broadcast %mul3A_239 : i32 to vector<16xi32>
            %mul3A_241 = arith.muli %iota3A, %mul3A_240 : vector<16xi32>
            %add3A_242 = arith.addi %mul3A_241, %add3A_238 : vector<16xi32>
            %gather3A_243 = tpu.vector_load_idx %arg14[%add3A_242] : memref<18432xf32, #tpu.memory_space<vmem>>[vector<16xi32>], vector<16xf32>,
            %add3A_244 = arith.constant 16 : i32
            %add3A_245 = vector.broadcast %add3A_244 : i32 to vector<16xi32>
            %add3A_246 = arith.addi %add3A_245, %iota3A : vector<16xi32>
            %mul3A_247 = arith.constant 576 : i32
            %mul3A_248 = vector.broadcast %mul3A_247 : i32 to vector<16xi32>
            %mul3A_249 = arith.muli %add3A_246, %mul3A_248 : vector<16xi32>
            %add3A_250 = arith.addi %mul3A_249, %add3A_238 : vector<16xi32>
            %gather3A_251 = tpu.vector_load_idx %arg14[%add3A_250] : memref<18432xf32, #tpu.memory_space<vmem>>[vector<16xi32>], vector<16xf32>,
            %and3A_252 = arith.constant 511 : i32
            %and3A_253 = arith.andi %while3A_212, %and3A_252 : i32
            %mul3A_254 = arith.constant 32 : i32
            %mul3A_255 = arith.muli %and3A_253, %mul3A_254 : i32
            %add3A_256 = vector.broadcast %mul3A_255 : i32 to vector<16xi32>
            %add3A_257 = arith.addi %add3A_256, %iota3A : vector<16xi32>
            tpu.vector_store_idx %arg15[%add3A_257], %gather3A_243 : memref<16384xf32, #tpu.memory_space<vmem>>[vector<16xi32>], vector<16xf32>,
            %add3A_258 = arith.constant 16 : i32
            %add3A_259 = arith.addi %mul3A_255, %add3A_258 : i32
            %add3A_260 = vector.broadcast %add3A_259 : i32 to vector<16xi32>
            %add3A_261 = arith.addi %add3A_260, %iota3A : vector<16xi32>
            tpu.vector_store_idx %arg15[%add3A_261], %gather3A_251 : memref<16384xf32, #tpu.memory_space<vmem>>[vector<16xi32>], vector<16xf32>,
            %mul3A_262 = arith.constant 32 : i32
            %mul3A_263 = arith.muli %reduce_sum3A_232, %mul3A_262 : i32
            %add3A_264 = arith.constant 524288 : i32
            %add3A_265 = arith.addi %add3A_264, %mul3A_263 : i32
            %dma_start3A = tpu.memref_slice %arg15[%mul3A_255] : memref<16384xf32, #tpu.memory_space<vmem>> -> memref<32xf32, #tpu.memory_space<vmem>>
            %dma_start3A_266 = tpu.memref_slice %arg8[%add3A_265] : memref<1114112xf32, #tpu.memory_space<hbm>> -> memref<32xf32, #tpu.memory_space<hbm>>
            %dma_start3A_267 = tpu.memref_slice %arg8[%add3A_265] : memref<1114112xf32, #tpu.memory_space<hbm>> -> memref<32xf32, #tpu.memory_space<hbm>>
            %dma_start3A_268 = tpu.memref_slice %arg15[%mul3A_255] : memref<16384xf32, #tpu.memory_space<vmem>> -> memref<32xf32, #tpu.memory_space<vmem>>
            tpu.enqueue_dma source(%dma_start3A_268 : memref<32xf32, #tpu.memory_space<vmem>>) target(%dma_start3A_267 : memref<32xf32, #tpu.memory_space<hbm>>) target_semaphore(%arg16 : memref<!tpu.dma_semaphore, #tpu.memory_space<semaphore_mem>>)
            %and3A_269 = arith.constant 511 : i32
            %and3A_270 = arith.andi %while3A_212, %and3A_269 : i32
            %eq3A_271 = arith.constant 511 : i32
            %eq3A_272 = arith.cmpi eq, %and3A_270, %eq3A_271 : i32
            %convert_element_type3A_273 = arith.extui %eq3A_272 : i1 to i32
            %cond3A_274 = arith.constant 0 : i32
            %cond3A_275 = arith.cmpi ne, %convert_element_type3A_273, %cond3A_274 : i32
            %cond3A_276 = scf.if %cond3A_275 -> (i32) {
              %dma_wait3A = arith.constant 0 : i32
              %dma_wait3A_281 = tpu.memref_slice %arg8[%dma_wait3A] : memref<1114112xf32, #tpu.memory_space<hbm>> -> memref<16384xf32, #tpu.memory_space<hbm>>
              %dma_wait3A_282 = arith.constant 0 : i32
              %dma_wait3A_283 = tpu.memref_slice %arg8[%dma_wait3A_282] : memref<1114112xf32, #tpu.memory_space<hbm>> -> memref<16384xf32, #tpu.memory_space<hbm>>
              tpu.wait_dma2 semaphore(%arg16 : memref<!tpu.dma_semaphore, #tpu.memory_space<semaphore_mem>>) src(%arg15 : memref<16384xf32, #tpu.memory_space<vmem>>) dst(%dma_wait3A_283 : memref<16384xf32, #tpu.memory_space<hbm>>)
              %add3A_284 = arith.constant 1 : i32
              %add3A_285 = arith.addi %while3A_212, %add3A_284 : i32
              scf.yield %add3A_285 : i32
            } else {
              scf.yield %while3A_213 : i32
            }
            %not3A = arith.constant dense<true> : vector<16xi1>
            %not3A_277 = arith.xori %eq3A_214, %not3A : vector<16xi1>
            %and3A_278 = arith.andi %while3A_211, %not3A_277 : vector<16xi1>
            %add3A_279 = arith.constant 1 : i32
            %add3A_280 = arith.addi %while3A_212, %add3A_279 : i32
            scf.yield %and3A_278, %add3A_280, %cond3A_276 : vector<16xi1>, i32, i32
          }
          scf.yield %while3A_210#1, %while3A_210#2 : i32, i32
        } else {
          scf.yield %while3A_185, %while3A_186 : i32, i32
        }
        scf.yield %cond3A_209#0, %cond3A_209#1 : i32, i32
      }
      scf.yield %while3A_183#0, %while3A_183#1 : i32, i32
    } else {
      scf.yield %scan3A_129#0, %scan3A_129#1 : i32, i32
    }
    %while3A_137 = scf.while (%while3A_173 = %cond3A_136#0) : (i32) -> i32 {
      %and3A_174 = arith.constant 15 : i32
      %and3A_175 = arith.andi %while3A_173, %and3A_174 : i32
      %ne3A_176 = arith.constant 0 : i32
      %ne3A_177 = arith.cmpi ne, %and3A_175, %ne3A_176 : i32
      scf.condition(%ne3A_177) %while3A_173 : i32
    } do {
    ^bb0(%while3A_173: i32):
      %and3A_174 = arith.constant 511 : i32
      %and3A_175 = arith.andi %while3A_173, %and3A_174 : i32
      %mul3A_176 = arith.constant 32 : i32
      %mul3A_177 = arith.muli %and3A_175, %mul3A_176 : i32
      %mul3A_178 = arith.constant 2048 : i32
      %mul3A_179 = arith.muli %add3A, %mul3A_178 : i32
      %add3A_180 = arith.constant 1048576 : i32
      %add3A_181 = arith.addi %add3A_180, %mul3A_179 : i32
      %and3A_182 = arith.constant 63 : i32
      %and3A_183 = arith.andi %while3A_173, %and3A_182 : i32
      %mul3A_184 = arith.constant 32 : i32
      %mul3A_185 = arith.muli %and3A_183, %mul3A_184 : i32
      %add3A_186 = arith.addi %add3A_181, %mul3A_185 : i32
      %dma_start3A = tpu.memref_slice %arg15[%mul3A_177] : memref<16384xf32, #tpu.memory_space<vmem>> -> memref<32xf32, #tpu.memory_space<vmem>>
      %dma_start3A_187 = tpu.memref_slice %arg8[%add3A_186] : memref<1114112xf32, #tpu.memory_space<hbm>> -> memref<32xf32, #tpu.memory_space<hbm>>
      %dma_start3A_188 = tpu.memref_slice %arg8[%add3A_186] : memref<1114112xf32, #tpu.memory_space<hbm>> -> memref<32xf32, #tpu.memory_space<hbm>>
      %dma_start3A_189 = tpu.memref_slice %arg15[%mul3A_177] : memref<16384xf32, #tpu.memory_space<vmem>> -> memref<32xf32, #tpu.memory_space<vmem>>
      tpu.enqueue_dma source(%dma_start3A_189 : memref<32xf32, #tpu.memory_space<vmem>>) target(%dma_start3A_188 : memref<32xf32, #tpu.memory_space<hbm>>) target_semaphore(%arg16 : memref<!tpu.dma_semaphore, #tpu.memory_space<semaphore_mem>>)
      %add3A_190 = arith.constant 1 : i32
      %add3A_191 = arith.addi %while3A_173, %add3A_190 : i32
      scf.yield %add3A_191 : i32
    }
    %sub3A_138 = arith.subi %while3A_137, %cond3A_136#1 : i32
    %jit3A_139 = arith.constant 16 : i32
    %div3A_140 = arith.divsi %sub3A_138, %jit3A_139 : i32
    %sign3A_141 = arith.constant 0 : i32
    %sign3A_142 = arith.cmpi sgt, %sub3A_138, %sign3A_141 : i32
    %sign3A_143 = arith.extui %sign3A_142 : i1 to i32
    %sign3A_144 = arith.constant 0 : i32
    %sign3A_145 = arith.cmpi slt, %sub3A_138, %sign3A_144 : i32
    %sign3A_146 = arith.extui %sign3A_145 : i1 to i32
    %sign3A_147 = arith.subi %sign3A_143, %sign3A_146 : i32
    %sign3A_148 = arith.constant 0 : i32
    %sign3A_149 = arith.cmpi sgt, %jit3A_139, %sign3A_148 : i32
    %sign3A_150 = arith.extui %sign3A_149 : i1 to i32
    %sign3A_151 = arith.constant 0 : i32
    %sign3A_152 = arith.cmpi slt, %jit3A_139, %sign3A_151 : i32
    %sign3A_153 = arith.extui %sign3A_152 : i1 to i32
    %sign3A_154 = arith.subi %sign3A_150, %sign3A_153 : i32
    %ne3A_155 = arith.cmpi ne, %sign3A_147, %sign3A_154 : i32
    %rem3A_156 = arith.remsi %sub3A_138, %jit3A_139 : i32
    %ne3A_157 = arith.constant 0 : i32
    %ne3A_158 = arith.cmpi ne, %rem3A_156, %ne3A_157 : i32
    %and3A_159 = arith.andi %ne3A_155, %ne3A_158 : i1
    %sub3A_160 = arith.constant 1 : i32
    %sub3A_161 = arith.subi %div3A_140, %sub3A_160 : i32
    %select_n3A_162 = arith.select %and3A_159, %sub3A_161, %div3A_140 : i32
    %while3A_163 = arith.constant 0 : i32
    %while3A_164 = arith.constant 0 : i32
    %while3A_165 = arith.subi %select_n3A_162, %while3A_164 : i32
    %while3A_166 = arith.addi %while3A_164, %while3A_165 : i32
    %while3A_167 = arith.constant 1 : i32
    %while3A_168 = arith.divsi %while3A_165, %while3A_167 : i32
    %while3A_169 = arith.muli %while3A_168, %while3A_167 : i32
    %while3A_170 = arith.addi %while3A_164, %while3A_169 : i32
    %while3A_171 = arith.constant 1 : i32
    scf.for %while3A_173 = %while3A_164 to %while3A_170 step %while3A_171  : i32 {
      %dma_wait3A = arith.constant 0 : i32
      %dma_wait3A_174 = tpu.memref_slice %arg15[%dma_wait3A] : memref<16384xf32, #tpu.memory_space<vmem>> -> memref<512xf32, #tpu.memory_space<vmem>>
      %dma_wait3A_175 = arith.constant 0 : i32
      %dma_wait3A_176 = tpu.memref_slice %arg8[%dma_wait3A_175] : memref<1114112xf32, #tpu.memory_space<hbm>> -> memref<512xf32, #tpu.memory_space<hbm>>
      %dma_wait3A_177 = arith.constant 0 : i32
      %dma_wait3A_178 = tpu.memref_slice %arg8[%dma_wait3A_177] : memref<1114112xf32, #tpu.memory_space<hbm>> -> memref<512xf32, #tpu.memory_space<hbm>>
      %dma_wait3A_179 = arith.constant 0 : i32
      %dma_wait3A_180 = tpu.memref_slice %arg15[%dma_wait3A_179] : memref<16384xf32, #tpu.memory_space<vmem>> -> memref<512xf32, #tpu.memory_space<vmem>>
      tpu.wait_dma2 semaphore(%arg16 : memref<!tpu.dma_semaphore, #tpu.memory_space<semaphore_mem>>) src(%dma_wait3A_180 : memref<512xf32, #tpu.memory_space<vmem>>) dst(%dma_wait3A_178 : memref<512xf32, #tpu.memory_space<hbm>>)
    }
    %while3A_172 = arith.constant 1 : i32
    scf.for %while3A_173 = %while3A_170 to %while3A_166 step %while3A_172  : i32 {
      %dma_wait3A = arith.constant 0 : i32
      %dma_wait3A_174 = tpu.memref_slice %arg15[%dma_wait3A] : memref<16384xf32, #tpu.memory_space<vmem>> -> memref<512xf32, #tpu.memory_space<vmem>>
      %dma_wait3A_175 = arith.constant 0 : i32
      %dma_wait3A_176 = tpu.memref_slice %arg8[%dma_wait3A_175] : memref<1114112xf32, #tpu.memory_space<hbm>> -> memref<512xf32, #tpu.memory_space<hbm>>
      %dma_wait3A_177 = arith.constant 0 : i32
      %dma_wait3A_178 = tpu.memref_slice %arg8[%dma_wait3A_177] : memref<1114112xf32, #tpu.memory_space<hbm>> -> memref<512xf32, #tpu.memory_space<hbm>>
      %dma_wait3A_179 = arith.constant 0 : i32
      %dma_wait3A_180 = tpu.memref_slice %arg15[%dma_wait3A_179] : memref<16384xf32, #tpu.memory_space<vmem>> -> memref<512xf32, #tpu.memory_space<vmem>>
      tpu.wait_dma2 semaphore(%arg16 : memref<!tpu.dma_semaphore, #tpu.memory_space<semaphore_mem>>) src(%dma_wait3A_180 : memref<512xf32, #tpu.memory_space<vmem>>) dst(%dma_wait3A_178 : memref<512xf32, #tpu.memory_space<hbm>>)
    }
    return
  }
}

</mosaic_0001>

<sc_bundles>
// kernel: _factorization_sc.4.cloned.1.call-start
scs
__scs_entry_jumppad:
0x0: {  	(pc) =	sbr.rel $0x88, $3  }
0x1: {  	(tag) =	ssettag $0x0;
	lr =	simm.s32 $0x1  }
0x2: {  	[smem:$0x3F99] =	sst lr;
	_ =	strace $0xD0000000  }
0x3: {  	_ = 	snop  }
0x4: {  	_ = 	snop  }
0x5: {  	_ = 	snop  }
0x6: {  	_ = 	snop  }
0x7: {  	_ = 	snop  }
__scs_overlays_trampoline_lowered:
0x8: {  	[smem:$0x3FA8] =	sst s0  }
0x9: {  	[smem:$0x3FA9] =	sst s1  }
0xa: {  	[smem:$0x3FAA] =	sst s2  }
0xb: {  	[smem:$0x3FAB] =	sst s3  }
0xc: {  	[smem:$0x3FAC] =	sst s4  }
0xd: {  	[smem:$0x3FAD] =	sst s5  }
0xe: {  	[smem:$0x3FAE] =	sst s6  }
0xf: {  	[smem:$0x3FAF] =	sst s7  }
0x10: {  	[smem:$0x3FB0] =	sst s8  }
0x11: {  	[smem:$0x3FB1] =	sst s9;
	s0 =	simm.s32 @!p0 $0x0  }
0x12: {  	s1 =	sld [smem:$0x3F97];
	s0 =	simm.s32 @p0 $0x1  }
0x13: {  	[smem:$0x3FB2] =	sst s0;
	s0 =	simm.s32 @!p1 $0x0  }
0x14: {  	s2 =	sld [smem:$0x3F96];
	s0 =	simm.s32 @p1 $0x1  }
0x15: {  	[smem:$0x3FB3] =	sst s0;
	s0 =	simm.s32 @!p2 $0x0  }
0x16: {  	s3 =	sld [smem:$0x3FDB];
	s0 =	simm.s32 @p2 $0x1  }
0x17: {  	s4 =	simm.s32 $0x1BF5;
	[smem:$0x3FB5] =	sst s0  }
0x18: {  	s0 =	sld [smem:$0x3F98];
	_ =	swait.ge [sflag:s4], $0x0  }
0x19: {  	s7 =	sld [smem:$0x3F99]  }
0x1a: {  	s8 =	sadd.s32 $0xFFFFE003, lr  }
0x1b: {  	s9 =	sadd.s32 $0xFFFFFEF7, lr;
	s5 =	simm.s32 $0xFFFFFFFF;
	p2 =	slt.u32 s8, $0xFFFFF086  }
0x1c: {  	p1 =	slt.u32 s9, $0xF7A;
	s5 =	simm.s32 @!p2 $0x0  }
0x1d: {  	s5 =	simm.s32 @p1 $0x1;
	p0 =	seq.s32 s7, s2  }
0x1e: {  	s7 =	smul.u32 @!p0 $0xF7A, s2;
	p2 =	seq.s32 @!p0 s5, $0x0  }
0x1f: {  	s9 =	smul.u32 $0xF7A, s1;
	s8 =	simm.s32 @!p0 $0x1BF5;
	p2 =	por !p2, p0  }
0x20: {  	[sflag:s8] =	ssyncset.s32 @!p0 $0xFFFFF086;
	s6 =	sadd.s32 @!p0 s3, s7;
	s7 =	simm.s32 @!p0 $0x108  }
0x21: {  	s3 =	sadd.s32 s3, s9;
	s6 =	sadd.s32 @!p0 $0x88, s6;
	s7 =	simm.s32 @p2 $0x1082  }
0x22: {  	[simem:s7], [sflag:s8] =	dma.local @!p0 [hbm:s6], $0xF7A  }
0x23: {  	s9 =	sor.u32 $0xD0000000, s2;
	s6 =	simm.s32 $0x108;
	_ =	swait.ge @!p0 [sflag:s8], $0x0  }
0x24: {  	s3 =	sadd.s32 $0x88, s3;
	s6 =	simm.s32 @!p1 $0x1082;
	[sflag:s4] =	ssyncset.s32 $0xFFFFF086  }
0x25: {  	[simem:s6], [sflag:s4] =	dma.local [hbm:s3], $0xF7A  }
0x26: {  	[smem:$0x3F99] =	sst s1;
	(tag) =	ssettag s2;
	_ =	strace s9  }
0x27: {  	s1 =	sld [smem:$0x3FA9]  }
0x28: {  	s2 =	sld [smem:$0x3FAA]  }
0x29: {  	s4 =	sld [smem:$0x3FAC]  }
0x2a: {  	p0 =	seq.s32 s5, $0x0;
	s5 =	sld [smem:$0x3FAD]  }
0x2b: {  	s6 =	sld [smem:$0x3FAE]  }
0x2c: {  	s7 =	sld [smem:$0x3FAF]  }
0x2d: {  	s3 =	simm.s32 $0x108;
	s8 =	sld [smem:$0x3FB0]  }
0x2e: {  	s3 =	simm.s32 @!p0 $0x1082;
	s9 =	sld [smem:$0x3FB1]  }
0x2f: {  	lr =	sadd.s32 s0, s3;
	s0 =	sld [smem:$0x3FA8]  }
0x30: {  	s3 =	sld [smem:$0x3FAB]  }
0x31: {  	[smem:$0x3FB4] =	sst s10  }
0x32: {  	s10 =	sld [smem:$0x3FB2];
	_ =	sdelay $0x3  }
0x33: {  	p0 =	seq.s32 s10, $0x1;
	s10 =	sld [smem:$0x3FB4];
	_ =	sdelay $0x3  }
0x34: {  	[smem:$0x3FB4] =	sst s10  }
0x35: {  	s10 =	sld [smem:$0x3FB3];
	_ =	sdelay $0x3  }
0x36: {  	p1 =	seq.s32 s10, $0x1;
	s10 =	sld [smem:$0x3FB4];
	_ =	sdelay $0x3  }
0x37: {  	[smem:$0x3FB4] =	sst s10  }
0x38: {  	s10 =	sld [smem:$0x3FB5]  }
0x39: {  	_ = 	snop;
	(pc) =	sbr.ind lr, $3  }
0x3a: {  	_ = 	snop  }
0x3b: {  	_ = 	snop  }
0x3c: {  	p2 =	seq.s32 s10, $0x1;
	s10 =	sld [smem:$0x3FB4]  }
0x3d: {  	_ =	shalt  }
0x3e: {  	_ =	shalt  }
0x3f: {  	_ =	shalt  }
0x40: {  	_ =	shalt  }
0x41: {  	_ =	shalt  }
0x42: {  	_ =	shalt  }
0x43: {  	_ =	shalt  }
0x44: {  	_ =	shalt  }
0x45: {  	_ =	shalt  }
0x46: {  	_ =	shalt  }
0x47: {  	_ =	shalt  }
0x48: {  	_ =	shalt  }
0x49: {  	_ =	shalt  }
0x4a: {  	_ =	shalt  }
0x4b: {  	_ =	shalt  }
0x4c: {  	_ =	shalt  }
0x4d: {  	_ =	shalt  }
0x4e: {  	_ =	shalt  }
0x4f: {  	_ =	shalt  }
0x50: {  	_ =	shalt  }
0x51: {  	_ =	shalt  }
0x52: {  	_ =	shalt  }
0x53: {  	_ =	shalt  }
0x54: {  	_ =	shalt  }
0x55: {  	_ =	shalt  }
0x56: {  	_ =	shalt  }
0x57: {  	_ =	shalt  }
0x58: {  	_ =	shalt  }
0x59: {  	_ =	shalt  }
0x5a: {  	_ =	shalt  }
0x5b: {  	_ =	shalt  }
0x5c: {  	_ =	shalt  }
0x5d: {  	_ =	shalt  }
0x5e: {  	_ =	shalt  }
0x5f: {  	_ =	shalt  }
0x60: {  	_ =	shalt  }
0x61: {  	_ =	shalt  }
0x62: {  	_ =	shalt  }
0x63: {  	_ =	shalt  }
0x64: {  	_ =	shalt  }
0x65: {  	_ =	shalt  }
0x66: {  	_ =	shalt  }
0x67: {  	_ =	shalt  }
0x68: {  	_ =	shalt  }
0x69: {  	_ =	shalt  }
0x6a: {  	_ =	shalt  }
0x6b: {  	_ =	shalt  }
0x6c: {  	_ =	shalt  }
0x6d: {  	_ =	shalt  }
0x6e: {  	_ =	shalt  }
0x6f: {  	_ =	shalt  }
0x70: {  	_ =	shalt  }
0x71: {  	_ =	shalt  }
0x72: {  	_ =	shalt  }
0x73: {  	_ =	shalt  }
0x74: {  	_ =	shalt  }
0x75: {  	_ =	shalt  }
0x76: {  	_ =	shalt  }
0x77: {  	_ =	shalt  }
0x78: {  	_ =	shalt  }
0x79: {  	_ =	shalt  }
0x7a: {  	_ =	shalt  }
0x7b: {  	_ =	shalt  }
0x7c: {  	_ =	shalt  }
0x7d: {  	_ =	shalt  }
0x7e: {  	_ =	shalt  }
0x7f: {  	_ =	shalt  }
0x80: {  	_ =	shalt  }
0x81: {  	_ =	shalt  }
0x82: {  	_ =	shalt  }
0x83: {  	_ =	shalt  }
0x84: {  	_ =	shalt  }
0x85: {  	_ =	shalt  }
0x86: {  	_ =	shalt  }
0x87: {  	_ =	shalt  }
.Lfunc_end0:
.L_simem_size_0:
called_computation_lowered:
.L_overlay_start_0:
0x88: {  	s2 =	sld [smem:$0x3FD9]  }
0x89: {  	s3 =	sld [smem:$0x3FFE];
	_ =	sdelay $0x1  }
0x8a: {  	s1 =	srdreg.scid  }
0x8b: {  	s0 =	sand.u32 $0x1, s1  }
0x8c: {  	s17 =	sshll.u32 s0, $0xA;
	s2 =	sadd.s32 s3, s2  }
0x8d: {  	s2 =	sadd.s32 s2, s17  }
0x8e: {  	[smem:$0x3FC0] =	sst s2  }
0x8f: {  	_ = 	snop  }
0x90: {  	s2 =	sld [smem:$0x3FC9]  }
0x91: {  	s18 =	sld [smem:$0x3FC8]  }
0x92: {  	s4 =	sld [smem:$0x3FC7]  }
0x93: {  	s5 =	sld [smem:$0x3FC6]  }
0x94: {  	s6 =	sld [smem:$0x3FC5]  }
0x95: {  	s7 =	sld [smem:$0x3FC4];
	(tm) =	ssettm $0x1  }
0x96: {  	s8 =	sld [smem:$0x3FFB];
	_ =	sdelay $0x3  }
0x97: {  	_ =	strace s8  }
0x98: {  	s8 =	sld [smem:$0x3FFC];
	_ =	sdelay $0x3  }
0x99: {  	_ =	strace s8  }
0x9a: {  	s8 =	sld [smem:$0x3FFD];
	_ =	sdelay $0x3  }
0x9b: {  	_ =	strace s8  }
0x9c: {  	_ =	strace $0x8FFFFFFF  }
0x9d: {  	s19 =	sld [smem:$0x3FDB];
	_ =	sdelay $0x1  }
0x9e: {  	s9 =	simm.s32 $_scs_section_size  }
0x9f: {  	s10 =	simm.s32 $_size__tile_overlayer_lowered;
	s11 =	simm.s32 $_tile_overlayer_lowered  }
0xa0: {  	s22 =	simm.s32 $0x1BFF;
	s21 =	sshll.u32 s11, $0x1;
	s8 =	sadd.s32 s9, s19  }
0xa1: {  	s12 =	simm.s32 $0x0;
	s20 =	sshll.u32 s10, $0x1;
	s10 =	sadd.s32 s21, s8  }
0xa2: {  	[timem:s12], [sflag:s22] =	dma.local [hbm:s10], s20  }
0xa3: {  	_ =	swait.ge [sflag:s22], s20  }
0xa4: {  	s9 =	ssub.s32 $0x0, s20;
	[sflag:s22] =	ssyncset.done $0x0  }
0xa5: {  	[sflag:s22] =	ssyncadd.s32 s9;
	_ =	sdelay $0x1  }
0xa6: {  	s23 =	simm.s32 $0x1B8B  }
0xa7: {  	_ =	swait.ge [sflag:s23], $0x1  }
0xa8: {  	[sflag:s23] =	ssyncset.done $0x0  }
0xa9: {  	s25 =	simm.s32 $0x1B8E;
	s24 =	sld [smem:$0x3FFE];
	[sflag:s23] =	ssyncadd.s32 $0xFFFFFFFF  }
0xaa: {  	s26 =	simm.s32 $execute0_lowered;
	[smem:$0x3FD2] =	sst s25  }
0xab: {  	s10 =	sshll.u32 s26, $0x1;
	_ =	strace $0x80000046;
	[dreg:$0x1] =	wrdreg $0xFFFFFFFF  }
0xac: {  	s28 =	simm.s32 $_size_execute0_lowered;
	s8 =	sadd.s32 s8, s10;
	[dreg:$0x0] =	wrdreg $0x0  }
0xad: {  	s10 =	sshll.u32 s28, $0x1;
	[dreg:$0x2] =	wrdreg s8  }
0xae: {  	[dreg:$0x3] =	wrdreg s10  }
0xaf: {  	[dreg:$0x4] =	wrdreg $0xC0  }
0xb0: {  	_ =	task [dreg:s12], $0x5FFFF  }
0xb1: {  	[dreg:$0x1] =	wrdreg $0xFFFFFFFF  }
0xb2: {  	[dreg:$0x0] =	wrdreg $0x60  }
0xb3: {  	[dreg:$0x2] =	wrdreg s2  }
0xb4: {  	[dreg:$0x3] =	wrdreg s18  }
0xb5: {  	[dreg:$0x4] =	wrdreg s4  }
0xb6: {  	[dreg:$0x5] =	wrdreg s5  }
0xb7: {  	[dreg:$0x6] =	wrdreg s6  }
0xb8: {  	[dreg:$0x7] =	wrdreg s7  }
0xb9: {  	[dreg:$0x8] =	wrdreg s24  }
0xba: {  	[dreg:$0x9] =	wrdreg $0x9  }
0xbb: {  	_ =	task.clear_ibuf [dreg:s12], $0xAFFFF;
	_ =	strace $0x90000046  }
0xbc: {  	s29 =	simm.s32 $0x9;
	_ =	strace $0x80000048  }
0xbd: {  	_ =	swait.ge [sflag:s29], $0x1  }
0xbe: {  	[sflag:s29] =	ssyncadd.s32 $0xFFFFFFFF  }
0xbf: {  	_ =	strace $0x90000048  }
0xc0: {  	_ =	sfence  }
0xc1: {  	s30 =	sld [smem:$0x0];
	_ =	sdelay $0x2  }
0xc2: {  	s31 =	sshll.u32 s1, $0xD;
	s1 =	sshrl.u32 s1, $0x2  }
0xc3: {  	s3 =	sand.u32 $0x4000, s31;
	s1 =	sadd.s32 s1, s30  }
0xc4: {  	s0 =	sor.u32 s3, s0;
	s1 =	sshll.u32 s1, $0x11  }
0xc5: {  	s0 =	sor.u32 s1, s0  }
0xc6: {  	s0 =	sadd.s32 $0x8F2B, s0  }
0xc7: {  	[sflag:s0] =	ssyncadd.remote.s32 $0x1  }
0xc8: {  	_ =	sfence.sel $0xFFFF  }
0xc9: {  	[dreg:$0x0] =	wrdreg $0xFFFFFFFF;
	(pc) =	sbr.abs _section_cstart, $3  }
0xca: {  	[dreg:$0x1] =	wrdreg $0xFFFFFFFF  }
0xcb: {  	_ =	task.clear_ibuf [dreg:s12], $0x2FFFF;
	_ =	strace $0x9FFFFFFF  }
0xcc: {  	(tm) =	ssettm $0x7FFFFFFF  }
0xcd: {  	_ =	shalt  }
tec
execute0_lowered:
.L_overlay_start_1:
0x0: {  	(tag) =	ssettag $0x1  }
0x1: {  	v0 =	vimm.s32 $0x2380;
	vm0 =	vcmask $0x300  }
0x2: {  	vm14 =	vcmask $0x704;
	v0 =	vsel vm0, $0x0, v0  }
0x3: {  	s2 =	rddreg [dreg:$0x2];
	vm15 =	vcmask $0xB08;
	v0 =	vsel vm14, $0x80, v0  }
0x4: {  	s3 =	rddreg [dreg:$0x3];
	vm4 =	vcmask $0xF0C;
	v0 =	vsel vm15, $0x100, v0  }
0x5: {  	s4 =	rddreg [dreg:$0x4];
	vm5 =	vcmask $0x1310;
	v0 =	vsel vm4, $0x180, v0  }
0x6: {  	s5 =	rddreg [dreg:$0x5];
	vm6 =	vcmask $0x1714;
	v0 =	vsel vm5, $0x200, v0  }
0x7: {  	s13 =	rddreg [dreg:$0x6];
	s8 =	srdreg.scid;
	vm7 =	vcmask $0x1B18;
	v0 =	vsel vm6, $0x280, v0  }
0x8: {  	s0 =	stileid.u32;
	vm8 =	vcmask $0x1F1C;
	s16 =	simm.s32 $0x3;
	s17 =	simm.s32 $0x4000;
	v0 =	vsel vm7, $0x300, v0  }
0x9: {  	vm9 =	vcmask $0x2320;
	s18 =	simm.s32 $0x8080;
	s19 =	simm.s32 $0x1;
	s20 =	simm.s32 $0xC100;
	v0 =	vsel vm8, $0x380, v0  }
0xa: {  	vm10 =	vcmask $0x2724;
	s21 =	simm.s32 $0x10100;
	s22 =	simm.s32 $0x18900;
	s23 =	simm.s32 $0x14100;
	v1 =	vsel vm9, $0x2000, v0  }
0xb: {  	vm11 =	vcmask $0x2B28;
	vm12 =	vcmask $0x2F2C;
	s24 =	simm.s32 $0x0;
	s9 =	sand.u32 $0x1, s8;
	s8 =	simm.s32 $0x0;
	v2 =	vsel vm10, $0x2080, v1  }
.Ltmp0:
0xc: {  	vm13 =	vcmask $0x3330;
	v4 =	vimm.s32 $0x0;
	s10 =	sshll.u32 s0, $0x1;
	s14 =	sadd.s32 $0x1E8500, s3;
	v3 =	vsel vm11, $0x2100, v2;
	(pc) =	sbr.rel .LBB2_1-.Ltmp0, $4  }
0xd: {  	s11 =	ssub.s32 $0x2, s9;
	[smem:$0x7FF] =	sst s8;
	s9 =	sor.u32 s9, s10;
	vm14 =	vcmask $0x3734;
	v1 =	vlaneseq.u32;
	v3 =	vsel vm12, $0x2180, v3  }
0xe: {  	s10 =	sadd.s32 $0x800, s13;
	s13 =	sadd.s32 $0x20800, s13;
	s12 =	sshrl.u32 s11, $0x1;
	vm15 =	vcmask $0x3B38;
	v5 =	vsel vm13, $0x2200, v3;
	v3 =	vmul.u32 $0x240, v1  }
0xf: {  	_ =	strace $0x80000047;
	p0 =	sne.s32 s9, $0x10;
	s15 =	ssub.s32 s11, s12;
	v0 =	vmov s9;
	v2 =	vimm.s32 $0x7FFFFFFF;
	v6 =	vsel vm14, $0x2280, v5  }
0x10: {  	s11 =	sadd.s32 $0x1E8500, s2;
	s12 =	sshll.u32 s9, $0xB;
	s15 =	smax.u32 s15, $0x1;
	v5 =	vimm.f32 $0.0e+00;
	v6 =	vsel vm15, $0x2300, v6;
	v7 =	vadd.s32 $0x2400, v3  }
.LBB2_44:
0x11: {  	[sflag:s19] =	ssyncadd.s32 $0xFFFFFE00  }
.LBB2_45:
0x12: {  	s24 =	sadd.s32 $0x1, s24  }
0x13: {  	p1 =	sne.s32 s24, s15  }
.Ltmp1:
0x14: {  	_ = 	snop;
	(pc) =	sbr.rel @!p1 .LBB2_46-.Ltmp1, $1  }
0x15: {  	_ =	sdelay $0x3  }
.LBB2_1:
0x16: {  	v8 =	vor.u32 s8, v1;
	s0 =	rddreg [dreg:$0x0]  }
0x17: {  	[tilespmem:s8], [sflag:$0x3] =	stream.linear.gather [hbm4b:s0+s8], $0x4000, $0x38;
	[tilespmem:$0x1C900] =	vst v63  }
0x18: {  	_ =	swait.ge [sflag:s16], $0x4000  }
0x19: {  	[sflag:s16] =	ssyncset.done $0x0  }
0x1a: {  	[sflag:s16] =	ssyncadd.s32 $0xFFFFC000  }
0x1b: {  	v9 =	vld.idx.msk [tilespmem:v8+s8+$0x0], $0xffff;
	_ =	sdelay $0x4  }
0x1c: {  	v10 =	vshrl.u32 v9, $0xA  }
0x1d: {  	v10 =	vand.u32 $0x1F, v10  }
0x1e: {  	vm0 =	veq.s32 v10, v0  }
0x1f: {  	v10 =	vsel vm0, $0x1, v4  }
0x20: {  	(xrf0) =	vadd.scan.msk.s32 $0xffff, v10;
	_ =	sdelay $0x2  }
0x21: {  	v10 =	vmov s8  }
0x22: {  	v10 =	vadd.s32 $0xFFFFFFFF, v10  }
0x23: {  	v10 =	vbroadcast v10, $0x0  }
0x24: {  	v12, _, _ =	vpop (xrf0)  }
0x25: {  	v11 =	vadd.s32 v12, v10;
	(v2sf) =	vpush v12, $0xF  }
0x26: {  	s25 =	simm.s32 $0x10  }
0x27: {  	s26 =	simm.s32 $0x20;
	v10 =	vor.u32 s25, v1;
	s25 =	simm.s32 $0x0  }
.LBB2_2:
0x28: {  	p1 =	sne.s32 s26, $0x3FF0;
	_ =	sdelay $0x1  }
0x29: {  	[tilespmem:v11+s17+$0x0] =	vst.idx.msk vm0, v9  }
0x2a: {  	[tilespmem:v11+s18+$0x0] =	vst.idx.msk vm0, v8;
	v8 =	vmov v10  }
0x2b: {  	v9 =	vld.idx.msk [tilespmem:v10+s8+$0x0], $0xffff;
	_ =	sdelay $0x5  }
0x2c: {  	v10 =	vshrl.u32 v9, $0xA  }
0x2d: {  	v10 =	vand.u32 $0x1F, v10  }
0x2e: {  	vm0 =	veq.s32 v10, v0;
	s28 =	spop (v2sf)  }
0x2f: {  	v10 =	vsel vm0, $0x1, v4;
	s25 =	sadd.s32 s25, s28  }
0x30: {  	v11 =	vmov s25;
	(xrf0) =	vadd.scan.msk.s32 $0xffff, v10  }
0x31: {  	v10 =	vadd.s32 $0xFFFFFFFF, v11  }
0x32: {  	v10 =	vbroadcast v10, $0x0;
	_ =	sdelay $0x2  }
.Ltmp2:
0x33: {  	(pc) =	sbr.rel @p1 .LBB2_2-.Ltmp2, $3  }
0x34: {  	v12, _, _ =	vpop (xrf0)  }
0x35: {  	v11 =	vadd.s32 v12, v10;
	(v2sf) =	vpush v12, $0xF;
	_ =	sdelay $0x1  }
0x36: {  	v10 =	vor.u32 s26, v1;
	s26 =	sadd.s32 $0x10, s26  }
0x37: {  	_ =	sdelay $0x4  }
0x38: {  	[tilespmem:v11+s17+$0x0] =	vst.idx.msk vm0, v9  }
0x39: {  	[tilespmem:v11+s18+$0x0] =	vst.idx.msk vm0, v8  }
0x3a: {  	v8 =	vld.idx.msk [tilespmem:v10+s8+$0x0], $0xffff;
	_ =	sdelay $0x4  }
0x3b: {  	v61 =	vshrl.u32 v8, $0xA  }
0x3c: {  	v9 =	vand.u32 $0x1F, v61  }
0x3d: {  	vm15 =	veq.s32 v9, v0  }
0x3e: {  	v9 =	vsel vm15, $0x1, v4  }
0x3f: {  	(xrf0) =	vadd.scan.msk.s32 $0xffff, v9;
	_ =	sdelay $0x5  }
0x40: {  	v9, _, _ =	vpop (xrf0)  }
0x41: {  	(v2sf) =	vpush v9, $0xF;
	_ =	sdelay $0x8  }
0x42: {  	s26 =	spop (v2sf)  }
0x43: {  	s25 =	sadd.s32 s25, s26  }
0x44: {  	v62 =	vmov s25  }
0x45: {  	v11 =	vadd.s32 $0xFFFFFFFF, v62  }
0x46: {  	v11 =	vbroadcast v11, $0x0;
	_ =	sdelay $0x1  }
0x47: {  	v9 =	vadd.s32 v9, v11;
	s7 =	spop (v2sf)  }
0x48: {  	s25 =	sadd.s32 s25, s7  }
0x49: {  	s26 =	sadd.s32 $0xF, s25;
	v63 =	vadd.s32 s25, v1  }
0x4a: {  	s30 =	sand.u32 $0xF, s26;
	s28 =	sshra.s32 s26, $0x1F  }
.Ltmp3:
0x4b: {  	p1 =	slt.s32 s26, $0x1;
	p2 =	sne.s32 s30, $0x0;
	(pc) =	sbr.rel .LBB2_4-.Ltmp3, $4  }
0x4c: {  	[tilespmem:v9+s17+$0x0] =	vst.idx.msk vm15, v8;
	s31 =	sshrl.u32 s28, $0x1C;
	p1 =	por !p1, !p2  }
0x4d: {  	[tilespmem:v9+s18+$0x0] =	vst.idx.msk vm15, v10;
	s25 =	sadd.s32 s31, s26;
	s26 =	simm.s32 $0x1;
	p1 =	por !p1, !p1  }
0x4e: {  	s29 =	simm.s32 $0x0;
	s25 =	sshra.s32 s25, $0x4;
	s26 =	simm.s32 @!p1 $0x0;
	[tilespmem:v63+s17+$0x0] =	vst.idx.msk $0xffff, v2  }
0x4f: {  	s28 =	ssub.s32 s25, s26;
	[tilespmem:v63+s18+$0x0] =	vst.idx.msk $0xffff, v4;
	s26 =	simm.s32 $0x0;
	s25 =	simm.s32 $0x0  }
.LBB2_5:
0x50: {  	s25 =	smov.u32 @p1 s25;
	s26 =	smov.u32 @p1 s26  }
.LBB2_10:
0x51: {  	s29 =	sadd.s32 $0x1, s29  }
0x52: {  	p1 =	sne.s32 s29, $0x1F  }
.Ltmp4:
0x53: {  	_ = 	snop;
	(pc) =	sbr.rel @!p1 .LBB2_11-.Ltmp4, $1  }
0x54: {  	_ =	sdelay $0x3  }
.LBB2_4:
0x55: {  	s30 =	sshll.u32 s29, $0x5  }
0x56: {  	s31 =	sor.u32 s9, s30  }
0x57: {  	p1 =	sgt.u32 s31, $0x3CF  }
0x58: {  	s30 =	sshll.u32 @!p1 s31, $0xA;
	s7 =	simm.s32 @!p1 $0x2000  }
0x59: {  	s0 =	simm.s32 @!p1 $0x7A1400;
	s1 =	simm.s32 @!p1 $0xC100;
	s6 =	sadd.s32 @!p1 s2, s30  }
0x5a: {  	[tilespmem:s1], [sflag:$0x2] =	stream.strided.gather @!p1 [hbm4b:s6+s7], $0x4000, s0, s7, $0x38;
	[tilespmem:$0x1C900] =	vst v63  }
0x5b: {  	s1 =	sadd.s32 @!p1 s30, s11;
	s6 =	simm.s32 @!p1 $0x10100  }
0x5c: {  	[tilespmem:s6], [sflag:$0x2] =	stream.strided.gather @!p1 [hbm4b:s1+s7], $0x4000, s0, s7, $0x38;
	[tilespmem:$0x1C900] =	vst v63  }
0x5d: {  	p2 =	slt.s32 @!p1 s28, $0x1;
	s0 =	simm.s32 @!p1 $0x2  }
0x5e: {  	p2 =	por p1, p2;
	_ =	swait.ge @!p1 [sflag:s0], $0x4000  }
.Ltmp5:
0x5f: {  	[sflag:s0] =	ssyncset.done @!p1 $0x0;
	(pc) =	sbr.rel @p2 .LBB2_5-.Ltmp5, $4  }
0x60: {  	[sflag:s0] =	ssyncadd.s32 @!p1 $0xFFFFC000  }
0x61: {  	_ =	swait.ge @!p1 [sflag:s0], $0x4000  }
0x62: {  	[sflag:s0] =	ssyncset.done @!p1 $0x0  }
0x63: {  	[sflag:s0] =	ssyncadd.s32 @!p1 $0xFFFFC000  }
.Ltmp6:
0x64: {  	(pc) =	sbr.rel .LBB2_7-.Ltmp6, $2  }
0x65: {  	_ =	sdelay $0x2  }
0x66: {  	v8 =	vmov s31;
	s31 =	simm.s32 $0x0  }
.LBB2_9:
0x67: {  	s31 =	sadd.s32 $0x1, s31  }
0x68: {  	p1 =	sne.s32 s31, s28  }
.Ltmp7:
0x69: {  	_ = 	snop;
	(pc) =	sbr.rel @!p1 .LBB2_10-.Ltmp7, $1  }
0x6a: {  	_ =	sdelay $0x3  }
.LBB2_7:
0x6b: {  	s0 =	sshll.u32 s31, $0x4  }
0x6c: {  	v9 =	vor.u32 s0, v1;
	_ =	sdelay $0x4  }
0x6d: {  	v10 =	vld.idx.msk [tilespmem:v9+s17+$0x0], $0xffff;
	_ =	sdelay $0x4  }
0x6e: {  	v11 =	vshra.s32 v10, $0xA  }
0x6f: {  	vm0 =	veq.s32 v11, v8  }
0x70: {  	v11 =	vsel vm0, $0x3F800000, v5  }
0x71: {  	(xrf0) =	vmax.scan.msk.f32 $0xffff, v11;
	_ =	sdelay $0x5  }
0x72: {  	v11, _, _ =	vpop (xrf0)  }
0x73: {  	(v2sf) =	vpush v11, $0xF;
	_ =	sdelay $0xe  }
0x74: {  	s7 =	spop (v2sf)  }
0x75: {  	p1 =	sgt.f32 s7, $0.0e+00  }
.Ltmp8:
0x76: {  	_ = 	snop;
	(pc) =	sbr.rel @!p1 .LBB2_9-.Ltmp8, $1  }
0x77: {  	_ =	sdelay $0x3  }
.LBB2_8:
0x78: {  	v11 =	vmctz.xlane vm0;
	_ =	sdelay $0x1  }
0x79: {  	vm1 =	vne.s32 v11, v1  }
0x7a: {  	v11 =	vsel vm1, $0x0, v10  }
0x7b: {  	(xrf0) =	vadd.scan.msk.s32 $0xffff, v11;
	_ =	sdelay $0x5  }
0x7c: {  	v11, _, _ =	vpop (xrf0)  }
0x7d: {  	(v2sf) =	vpush v11, $0xF  }
0x7e: {  	v11 =	vld.idx.msk [tilespmem:v9+s18+$0x0], $0xffff;
	_ =	sdelay $0x4  }
0x7f: {  	v11 =	vsel vm1, $0x0, v11  }
0x80: {  	(xrf0) =	vadd.scan.msk.s32 $0xffff, v11;
	_ =	sdelay $0x5  }
0x81: {  	v11, _, _ =	vpop (xrf0)  }
0x82: {  	(v2sf) =	vpush v11, $0xF  }
0x83: {  	s0 =	spop (v2sf)  }
0x84: {  	s0 =	ssub.s32 s0, s30  }
0x85: {  	v11 =	vmov s0  }
0x86: {  	v12 =	vshll.u32 v11, $0x3  }
0x87: {  	v11 =	vand.u32 $0x7F, v11;
	v12 =	vand.u32 $0xFFFFFC00, v12  }
0x88: {  	v11 =	vor.u32 v11, v12  }
0x89: {  	v11 =	vadd.s32 v6, v11;
	_ =	sdelay $0x2  }
0x8a: {  	s0 =	sand.u32 $0x1FF, s25  }
0x8b: {  	s1 =	sshll.u32 s0, $0x5  }
0x8c: {  	v13 =	vor.u32 s1, v1;
	s6 =	sor.u32 $0x10, s1;
	v63 =	vld.idx.msk [tilespmem:v11+s20+$0x0], $0xffff  }
0x8d: {  	v14 =	vor.u32 s6, v1;
	v11 =	vld.idx.msk [tilespmem:v11+s21+$0x0], $0xffff;
	_ =	sdelay $0x1  }
0x8e: {  	s7 =	spop (v2sf)  }
0x8f: {  	s6 =	sshll.u32 s7, $0x2  }
0x90: {  	p1 =	sne.s32 s0, $0x1FF;
	s6 =	sand.u32 $0x1FFFFFFC, s6;
	[tilespmem:v13+s22+$0x0] =	vst.idx.msk $0xffff, v63  }
0x91: {  	s1 =	sadd.s32 $0x18900, s1;
	s0 =	simm.s32 @!p1 $0x1;
	s6 =	sadd.s32 s10, s6;
	[tilespmem:v14+s22+$0x0] =	vst.idx.msk $0xffff, v11  }
0x92: {  	vm0 =	vmand vm0, vm1;
	[hbm4b:s6+s8] =	stream.linear.scatter [tilespmem:s1], [sflag:$0x1], $0x20, $0x38;
	[tilespmem:$0x1C900] =	vst v63  }
0x93: {  	v11 =	vsel vm0, $0x3F800000, v5;
	_ =	swait.ge @!p1 [sflag:s0], $0x4000  }
0x94: {  	(xrf0) =	vmax.scan.msk.f32 $0xffff, v11;
	_ =	sdelay $0x5  }
0x95: {  	v11, _, _ =	vpop (xrf0)  }
0x96: {  	(v2sf) =	vpush v11, $0xF;
	_ =	sdelay $0xe  }
0x97: {  	s7 =	spop (v2sf)  }
0x98: {  	p2 =	sgt.f32 s7, $0.0e+00  }
.Ltmp9:
0x99: {  	_ = 	snop;
	(pc) =	sbr.rel @p2 .LBB2_8-.Ltmp9, $3  }
0x9a: {  	_ =	sdelay $0x1  }
0x9b: {  	s6 =	smov.u32 s26;
	s26 =	sadd.s32 @!p1 $0x1, s25;
	[sflag:s0] =	ssyncset.done @!p1 $0x0  }
0x9c: {  	s25 =	sadd.s32 $0x1, s25;
	s26 =	smov.u32 @p1 s6;
	[sflag:s0] =	ssyncadd.s32 @!p1 $0xFFFFC000  }
.Ltmp10:
0x9d: {  	_ = 	snop;
	(pc) =	sbr.rel .LBB2_9-.Ltmp10, $1  }
0x9e: {  	_ =	sdelay $0x3  }
.LBB2_11:
0x9f: {  	s29 =	simm.s32 @!p0 $0x0;
	s0 =	simm.s32 @!p0 $0x14100;
	p1 =	slt.s32 @!p0 s28, $0x1  }
0xa0: {  	[tilespmem:s0], [sflag:$0x3] =	stream.linear.gather @!p0 [hbm4b:s4+s29], $0x4800, $0x38;
	[tilespmem:$0x1C900] =	vst v63  }
0xa1: {  	p1 =	por p0, p1  }
.Ltmp11:
0xa2: {  	_ = 	snop;
	(pc) =	sbr.rel @!p1 .LBB2_13-.Ltmp11, $4  }
0xa3: {  	s0 =	simm.s32 @!p0 $0x3  }
0xa4: {  	_ =	swait.ge @!p0 [sflag:s0], $0x4800  }
0xa5: {  	[sflag:s0] =	ssyncset.done @!p0 $0x0  }
0xa6: {  	[sflag:s0] =	ssyncadd.s32 @!p0 $0xFFFFB800  }
0xa7: {  	s25 =	smov.u32 @p0 s25;
	s26 =	smov.u32 @p0 s26  }
.LBB2_16:
0xa8: {  	s0 =	sand.u32 $0xF, s25  }
0xa9: {  	p1 =	seq.s32 s0, $0x0  }
.Ltmp12:
0xaa: {  	_ = 	snop;
	(pc) =	sbr.rel @p1 .LBB2_19-.Ltmp12, $1  }
0xab: {  	_ =	sdelay $0x3  }
0xac: {  	s28 =	sshll.u32 s25, $0x5  }
.LBB2_18:
0xad: {  	s25 =	sadd.s32 $0x1, s25  }
0xae: {  	s31 =	sand.u32 $0xF, s25  }
0xaf: {  	p1 =	sne.s32 s31, $0x0  }
.Ltmp13:
0xb0: {  	s0 =	sand.u32 $0x7E0, s28;
	(pc) =	sbr.rel @p1 .LBB2_18-.Ltmp13, $4  }
0xb1: {  	s0 =	sor.u32 s12, s0  }
0xb2: {  	s1 =	sand.u32 $0x3FE0, s28;
	s0 =	sshrl.u32 s0, $0x3  }
0xb3: {  	s28 =	sadd.s32 $0x20, s28;
	s1 =	sadd.s32 $0x18900, s1;
	s0 =	sadd.s32 s0, s13  }
0xb4: {  	[hbm4b:s0+s8] =	stream.linear.scatter [tilespmem:s1], [sflag:$0x1], $0x20, $0x38;
	[tilespmem:$0x1C900] =	vst v63  }
.LBB2_19:
0xb5: {  	s0 =	ssub.s32 s25, s26;
	p1 =	sne.s32 s25, s26;
	s1 =	simm.s32 $0x1  }
0xb6: {  	s6 =	sshra.s32 s0, $0x1F;
	s1 =	simm.s32 @!p1 $0x0  }
0xb7: {  	s7 =	sand.u32 $0xF, s0;
	s1 =	sor.u32 s1, s6  }
0xb8: {  	p2 =	sne.s32 s7, $0x0;
	p6 =	sne.s32 s1, $0x1  }
0xb9: {  	s31 =	sshrl.u32 s6, $0x1C;
	p1 =	por !p2, !p6  }
0xba: {  	s0 =	sadd.s32 s31, s0;
	s1 =	simm.s32 $0x1;
	p1 =	por !p1, !p1  }
0xbb: {  	s0 =	sshra.s32 s0, $0x4;
	s1 =	simm.s32 @!p1 $0x0  }
0xbc: {  	s25 =	ssub.s32 s0, s1  }
0xbd: {  	p1 =	slt.s32 s25, $0x1  }
.Ltmp14:
0xbe: {  	_ = 	snop;
	(pc) =	sbr.rel @p1 .LBB2_23-.Ltmp14, $1  }
0xbf: {  	_ =	sdelay $0x3  }
0xc0: {  	p1 =	sne.s32 s25, $0x1  }
.Ltmp15:
0xc1: {  	_ = 	snop;
	(pc) =	sbr.rel @!p1 .LBB2_22-.Ltmp15, $3  }
0xc2: {  	_ =	sdelay $0x1  }
0xc3: {  	_ =	swait.ge [sflag:s19], $0x200  }
0xc4: {  	s25 =	sadd.s32 $0xFFFFFFFF, s25;
	[sflag:s19] =	ssyncset.done $0x0  }
.LBB2_21:
0xc5: {  	p1 =	sne.s32 s25, $0x1;
	s25 =	sadd.s32 $0xFFFFFFFF, s25;
	[sflag:s19] =	ssyncadd.s32 $0xFFFFFE00  }
.Ltmp16:
0xc6: {  	(pc) =	sbr.rel @p1 .LBB2_21-.Ltmp16, $3  }
0xc7: {  	_ =	sdelay $0x1  }
0xc8: {  	_ =	swait.ge [sflag:s19], $0x200  }
0xc9: {  	[sflag:s19] =	ssyncset.done $0x0  }
.LBB2_22:
0xca: {  	[sflag:s19] =	ssyncadd.s32 $0xFFFFFE00  }
.LBB2_23:
0xcb: {  	s25 =	simm.s32 $0x0  }
0xcc: {  	s0 =	rddreg [dreg:$0x1];
	v8 =	vor.u32 s25, v1  }
0xcd: {  	[tilespmem:s25], [sflag:$0x3] =	stream.linear.gather [hbm4b:s0+s25], $0x4000, $0x38;
	[tilespmem:$0x1C900] =	vst v63  }
0xce: {  	_ =	swait.ge [sflag:s16], $0x4000  }
0xcf: {  	[sflag:s16] =	ssyncset.done $0x0  }
0xd0: {  	[sflag:s16] =	ssyncadd.s32 $0xFFFFC000  }
0xd1: {  	v9 =	vld.idx.msk [tilespmem:v8+s8+$0x0], $0xffff;
	_ =	sdelay $0x4  }
0xd2: {  	v10 =	vshrl.u32 v9, $0xA  }
0xd3: {  	v10 =	vand.u32 $0x1F, v10  }
0xd4: {  	vm0 =	veq.s32 v10, v0  }
0xd5: {  	v10 =	vsel vm0, $0x1, v4  }
0xd6: {  	(xrf0) =	vadd.scan.msk.s32 $0xffff, v10;
	_ =	sdelay $0x2  }
0xd7: {  	v10 =	vmov s25  }
0xd8: {  	v10 =	vadd.s32 $0xFFFFFFFF, v10  }
0xd9: {  	v10 =	vbroadcast v10, $0x0  }
0xda: {  	v12, _, _ =	vpop (xrf0)  }
0xdb: {  	v11 =	vadd.s32 v12, v10;
	(v2sf) =	vpush v12, $0xF  }
0xdc: {  	s31 =	simm.s32 $0x10  }
0xdd: {  	s26 =	simm.s32 $0x20;
	v10 =	vor.u32 s31, v1  }
.LBB2_24:
0xde: {  	p1 =	sne.s32 s26, $0x3FF0;
	_ =	sdelay $0x1  }
0xdf: {  	[tilespmem:v11+s17+$0x0] =	vst.idx.msk vm0, v9  }
0xe0: {  	[tilespmem:v11+s18+$0x0] =	vst.idx.msk vm0, v8;
	v8 =	vmov v10  }
0xe1: {  	v9 =	vld.idx.msk [tilespmem:v10+s8+$0x0], $0xffff;
	_ =	sdelay $0x5  }
0xe2: {  	v10 =	vshrl.u32 v9, $0xA  }
0xe3: {  	v10 =	vand.u32 $0x1F, v10  }
0xe4: {  	vm0 =	veq.s32 v10, v0;
	s0 =	spop (v2sf)  }
0xe5: {  	v10 =	vsel vm0, $0x1, v4;
	s25 =	sadd.s32 s25, s0  }
0xe6: {  	v11 =	vmov s25;
	(xrf0) =	vadd.scan.msk.s32 $0xffff, v10  }
0xe7: {  	v10 =	vadd.s32 $0xFFFFFFFF, v11  }
0xe8: {  	v10 =	vbroadcast v10, $0x0;
	_ =	sdelay $0x2  }
.Ltmp17:
0xe9: {  	(pc) =	sbr.rel @p1 .LBB2_24-.Ltmp17, $3  }
0xea: {  	v12, _, _ =	vpop (xrf0)  }
0xeb: {  	v11 =	vadd.s32 v12, v10;
	(v2sf) =	vpush v12, $0xF;
	_ =	sdelay $0x1  }
0xec: {  	v10 =	vor.u32 s26, v1;
	s26 =	sadd.s32 $0x10, s26  }
0xed: {  	_ =	sdelay $0x4  }
0xee: {  	[tilespmem:v11+s17+$0x0] =	vst.idx.msk vm0, v9  }
0xef: {  	[tilespmem:v11+s18+$0x0] =	vst.idx.msk vm0, v8  }
0xf0: {  	v8 =	vld.idx.msk [tilespmem:v10+s8+$0x0], $0xffff;
	_ =	sdelay $0x4  }
0xf1: {  	v61 =	vshrl.u32 v8, $0xA  }
0xf2: {  	v9 =	vand.u32 $0x1F, v61  }
0xf3: {  	vm15 =	veq.s32 v9, v0  }
0xf4: {  	v9 =	vsel vm15, $0x1, v4  }
0xf5: {  	(xrf0) =	vadd.scan.msk.s32 $0xffff, v9;
	_ =	sdelay $0x5  }
0xf6: {  	v9, _, _ =	vpop (xrf0)  }
0xf7: {  	(v2sf) =	vpush v9, $0xF;
	_ =	sdelay $0x8  }
0xf8: {  	s0 =	spop (v2sf)  }
0xf9: {  	s0 =	sadd.s32 s25, s0  }
0xfa: {  	v62 =	vmov s0  }
0xfb: {  	v11 =	vadd.s32 $0xFFFFFFFF, v62  }
0xfc: {  	v11 =	vbroadcast v11, $0x0;
	_ =	sdelay $0x1  }
0xfd: {  	v9 =	vadd.s32 v9, v11;
	s1 =	spop (v2sf)  }
0xfe: {  	s0 =	sadd.s32 s0, s1  }
0xff: {  	s1 =	sadd.s32 $0xF, s0;
	v63 =	vadd.s32 s0, v1  }
0x100: {  	s30 =	sand.u32 $0xF, s1;
	s6 =	sshra.s32 s1, $0x1F  }
.Ltmp18:
0x101: {  	p1 =	slt.s32 s1, $0x1;
	p2 =	sne.s32 s30, $0x0;
	(pc) =	sbr.rel .LBB2_26-.Ltmp18, $4  }
0x102: {  	[tilespmem:v9+s17+$0x0] =	vst.idx.msk vm15, v8;
	s31 =	sshrl.u32 s6, $0x1C;
	p1 =	por !p1, !p2  }
0x103: {  	[tilespmem:v9+s18+$0x0] =	vst.idx.msk vm15, v10;
	s0 =	sadd.s32 s31, s1;
	s1 =	simm.s32 $0x1;
	p1 =	por !p1, !p1  }
0x104: {  	s26 =	simm.s32 $0x0;
	s0 =	sshra.s32 s0, $0x4;
	s1 =	simm.s32 @!p1 $0x0;
	[tilespmem:v63+s17+$0x0] =	vst.idx.msk $0xffff, v2  }
0x105: {  	s29 =	simm.s32 $0x0;
	s25 =	simm.s32 $0x0;
	s28 =	ssub.s32 s0, s1;
	[tilespmem:v63+s18+$0x0] =	vst.idx.msk $0xffff, v4  }
.LBB2_15:
0x106: {  	s29 =	sadd.s32 $0x1, s29  }
0x107: {  	p1 =	sne.s32 s29, s28  }
.Ltmp19:
0x108: {  	_ = 	snop;
	(pc) =	sbr.rel @!p1 .LBB2_16-.Ltmp19, $1  }
0x109: {  	_ =	sdelay $0x3  }
.LBB2_13:
0x10a: {  	s0 =	sshll.u32 s29, $0x4  }
0x10b: {  	v8 =	vor.u32 s0, v1;
	_ =	sdelay $0x4  }
0x10c: {  	v9 =	vld.idx.msk [tilespmem:v8+s17+$0x0], $0xffff;
	_ =	sdelay $0x4  }
0x10d: {  	v10 =	vand.u32 $0xFFFFFC00, v9  }
0x10e: {  	vm0 =	veq.s32 v10, $0xF4000  }
0x10f: {  	v10 =	vsel vm0, $0x3F800000, v5  }
0x110: {  	(xrf0) =	vmax.scan.msk.f32 $0xffff, v10;
	_ =	sdelay $0x5  }
0x111: {  	v10, _, _ =	vpop (xrf0)  }
0x112: {  	(v2sf) =	vpush v10, $0xF;
	_ =	sdelay $0xe  }
0x113: {  	s31 =	spop (v2sf)  }
0x114: {  	p1 =	sgt.f32 s31, $0.0e+00  }
.Ltmp20:
0x115: {  	_ = 	snop;
	(pc) =	sbr.rel @!p1 .LBB2_15-.Ltmp20, $1  }
0x116: {  	_ =	sdelay $0x3  }
.LBB2_14:
0x117: {  	v10 =	vmctz.xlane vm0;
	_ =	sdelay $0x1  }
0x118: {  	vm1 =	vne.s32 v10, v1  }
0x119: {  	v10 =	vsel vm1, $0x0, v9  }
0x11a: {  	(xrf0) =	vadd.scan.msk.s32 $0xffff, v10;
	_ =	sdelay $0x3  }
0x11b: {  	v10 =	vld.idx.msk [tilespmem:v8+s18+$0x0], $0xffff;
	_ =	sdelay $0x1  }
0x11c: {  	v11, _, _ =	vpop (xrf0)  }
0x11d: {  	(v2sf) =	vpush v11, $0xF;
	_ =	sdelay $0x1  }
0x11e: {  	v10 =	vsel vm1, $0x0, v10  }
0x11f: {  	(xrf0) =	vadd.scan.msk.s32 $0xffff, v10;
	_ =	sdelay $0x5  }
0x120: {  	v10, _, _ =	vpop (xrf0)  }
0x121: {  	(v2sf) =	vpush v10, $0xF;
	_ =	sdelay $0x4  }
0x122: {  	s0 =	spop (v2sf)  }
0x123: {  	s0 =	sadd.s32 $0xFFF0C000, s0  }
0x124: {  	v10 =	vadd.s32 s0, v3  }
0x125: {  	v11 =	vadd.s32 s0, v7;
	_ =	sdelay $0x1  }
0x126: {  	s7 =	sand.u32 $0x1FF, s25  }
0x127: {  	s1 =	sshll.u32 s7, $0x5  }
0x128: {  	v12 =	vor.u32 s1, v1;
	s6 =	sor.u32 $0x10, s1;
	v10 =	vld.idx.msk [tilespmem:v10+s23+$0x0], $0xffff  }
0x129: {  	v13 =	vor.u32 s6, v1;
	v11 =	vld.idx.msk [tilespmem:v11+s23+$0x0], $0xffff;
	_ =	sdelay $0x1  }
0x12a: {  	s30 =	spop (v2sf)  }
0x12b: {  	s6 =	sshll.u32 s30, $0x2  }
0x12c: {  	p1 =	sne.s32 s7, $0x1FF;
	s6 =	sand.u32 $0x1FFFFFFC, s6;
	[tilespmem:v12+s22+$0x0] =	vst.idx.msk $0xffff, v10  }
0x12d: {  	s1 =	sadd.s32 $0x18900, s1;
	s0 =	simm.s32 @!p1 $0x1;
	s6 =	sadd.s32 s10, s6;
	[tilespmem:v13+s22+$0x0] =	vst.idx.msk $0xffff, v11  }
0x12e: {  	vm0 =	vmand vm0, vm1;
	[hbm4b:s6+s8] =	stream.linear.scatter [tilespmem:s1], [sflag:$0x1], $0x20, $0x38;
	[tilespmem:$0x1C900] =	vst v63  }
0x12f: {  	v10 =	vsel vm0, $0x3F800000, v5;
	_ =	swait.ge @!p1 [sflag:s0], $0x4000  }
0x130: {  	(xrf0) =	vmax.scan.msk.f32 $0xffff, v10;
	_ =	sdelay $0x5  }
0x131: {  	v10, _, _ =	vpop (xrf0)  }
0x132: {  	(v2sf) =	vpush v10, $0xF;
	_ =	sdelay $0xe  }
0x133: {  	s31 =	spop (v2sf)  }
0x134: {  	p2 =	sgt.f32 s31, $0.0e+00  }
.Ltmp21:
0x135: {  	_ = 	snop;
	(pc) =	sbr.rel @p2 .LBB2_14-.Ltmp21, $3  }
0x136: {  	_ =	sdelay $0x1  }
0x137: {  	s6 =	smov.u32 s26;
	s26 =	sadd.s32 @!p1 $0x1, s25;
	[sflag:s0] =	ssyncset.done @!p1 $0x0  }
0x138: {  	s25 =	sadd.s32 $0x1, s25;
	s26 =	smov.u32 @p1 s6;
	[sflag:s0] =	ssyncadd.s32 @!p1 $0xFFFFC000  }
.Ltmp22:
0x139: {  	_ = 	snop;
	(pc) =	sbr.rel .LBB2_15-.Ltmp22, $1  }
0x13a: {  	_ =	sdelay $0x3  }
.LBB2_27:
0x13b: {  	s25 =	smov.u32 @p1 s25;
	s26 =	smov.u32 @p1 s26  }
.LBB2_32:
0x13c: {  	s29 =	sadd.s32 $0x1, s29  }
0x13d: {  	p1 =	sne.s32 s29, $0x1F  }
.Ltmp23:
0x13e: {  	_ = 	snop;
	(pc) =	sbr.rel @!p1 .LBB2_33-.Ltmp23, $1  }
0x13f: {  	_ =	sdelay $0x3  }
.LBB2_26:
0x140: {  	s0 =	sshll.u32 s29, $0x5  }
0x141: {  	s31 =	sor.u32 s9, s0  }
0x142: {  	p1 =	sgt.u32 s31, $0x3CF  }
0x143: {  	s30 =	sshll.u32 @!p1 s31, $0xA;
	s1 =	simm.s32 @!p1 $0x2000  }
0x144: {  	s6 =	simm.s32 @!p1 $0x7A1400;
	s7 =	simm.s32 @!p1 $0xC100;
	s0 =	sadd.s32 @!p1 s3, s30  }
0x145: {  	[tilespmem:s7], [sflag:$0x2] =	stream.strided.gather @!p1 [hbm4b:s0+s1], $0x4000, s6, s1, $0x38;
	[tilespmem:$0x1C900] =	vst v63  }
0x146: {  	s0 =	sadd.s32 @!p1 s30, s14;
	s7 =	simm.s32 @!p1 $0x10100  }
0x147: {  	[tilespmem:s7], [sflag:$0x2] =	stream.strided.gather @!p1 [hbm4b:s0+s1], $0x4000, s6, s1, $0x38;
	[tilespmem:$0x1C900] =	vst v63  }
0x148: {  	p2 =	slt.s32 @!p1 s28, $0x1;
	s0 =	simm.s32 @!p1 $0x2  }
0x149: {  	p2 =	por p1, p2;
	_ =	swait.ge @!p1 [sflag:s0], $0x4000  }
.Ltmp24:
0x14a: {  	[sflag:s0] =	ssyncset.done @!p1 $0x0;
	(pc) =	sbr.rel @p2 .LBB2_27-.Ltmp24, $4  }
0x14b: {  	[sflag:s0] =	ssyncadd.s32 @!p1 $0xFFFFC000  }
0x14c: {  	_ =	swait.ge @!p1 [sflag:s0], $0x4000  }
0x14d: {  	[sflag:s0] =	ssyncset.done @!p1 $0x0  }
0x14e: {  	[sflag:s0] =	ssyncadd.s32 @!p1 $0xFFFFC000  }
.Ltmp25:
0x14f: {  	(pc) =	sbr.rel .LBB2_29-.Ltmp25, $2  }
0x150: {  	_ =	sdelay $0x2  }
0x151: {  	v8 =	vmov s31;
	s31 =	simm.s32 $0x0  }
.LBB2_31:
0x152: {  	s31 =	sadd.s32 $0x1, s31  }
0x153: {  	p1 =	sne.s32 s31, s28  }
.Ltmp26:
0x154: {  	_ = 	snop;
	(pc) =	sbr.rel @!p1 .LBB2_32-.Ltmp26, $1  }
0x155: {  	_ =	sdelay $0x3  }
.LBB2_29:
0x156: {  	s0 =	sshll.u32 s31, $0x4  }
0x157: {  	v9 =	vor.u32 s0, v1;
	_ =	sdelay $0x4  }
0x158: {  	v10 =	vld.idx.msk [tilespmem:v9+s17+$0x0], $0xffff;
	_ =	sdelay $0x4  }
0x159: {  	v11 =	vshra.s32 v10, $0xA  }
0x15a: {  	vm0 =	veq.s32 v11, v8  }
0x15b: {  	v11 =	vsel vm0, $0x3F800000, v5  }
0x15c: {  	(xrf0) =	vmax.scan.msk.f32 $0xffff, v11;
	_ =	sdelay $0x5  }
0x15d: {  	v11, _, _ =	vpop (xrf0)  }
0x15e: {  	(v2sf) =	vpush v11, $0xF;
	_ =	sdelay $0xe  }
0x15f: {  	s7 =	spop (v2sf)  }
0x160: {  	p1 =	sgt.f32 s7, $0.0e+00  }
.Ltmp27:
0x161: {  	_ = 	snop;
	(pc) =	sbr.rel @!p1 .LBB2_31-.Ltmp27, $1  }
0x162: {  	_ =	sdelay $0x3  }
.LBB2_30:
0x163: {  	v11 =	vmctz.xlane vm0;
	_ =	sdelay $0x1  }
0x164: {  	vm1 =	vne.s32 v11, v1  }
0x165: {  	v11 =	vsel vm1, $0x0, v10  }
0x166: {  	(xrf0) =	vadd.scan.msk.s32 $0xffff, v11;
	_ =	sdelay $0x5  }
0x167: {  	v11, _, _ =	vpop (xrf0)  }
0x168: {  	(v2sf) =	vpush v11, $0xF;
	v11 =	vld.idx.msk [tilespmem:v9+s18+$0x0], $0xffff;
	_ =	sdelay $0x4  }
0x169: {  	v11 =	vsel vm1, $0x0, v11  }
0x16a: {  	(xrf0) =	vadd.scan.msk.s32 $0xffff, v11;
	_ =	sdelay $0x5  }
0x16b: {  	v11, _, _ =	vpop (xrf0)  }
0x16c: {  	(v2sf) =	vpush v11, $0xF;
	_ =	sdelay $0x1  }
0x16d: {  	s0 =	spop (v2sf)  }
0x16e: {  	s0 =	ssub.s32 s0, s30  }
0x16f: {  	v11 =	vmov s0  }
0x170: {  	v12 =	vshll.u32 v11, $0x3  }
0x171: {  	v11 =	vand.u32 $0x7F, v11;
	v12 =	vand.u32 $0xFFFFFC00, v12  }
0x172: {  	v11 =	vor.u32 v11, v12  }
0x173: {  	v11 =	vadd.s32 v6, v11;
	_ =	sdelay $0x2  }
0x174: {  	s0 =	sand.u32 $0x1FF, s25  }
0x175: {  	s1 =	sshll.u32 s0, $0x5  }
0x176: {  	v13 =	vor.u32 s1, v1;
	s6 =	sor.u32 $0x10, s1;
	v63 =	vld.idx.msk [tilespmem:v11+s20+$0x0], $0xffff  }
0x177: {  	v14 =	vor.u32 s6, v1;
	v11 =	vld.idx.msk [tilespmem:v11+s21+$0x0], $0xffff  }
0x178: {  	s7 =	spop (v2sf)  }
0x179: {  	s6 =	sshll.u32 s7, $0x5  }
0x17a: {  	s6 =	sadd.s32 $0x80000, s6  }
0x17b: {  	p1 =	sne.s32 s0, $0x1FF;
	[tilespmem:v13+s22+$0x0] =	vst.idx.msk $0xffff, v63;
	s6 =	sshrl.u32 s6, $0x3  }
0x17c: {  	s1 =	sadd.s32 $0x18900, s1;
	s0 =	simm.s32 @!p1 $0x1;
	[tilespmem:v14+s22+$0x0] =	vst.idx.msk $0xffff, v11;
	s6 =	sadd.s32 s10, s6  }
0x17d: {  	vm0 =	vmand vm0, vm1;
	[hbm4b:s6+s8] =	stream.linear.scatter [tilespmem:s1], [sflag:$0x1], $0x20, $0x38;
	[tilespmem:$0x1C900] =	vst v63  }
0x17e: {  	v11 =	vsel vm0, $0x3F800000, v5;
	_ =	swait.ge @!p1 [sflag:s0], $0x4000  }
0x17f: {  	(xrf0) =	vmax.scan.msk.f32 $0xffff, v11;
	_ =	sdelay $0x5  }
0x180: {  	v11, _, _ =	vpop (xrf0)  }
0x181: {  	(v2sf) =	vpush v11, $0xF;
	_ =	sdelay $0xe  }
0x182: {  	s7 =	spop (v2sf)  }
0x183: {  	p2 =	sgt.f32 s7, $0.0e+00  }
.Ltmp28:
0x184: {  	_ = 	snop;
	(pc) =	sbr.rel @p2 .LBB2_30-.Ltmp28, $3  }
0x185: {  	_ =	sdelay $0x1  }
0x186: {  	s6 =	smov.u32 s26;
	s26 =	sadd.s32 @!p1 $0x1, s25;
	[sflag:s0] =	ssyncset.done @!p1 $0x0  }
0x187: {  	s25 =	sadd.s32 $0x1, s25;
	s26 =	smov.u32 @p1 s6;
	[sflag:s0] =	ssyncadd.s32 @!p1 $0xFFFFC000  }
.Ltmp29:
0x188: {  	_ = 	snop;
	(pc) =	sbr.rel .LBB2_31-.Ltmp29, $1  }
0x189: {  	_ =	sdelay $0x3  }
.LBB2_33:
0x18a: {  	s29 =	simm.s32 @!p0 $0x0;
	s0 =	simm.s32 @!p0 $0x14100;
	p1 =	slt.s32 @!p0 s28, $0x1  }
0x18b: {  	[tilespmem:s0], [sflag:$0x3] =	stream.linear.gather @!p0 [hbm4b:s5+s29], $0x4800, $0x38;
	[tilespmem:$0x1C900] =	vst v63  }
0x18c: {  	p1 =	por p0, p1  }
.Ltmp30:
0x18d: {  	_ = 	snop;
	(pc) =	sbr.rel @!p1 .LBB2_35-.Ltmp30, $4  }
0x18e: {  	s0 =	simm.s32 @!p0 $0x3  }
0x18f: {  	_ =	swait.ge @!p0 [sflag:s0], $0x4800  }
0x190: {  	[sflag:s0] =	ssyncset.done @!p0 $0x0  }
0x191: {  	[sflag:s0] =	ssyncadd.s32 @!p0 $0xFFFFB800  }
0x192: {  	s25 =	smov.u32 @p0 s25;
	s26 =	smov.u32 @p0 s26  }
.LBB2_38:
0x193: {  	s0 =	sand.u32 $0xF, s25  }
0x194: {  	p1 =	seq.s32 s0, $0x0  }
.Ltmp31:
0x195: {  	_ = 	snop;
	(pc) =	sbr.rel @p1 .LBB2_41-.Ltmp31, $1  }
0x196: {  	_ =	sdelay $0x3  }
0x197: {  	s28 =	sshll.u32 s25, $0x5  }
.LBB2_40:
0x198: {  	s25 =	sadd.s32 $0x1, s25  }
0x199: {  	s31 =	sand.u32 $0xF, s25  }
0x19a: {  	p1 =	sne.s32 s31, $0x0  }
.Ltmp32:
0x19b: {  	s0 =	sand.u32 $0x7E0, s28;
	(pc) =	sbr.rel @p1 .LBB2_40-.Ltmp32, $4  }
0x19c: {  	s0 =	sor.u32 s12, s0  }
0x19d: {  	s1 =	sand.u32 $0x3FE0, s28;
	s0 =	sshrl.u32 s0, $0x3  }
0x19e: {  	s28 =	sadd.s32 $0x20, s28;
	s1 =	sadd.s32 $0x18900, s1;
	s0 =	sadd.s32 s0, s13  }
0x19f: {  	[hbm4b:s0+s8] =	stream.linear.scatter [tilespmem:s1], [sflag:$0x1], $0x20, $0x38;
	[tilespmem:$0x1C900] =	vst v63  }
.LBB2_41:
0x1a0: {  	s0 =	ssub.s32 s25, s26;
	p1 =	sne.s32 s25, s26;
	s1 =	simm.s32 $0x1  }
0x1a1: {  	s6 =	sshra.s32 s0, $0x1F;
	s1 =	simm.s32 @!p1 $0x0  }
0x1a2: {  	s7 =	sand.u32 $0xF, s0;
	s1 =	sor.u32 s1, s6  }
0x1a3: {  	p2 =	sne.s32 s7, $0x0;
	p6 =	sne.s32 s1, $0x1  }
0x1a4: {  	s31 =	sshrl.u32 s6, $0x1C;
	p1 =	por !p2, !p6  }
0x1a5: {  	s0 =	sadd.s32 s31, s0;
	s1 =	simm.s32 $0x1;
	p1 =	por !p1, !p1  }
0x1a6: {  	s0 =	sshra.s32 s0, $0x4;
	s1 =	simm.s32 @!p1 $0x0  }
0x1a7: {  	s25 =	ssub.s32 s0, s1  }
0x1a8: {  	p1 =	slt.s32 s25, $0x1  }
.Ltmp33:
0x1a9: {  	_ = 	snop;
	(pc) =	sbr.rel @p1 .LBB2_45-.Ltmp33, $1  }
0x1aa: {  	_ =	sdelay $0x3  }
0x1ab: {  	p1 =	sne.s32 s25, $0x1  }
.Ltmp34:
0x1ac: {  	_ = 	snop;
	(pc) =	sbr.rel @!p1 .LBB2_44-.Ltmp34, $3  }
0x1ad: {  	_ =	sdelay $0x1  }
0x1ae: {  	_ =	swait.ge [sflag:s19], $0x200  }
0x1af: {  	s25 =	sadd.s32 $0xFFFFFFFF, s25;
	[sflag:s19] =	ssyncset.done $0x0  }
.LBB2_43:
0x1b0: {  	p1 =	sne.s32 s25, $0x1;
	s25 =	sadd.s32 $0xFFFFFFFF, s25;
	[sflag:s19] =	ssyncadd.s32 $0xFFFFFE00  }
.Ltmp35:
0x1b1: {  	(pc) =	sbr.rel @p1 .LBB2_43-.Ltmp35, $3  }
0x1b2: {  	_ =	sdelay $0x1  }
0x1b3: {  	_ =	swait.ge [sflag:s19], $0x200  }
0x1b4: {  	[sflag:s19] =	ssyncset.done $0x0  }
.Ltmp36:
0x1b5: {  	_ = 	snop;
	(pc) =	sbr.rel .LBB2_44-.Ltmp36, $1  }
0x1b6: {  	_ =	sdelay $0x3  }
.LBB2_37:
0x1b7: {  	s29 =	sadd.s32 $0x1, s29  }
0x1b8: {  	p1 =	sne.s32 s29, s28  }
.Ltmp37:
0x1b9: {  	_ = 	snop;
	(pc) =	sbr.rel @!p1 .LBB2_38-.Ltmp37, $1  }
0x1ba: {  	_ =	sdelay $0x3  }
.LBB2_35:
0x1bb: {  	s0 =	sshll.u32 s29, $0x4  }
0x1bc: {  	v8 =	vor.u32 s0, v1;
	_ =	sdelay $0x4  }
0x1bd: {  	v9 =	vld.idx.msk [tilespmem:v8+s17+$0x0], $0xffff;
	_ =	sdelay $0x4  }
0x1be: {  	v10 =	vand.u32 $0xFFFFFC00, v9  }
0x1bf: {  	vm0 =	veq.s32 v10, $0xF4000  }
0x1c0: {  	v10 =	vsel vm0, $0x3F800000, v5  }
0x1c1: {  	(xrf0) =	vmax.scan.msk.f32 $0xffff, v10;
	_ =	sdelay $0x5  }
0x1c2: {  	v10, _, _ =	vpop (xrf0)  }
0x1c3: {  	(v2sf) =	vpush v10, $0xF;
	_ =	sdelay $0xe  }
0x1c4: {  	s31 =	spop (v2sf)  }
0x1c5: {  	p1 =	sgt.f32 s31, $0.0e+00  }
.Ltmp38:
0x1c6: {  	_ = 	snop;
	(pc) =	sbr.rel @!p1 .LBB2_37-.Ltmp38, $1  }
0x1c7: {  	_ =	sdelay $0x3  }
.LBB2_36:
0x1c8: {  	v10 =	vmctz.xlane vm0;
	_ =	sdelay $0x1  }
0x1c9: {  	vm1 =	vne.s32 v10, v1  }
0x1ca: {  	v10 =	vsel vm1, $0x0, v9  }
0x1cb: {  	(xrf0) =	vadd.scan.msk.s32 $0xffff, v10;
	_ =	sdelay $0x2  }
0x1cc: {  	v10 =	vld.idx.msk [tilespmem:v8+s18+$0x0], $0xffff;
	_ =	sdelay $0x2  }
0x1cd: {  	v11, _, _ =	vpop (xrf0)  }
0x1ce: {  	(v2sf) =	vpush v11, $0xF  }
0x1cf: {  	v10 =	vsel vm1, $0x0, v10  }
0x1d0: {  	(xrf0) =	vadd.scan.msk.s32 $0xffff, v10;
	_ =	sdelay $0x5  }
0x1d1: {  	v10, _, _ =	vpop (xrf0)  }
0x1d2: {  	(v2sf) =	vpush v10, $0xF;
	_ =	sdelay $0x5  }
0x1d3: {  	s0 =	spop (v2sf)  }
0x1d4: {  	s0 =	sadd.s32 $0xFFF0C000, s0  }
0x1d5: {  	v10 =	vadd.s32 s0, v3  }
0x1d6: {  	v11 =	vadd.s32 s0, v7;
	_ =	sdelay $0x1  }
0x1d7: {  	s7 =	sand.u32 $0x1FF, s25  }
0x1d8: {  	s1 =	sshll.u32 s7, $0x5  }
0x1d9: {  	v12 =	vor.u32 s1, v1;
	s6 =	sor.u32 $0x10, s1;
	v10 =	vld.idx.msk [tilespmem:v10+s23+$0x0], $0xffff  }
0x1da: {  	v13 =	vor.u32 s6, v1;
	v11 =	vld.idx.msk [tilespmem:v11+s23+$0x0], $0xffff  }
0x1db: {  	s30 =	spop (v2sf)  }
0x1dc: {  	s6 =	sshll.u32 s30, $0x5  }
0x1dd: {  	s6 =	sadd.s32 $0x80000, s6  }
0x1de: {  	p1 =	sne.s32 s7, $0x1FF;
	s6 =	sshrl.u32 s6, $0x3;
	[tilespmem:v12+s22+$0x0] =	vst.idx.msk $0xffff, v10  }
0x1df: {  	s1 =	sadd.s32 $0x18900, s1;
	s0 =	simm.s32 @!p1 $0x1;
	s6 =	sadd.s32 s10, s6;
	[tilespmem:v13+s22+$0x0] =	vst.idx.msk $0xffff, v11  }
0x1e0: {  	vm0 =	vmand vm0, vm1;
	[hbm4b:s6+s8] =	stream.linear.scatter [tilespmem:s1], [sflag:$0x1], $0x20, $0x38;
	[tilespmem:$0x1C900] =	vst v63  }
0x1e1: {  	v10 =	vsel vm0, $0x3F800000, v5;
	_ =	swait.ge @!p1 [sflag:s0], $0x4000  }
0x1e2: {  	(xrf0) =	vmax.scan.msk.f32 $0xffff, v10;
	_ =	sdelay $0x5  }
0x1e3: {  	v10, _, _ =	vpop (xrf0)  }
0x1e4: {  	(v2sf) =	vpush v10, $0xF;
	_ =	sdelay $0xe  }
0x1e5: {  	s31 =	spop (v2sf)  }
0x1e6: {  	p2 =	sgt.f32 s31, $0.0e+00  }
.Ltmp39:
0x1e7: {  	_ = 	snop;
	(pc) =	sbr.rel @p2 .LBB2_36-.Ltmp39, $3  }
0x1e8: {  	_ =	sdelay $0x1  }
0x1e9: {  	s6 =	smov.u32 s26;
	s26 =	sadd.s32 @!p1 $0x1, s25;
	[sflag:s0] =	ssyncset.done @!p1 $0x0  }
0x1ea: {  	s25 =	sadd.s32 $0x1, s25;
	s26 =	smov.u32 @p1 s6;
	[sflag:s0] =	ssyncadd.s32 @!p1 $0xFFFFC000  }
.Ltmp40:
0x1eb: {  	_ = 	snop;
	(pc) =	sbr.rel .LBB2_37-.Ltmp40, $1  }
0x1ec: {  	_ =	sdelay $0x3  }
.LBB2_46:
0x1ed: {  	_ =	sfence.sel $0x180000  }
0x1ee: {  	[bflag:$0x0] =	sbarrier.arrive $0xFFFF  }
0x1ef: {  	_ =	strace $0x90000047  }
0x1f0: {  	s0 =	stileid.u32;
	[bflag:$0x2] =	sbarrier.arrive $0xFFFF  }
0x1f1: {  	p0 =	sne.s32 s0, $0x0;
	s0 =	rddreg [dreg:$0x7]  }
0x1f2: {  	s0 =	sadd.s32 @!p0 $0x100000, s0  }
0x1f3: {  	[sflag:s0] =	ssyncadd.tile.s32 @!p0 $0x1;
	_ =	shalt  }
.Lfunc_end2:
_tile_overlayer_lowered:
.L_overlay_start_2:
0x1f4: {  	(tag) =	ssettag $0x2  }
0x1f5: {  	s0 =	rddreg [dreg:$0x0];
	s2 =	stileid.u32  }
0x1f6: {  	s1 =	rddreg [dreg:$0x1];
	p0 =	sne.s32 s2, $0x0  }
0x1f7: {  	s3 =	rddreg [dreg:$0x2];
	[bflag:$0x3] =	sbarrier.arrive $0xFFFF;
	s2 =	simm.s32 @!p0 $0x1C03  }
0x1f8: {  	[timem:s3], [sflag:s2] =	dma.local @!p0 [hbm:s0], s1  }
0x1f9: {  	s0 =	simm.s32 @!p0 $0x3  }
0x1fa: {  	_ =	swait.ge @!p0 [sflag:s0], s1  }
0x1fb: {  	s1 =	ssub.s32 @!p0 $0x0, s1;
	[sflag:s0] =	ssyncset.done @!p0 $0x0  }
0x1fc: {  	[sflag:s0] =	ssyncadd.s32 @!p0 s1  }
0x1fd: {  	[bflag:$0x3] =	sbarrier.arrive $0xFFFF  }
0x1fe: {  	_ =	shalt  }

// kernel: _factorization_sc.7.cloned.1.call-start
scs
__scs_entry_jumppad:
0x0: {  	(pc) =	sbr.rel $0x88, $3  }
0x1: {  	(tag) =	ssettag $0x0;
	lr =	simm.s32 $0x1  }
0x2: {  	[smem:$0x3F99] =	sst lr;
	_ =	strace $0xD0000000  }
0x3: {  	_ = 	snop  }
0x4: {  	_ = 	snop  }
0x5: {  	_ = 	snop  }
0x6: {  	_ = 	snop  }
0x7: {  	_ = 	snop  }
__scs_overlays_trampoline_lowered:
0x8: {  	[smem:$0x3FA8] =	sst s0  }
0x9: {  	[smem:$0x3FA9] =	sst s1  }
0xa: {  	[smem:$0x3FAA] =	sst s2  }
0xb: {  	[smem:$0x3FAB] =	sst s3  }
0xc: {  	[smem:$0x3FAC] =	sst s4  }
0xd: {  	[smem:$0x3FAD] =	sst s5  }
0xe: {  	[smem:$0x3FAE] =	sst s6  }
0xf: {  	[smem:$0x3FAF] =	sst s7  }
0x10: {  	[smem:$0x3FB0] =	sst s8  }
0x11: {  	[smem:$0x3FB1] =	sst s9;
	s0 =	simm.s32 @!p0 $0x0  }
0x12: {  	s1 =	sld [smem:$0x3F97];
	s0 =	simm.s32 @p0 $0x1  }
0x13: {  	[smem:$0x3FB2] =	sst s0;
	s0 =	simm.s32 @!p1 $0x0  }
0x14: {  	s2 =	sld [smem:$0x3F96];
	s0 =	simm.s32 @p1 $0x1  }
0x15: {  	[smem:$0x3FB3] =	sst s0;
	s0 =	simm.s32 @!p2 $0x0  }
0x16: {  	s3 =	sld [smem:$0x3FDB];
	s0 =	simm.s32 @p2 $0x1  }
0x17: {  	s4 =	simm.s32 $0x1BF5;
	[smem:$0x3FB5] =	sst s0  }
0x18: {  	s0 =	sld [smem:$0x3F98];
	_ =	swait.ge [sflag:s4], $0x0  }
0x19: {  	s7 =	sld [smem:$0x3F99]  }
0x1a: {  	s8 =	sadd.s32 $0xFFFFE003, lr  }
0x1b: {  	s9 =	sadd.s32 $0xFFFFFEF7, lr;
	s5 =	simm.s32 $0xFFFFFFFF;
	p2 =	slt.u32 s8, $0xFFFFF086  }
0x1c: {  	p1 =	slt.u32 s9, $0xF7A;
	s5 =	simm.s32 @!p2 $0x0  }
0x1d: {  	s5 =	simm.s32 @p1 $0x1;
	p0 =	seq.s32 s7, s2  }
0x1e: {  	s7 =	smul.u32 @!p0 $0xF7A, s2;
	p2 =	seq.s32 @!p0 s5, $0x0  }
0x1f: {  	s9 =	smul.u32 $0xF7A, s1;
	s8 =	simm.s32 @!p0 $0x1BF5;
	p2 =	por !p2, p0  }
0x20: {  	[sflag:s8] =	ssyncset.s32 @!p0 $0xFFFFF086;
	s6 =	sadd.s32 @!p0 s3, s7;
	s7 =	simm.s32 @!p0 $0x108  }
0x21: {  	s3 =	sadd.s32 s3, s9;
	s6 =	sadd.s32 @!p0 $0x88, s6;
	s7 =	simm.s32 @p2 $0x1082  }
0x22: {  	[simem:s7], [sflag:s8] =	dma.local @!p0 [hbm:s6], $0xF7A  }
0x23: {  	s9 =	sor.u32 $0xD0000000, s2;
	s6 =	simm.s32 $0x108;
	_ =	swait.ge @!p0 [sflag:s8], $0x0  }
0x24: {  	s3 =	sadd.s32 $0x88, s3;
	s6 =	simm.s32 @!p1 $0x1082;
	[sflag:s4] =	ssyncset.s32 $0xFFFFF086  }
0x25: {  	[simem:s6], [sflag:s4] =	dma.local [hbm:s3], $0xF7A  }
0x26: {  	[smem:$0x3F99] =	sst s1;
	(tag) =	ssettag s2;
	_ =	strace s9  }
0x27: {  	s1 =	sld [smem:$0x3FA9]  }
0x28: {  	s2 =	sld [smem:$0x3FAA]  }
0x29: {  	s4 =	sld [smem:$0x3FAC]  }
0x2a: {  	p0 =	seq.s32 s5, $0x0;
	s5 =	sld [smem:$0x3FAD]  }
0x2b: {  	s6 =	sld [smem:$0x3FAE]  }
0x2c: {  	s7 =	sld [smem:$0x3FAF]  }
0x2d: {  	s3 =	simm.s32 $0x108;
	s8 =	sld [smem:$0x3FB0]  }
0x2e: {  	s3 =	simm.s32 @!p0 $0x1082;
	s9 =	sld [smem:$0x3FB1]  }
0x2f: {  	lr =	sadd.s32 s0, s3;
	s0 =	sld [smem:$0x3FA8]  }
0x30: {  	s3 =	sld [smem:$0x3FAB]  }
0x31: {  	[smem:$0x3FB4] =	sst s10  }
0x32: {  	s10 =	sld [smem:$0x3FB2];
	_ =	sdelay $0x3  }
0x33: {  	p0 =	seq.s32 s10, $0x1;
	s10 =	sld [smem:$0x3FB4];
	_ =	sdelay $0x3  }
0x34: {  	[smem:$0x3FB4] =	sst s10  }
0x35: {  	s10 =	sld [smem:$0x3FB3];
	_ =	sdelay $0x3  }
0x36: {  	p1 =	seq.s32 s10, $0x1;
	s10 =	sld [smem:$0x3FB4];
	_ =	sdelay $0x3  }
0x37: {  	[smem:$0x3FB4] =	sst s10  }
0x38: {  	s10 =	sld [smem:$0x3FB5]  }
0x39: {  	_ = 	snop;
	(pc) =	sbr.ind lr, $3  }
0x3a: {  	_ = 	snop  }
0x3b: {  	_ = 	snop  }
0x3c: {  	p2 =	seq.s32 s10, $0x1;
	s10 =	sld [smem:$0x3FB4]  }
0x3d: {  	_ =	shalt  }
0x3e: {  	_ =	shalt  }
0x3f: {  	_ =	shalt  }
0x40: {  	_ =	shalt  }
0x41: {  	_ =	shalt  }
0x42: {  	_ =	shalt  }
0x43: {  	_ =	shalt  }
0x44: {  	_ =	shalt  }
0x45: {  	_ =	shalt  }
0x46: {  	_ =	shalt  }
0x47: {  	_ =	shalt  }
0x48: {  	_ =	shalt  }
0x49: {  	_ =	shalt  }
0x4a: {  	_ =	shalt  }
0x4b: {  	_ =	shalt  }
0x4c: {  	_ =	shalt  }
0x4d: {  	_ =	shalt  }
0x4e: {  	_ =	shalt  }
0x4f: {  	_ =	shalt  }
0x50: {  	_ =	shalt  }
0x51: {  	_ =	shalt  }
0x52: {  	_ =	shalt  }
0x53: {  	_ =	shalt  }
0x54: {  	_ =	shalt  }
0x55: {  	_ =	shalt  }
0x56: {  	_ =	shalt  }
0x57: {  	_ =	shalt  }
0x58: {  	_ =	shalt  }
0x59: {  	_ =	shalt  }
0x5a: {  	_ =	shalt  }
0x5b: {  	_ =	shalt  }
0x5c: {  	_ =	shalt  }
0x5d: {  	_ =	shalt  }
0x5e: {  	_ =	shalt  }
0x5f: {  	_ =	shalt  }
0x60: {  	_ =	shalt  }
0x61: {  	_ =	shalt  }
0x62: {  	_ =	shalt  }
0x63: {  	_ =	shalt  }
0x64: {  	_ =	shalt  }
0x65: {  	_ =	shalt  }
0x66: {  	_ =	shalt  }
0x67: {  	_ =	shalt  }
0x68: {  	_ =	shalt  }
0x69: {  	_ =	shalt  }
0x6a: {  	_ =	shalt  }
0x6b: {  	_ =	shalt  }
0x6c: {  	_ =	shalt  }
0x6d: {  	_ =	shalt  }
0x6e: {  	_ =	shalt  }
0x6f: {  	_ =	shalt  }
0x70: {  	_ =	shalt  }
0x71: {  	_ =	shalt  }
0x72: {  	_ =	shalt  }
0x73: {  	_ =	shalt  }
0x74: {  	_ =	shalt  }
0x75: {  	_ =	shalt  }
0x76: {  	_ =	shalt  }
0x77: {  	_ =	shalt  }
0x78: {  	_ =	shalt  }
0x79: {  	_ =	shalt  }
0x7a: {  	_ =	shalt  }
0x7b: {  	_ =	shalt  }
0x7c: {  	_ =	shalt  }
0x7d: {  	_ =	shalt  }
0x7e: {  	_ =	shalt  }
0x7f: {  	_ =	shalt  }
0x80: {  	_ =	shalt  }
0x81: {  	_ =	shalt  }
0x82: {  	_ =	shalt  }
0x83: {  	_ =	shalt  }
0x84: {  	_ =	shalt  }
0x85: {  	_ =	shalt  }
0x86: {  	_ =	shalt  }
0x87: {  	_ =	shalt  }
.Lfunc_end0:
.L_simem_size_0:
called_computation.1_lowered:
.L_overlay_start_0:
0x88: {  	s2 =	sld [smem:$0x3FD9]  }
0x89: {  	s3 =	sld [smem:$0x3FFE];
	_ =	sdelay $0x1  }
0x8a: {  	s1 =	srdreg.scid  }
0x8b: {  	s0 =	sand.u32 $0x1, s1  }
0x8c: {  	s17 =	sshll.u32 s0, $0xA;
	s2 =	sadd.s32 s3, s2  }
0x8d: {  	s2 =	sadd.s32 s2, s17  }
0x8e: {  	[smem:$0x3FC0] =	sst s2  }
0x8f: {  	_ = 	snop  }
0x90: {  	s2 =	sld [smem:$0x3FC9]  }
0x91: {  	s18 =	sld [smem:$0x3FC8]  }
0x92: {  	s4 =	sld [smem:$0x3FC3]  }
0x93: {  	s5 =	sld [smem:$0x3FC2]  }
0x94: {  	s6 =	sld [smem:$0x3FD0];
	(tm) =	ssettm $0x1  }
0x95: {  	s7 =	sld [smem:$0x3FFB];
	_ =	sdelay $0x3  }
0x96: {  	_ =	strace s7  }
0x97: {  	s7 =	sld [smem:$0x3FFC];
	_ =	sdelay $0x3  }
0x98: {  	_ =	strace s7  }
0x99: {  	s7 =	sld [smem:$0x3FFD];
	_ =	sdelay $0x3  }
0x9a: {  	_ =	strace s7  }
0x9b: {  	_ =	strace $0x8FFFFFFF  }
0x9c: {  	s19 =	sld [smem:$0x3FDB];
	_ =	sdelay $0x1  }
0x9d: {  	s8 =	simm.s32 $_scs_section_size  }
0x9e: {  	s9 =	simm.s32 $_size__tile_overlayer_lowered;
	s10 =	simm.s32 $_tile_overlayer_lowered  }
0x9f: {  	s22 =	simm.s32 $0x1BFF;
	s21 =	sshll.u32 s10, $0x1;
	s7 =	sadd.s32 s8, s19  }
0xa0: {  	s11 =	simm.s32 $0x0;
	s20 =	sshll.u32 s9, $0x1;
	s9 =	sadd.s32 s21, s7  }
0xa1: {  	[timem:s11], [sflag:s22] =	dma.local [hbm:s9], s20  }
0xa2: {  	_ =	swait.ge [sflag:s22], s20  }
0xa3: {  	s8 =	ssub.s32 $0x0, s20;
	[sflag:s22] =	ssyncset.done $0x0  }
0xa4: {  	[sflag:s22] =	ssyncadd.s32 s8;
	_ =	sdelay $0x1  }
0xa5: {  	s23 =	simm.s32 $0x1B8B  }
0xa6: {  	_ =	swait.ge [sflag:s23], $0x1  }
0xa7: {  	[sflag:s23] =	ssyncset.done $0x0  }
0xa8: {  	s25 =	simm.s32 $0x1B8E;
	s24 =	sld [smem:$0x3FFE];
	[sflag:s23] =	ssyncadd.s32 $0xFFFFFFFF  }
0xa9: {  	s26 =	simm.s32 $execute0_lowered;
	[smem:$0x3FD2] =	sst s25  }
0xaa: {  	s9 =	sshll.u32 s26, $0x1;
	_ =	strace $0x80000049;
	[dreg:$0x1] =	wrdreg $0xFFFFFFFF  }
0xab: {  	s28 =	simm.s32 $_size_execute0_lowered;
	s7 =	sadd.s32 s7, s9;
	[dreg:$0x0] =	wrdreg $0x0  }
0xac: {  	s9 =	sshll.u32 s28, $0x1;
	[dreg:$0x2] =	wrdreg s7  }
0xad: {  	[dreg:$0x3] =	wrdreg s9  }
0xae: {  	[dreg:$0x4] =	wrdreg $0xC0  }
0xaf: {  	_ =	task [dreg:s11], $0x5FFFF  }
0xb0: {  	[dreg:$0x1] =	wrdreg $0xFFFFFFFF  }
0xb1: {  	[dreg:$0x0] =	wrdreg $0x60  }
0xb2: {  	[dreg:$0x2] =	wrdreg s2  }
0xb3: {  	[dreg:$0x3] =	wrdreg s18  }
0xb4: {  	[dreg:$0x4] =	wrdreg s24  }
0xb5: {  	[dreg:$0x5] =	wrdreg s4  }
0xb6: {  	[dreg:$0x6] =	wrdreg s5  }
0xb7: {  	[dreg:$0x7] =	wrdreg s6  }
0xb8: {  	[dreg:$0x8] =	wrdreg $0x9  }
0xb9: {  	_ =	task.clear_ibuf [dreg:s11], $0x9FFFF;
	_ =	strace $0x90000049  }
0xba: {  	s29 =	simm.s32 $0x9;
	_ =	strace $0x8000004B  }
0xbb: {  	_ =	swait.ge [sflag:s29], $0x1  }
0xbc: {  	[sflag:s29] =	ssyncadd.s32 $0xFFFFFFFF  }
0xbd: {  	_ =	strace $0x9000004B  }
0xbe: {  	_ =	sfence  }
0xbf: {  	s30 =	sld [smem:$0x0];
	_ =	sdelay $0x2  }
0xc0: {  	s31 =	sshll.u32 s1, $0xD;
	s1 =	sshrl.u32 s1, $0x2  }
0xc1: {  	s3 =	sand.u32 $0x4000, s31;
	s1 =	sadd.s32 s1, s30  }
0xc2: {  	s0 =	sor.u32 s3, s0;
	s1 =	sshll.u32 s1, $0x11  }
0xc3: {  	s0 =	sor.u32 s1, s0  }
0xc4: {  	s0 =	sadd.s32 $0x8F2B, s0  }
0xc5: {  	[sflag:s0] =	ssyncadd.remote.s32 $0x1  }
0xc6: {  	_ =	sfence.sel $0xFFFF  }
0xc7: {  	[dreg:$0x0] =	wrdreg $0xFFFFFFFF;
	(pc) =	sbr.abs _section_cstart, $3  }
0xc8: {  	[dreg:$0x1] =	wrdreg $0xFFFFFFFF  }
0xc9: {  	_ =	task.clear_ibuf [dreg:s11], $0x2FFFF;
	_ =	strace $0x9FFFFFFF  }
0xca: {  	(tm) =	ssettm $0x7FFFFFFF  }
0xcb: {  	_ =	shalt  }
tec
execute0_lowered:
.L_overlay_start_1:
0x0: {  	(tag) =	ssettag $0x1  }
0x1: {  	s0 =	rddreg [dreg:$0x0]  }
0x2: {  	s2 =	rddreg [dreg:$0x1]  }
0x3: {  	s5 =	rddreg [dreg:$0x2]  }
0x4: {  	s1 =	rddreg [dreg:$0x3]  }
0x5: {  	s3 =	rddreg [dreg:$0x4]  }
0x6: {  	s9 =	rddreg [dreg:$0x5]  }
0x7: {  	s6 =	srdreg.scid;
	s7 =	stileid.u32  }
0x8: {  	s4 =	simm.s32 $0x0;
	s12 =	simm.s32 $0x200;
	s13 =	simm.s32 $0x400  }
0x9: {  	s14 =	simm.s32 $0x4400;
	s15 =	simm.s32 $0x80;
	s16 =	simm.s32 $0x8400  }
0xa: {  	s17 =	simm.s32 $0x8600;
	s18 =	simm.s32 $0x8480;
	s19 =	simm.s32 $0x280  }
0xb: {  	s20 =	simm.s32 $0x8680;
	s21 =	simm.s32 $0x100;
	s22 =	simm.s32 $0x8500  }
0xc: {  	s23 =	simm.s32 $0x300;
	s24 =	simm.s32 $0x8700;
	s25 =	simm.s32 $0x180  }
0xd: {  	s26 =	simm.s32 $0x8580;
	s28 =	simm.s32 $0x380;
	s29 =	simm.s32 $0x8780  }
0xe: {  	s30 =	simm.s32 $0x1;
	s6 =	sand.u32 $0x1, s6;
	s7 =	sshll.u32 s7, $0x1  }
0xf: {  	s31 =	simm.s32 $0x8800;
	[smem:$0x7FF] =	sst s4;
	s7 =	sor.u32 s6, s7  }
0x10: {  	s6 =	ssub.s32 $0x2, s6;
	_ =	strace $0x8000004A;
	s8 =	sshll.u32 s7, $0xB  }
0x11: {  	s10 =	sshrl.u32 s6, $0x1;
	s11 =	sshll.u32 s7, $0x6;
	s8 =	sadd.s32 s8, s5  }
0x12: {  	s10 =	ssub.s32 s6, s10;
	s5 =	sadd.s32 s0, s11;
	s6 =	sadd.s32 s2, s11  }
0x13: {  	s9 =	sadd.s32 s9, s11;
	s11 =	simm.s32 $0x2;
	s0 =	simm.s32 $0x0  }
0x14: {  	v0 =	vlaneseq.u32;
	s7 =	sadd.s32 $0x800, s8;
	s8 =	sadd.s32 $0x10800, s8;
	s10 =	smax.u32 s10, $0x1  }
.LBB2_1:
0x15: {  	[tilespmem:s4], [sflag:$0x2] =	stream.linear.gather [hbm4b:s5+s4], $0x200, $0x38;
	[tilespmem:$0x8A00] =	vst v63  }
0x16: {  	_ =	swait.ge [sflag:s11], $0x200  }
0x17: {  	[sflag:s11] =	ssyncset.done $0x0  }
0x18: {  	[sflag:s11] =	ssyncadd.s32 $0xFFFFFE00  }
0x19: {  	[tilespmem:s12], [sflag:$0x2] =	stream.linear.gather [hbm4b:s6+s4], $0x200, $0x38;
	[tilespmem:$0x8A00] =	vst v63  }
0x1a: {  	_ =	swait.ge [sflag:s11], $0x200  }
0x1b: {  	[sflag:s11] =	ssyncset.done $0x0  }
0x1c: {  	[sflag:s11] =	ssyncadd.s32 $0xFFFFFE00  }
0x1d: {  	[tilespmem:s13], [sflag:$0x2] =	stream.linear.gather [hbm4b:s7+s4], $0x4000, $0x38;
	[tilespmem:$0x8A00] =	vst v63  }
0x1e: {  	_ =	swait.ge [sflag:s11], $0x4000  }
0x1f: {  	[sflag:s11] =	ssyncset.done $0x0  }
0x20: {  	[sflag:s11] =	ssyncadd.s32 $0xFFFFC000  }
0x21: {  	[tilespmem:s14], [sflag:$0x2] =	stream.linear.gather [hbm4b:s8+s4], $0x4000, $0x38;
	[tilespmem:$0x8A00] =	vst v63  }
0x22: {  	_ =	swait.ge [sflag:s11], $0x4000  }
0x23: {  	[sflag:s11] =	ssyncset.done $0x0  }
0x24: {  	[sflag:s11] =	ssyncadd.s32 $0xFFFFC000  }
0x25: {  	[tilespmem:s16], [sflag:$0x1] =	stream.indirect.gather [hbm4b:s1+s15], $0x1, s4, s15, $0xb8;
	[tilespmem:$0x8A00] =	vst v63  }
0x26: {  	_ = 	snop  }
0x27: {  	[tilespmem:s17], [sflag:$0x1] =	stream.indirect.gather [hbm4b:s3+s15], $0x1, s12, s15, $0xb8;
	[tilespmem:$0x8A00] =	vst v63  }
0x28: {  	_ = 	snop  }
0x29: {  	[tilespmem:s18], [sflag:$0x1] =	stream.indirect.gather [hbm4b:s1+s15], $0x1, s15, s15, $0xb8;
	[tilespmem:$0x8A00] =	vst v63  }
0x2a: {  	_ = 	snop  }
0x2b: {  	[tilespmem:s20], [sflag:$0x1] =	stream.indirect.gather [hbm4b:s3+s15], $0x1, s19, s15, $0xb8;
	[tilespmem:$0x8A00] =	vst v63  }
0x2c: {  	_ = 	snop  }
0x2d: {  	[tilespmem:s22], [sflag:$0x1] =	stream.indirect.gather [hbm4b:s1+s15], $0x1, s21, s15, $0xb8;
	[tilespmem:$0x8A00] =	vst v63  }
0x2e: {  	_ = 	snop  }
0x2f: {  	[tilespmem:s24], [sflag:$0x1] =	stream.indirect.gather [hbm4b:s3+s15], $0x1, s23, s15, $0xb8;
	[tilespmem:$0x8A00] =	vst v63  }
0x30: {  	_ = 	snop  }
0x31: {  	[tilespmem:s26], [sflag:$0x1] =	stream.indirect.gather [hbm4b:s1+s15], $0x1, s25, s15, $0xb8;
	[tilespmem:$0x8A00] =	vst v63  }
0x32: {  	_ = 	snop  }
0x33: {  	[tilespmem:s29], [sflag:$0x1] =	stream.indirect.gather [hbm4b:s3+s15], $0x1, s28, s15, $0xb8;
	[tilespmem:$0x8A00] =	vst v63  }
0x34: {  	_ =	swait.ge [sflag:s30], $0x200  }
0x35: {  	v1 =	vor.u32 s4, v0;
	[sflag:s30] =	ssyncset.done $0x0  }
0x36: {  	[sflag:s30] =	ssyncadd.s32 $0xFFFFFE00  }
0x37: {  	v2 =	vshll.u32 v1, $0x5;
	_ =	swait.ge [sflag:s30], $0x200  }
0x38: {  	[sflag:s30] =	ssyncset.done $0x0  }
0x39: {  	v3 =	vor.u32 $0x1, v2;
	[sflag:s30] =	ssyncadd.s32 $0xFFFFFE00  }
0x3a: {  	v4 =	vld.idx.msk [tilespmem:v1+s17+$0x0], $0xffff  }
0x3b: {  	v6 =	vor.u32 $0x2, v2;
	v5 =	vld.idx.msk [tilespmem:v1+s16+$0x0], $0xffff  }
0x3c: {  	v7 =	vld.idx.msk [tilespmem:v2+s13+$0x0], $0xffff  }
0x3d: {  	v9 =	vor.u32 $0x3, v2;
	v8 =	vld.idx.msk [tilespmem:v2+s14+$0x0], $0xffff  }
0x3e: {  	v10 =	vld.idx.msk [tilespmem:v3+s13+$0x0], $0xffff  }
0x3f: {  	v11 =	vor.u32 $0x4, v2;
	v3 =	vld.idx.msk [tilespmem:v3+s14+$0x0], $0xffff  }
0x40: {  	v12 =	vld.idx.msk [tilespmem:v6+s13+$0x0], $0xffff  }
0x41: {  	v13 =	vor.u32 $0x5, v2;
	v6 =	vld.idx.msk [tilespmem:v6+s14+$0x0], $0xffff  }
0x42: {  	v14 =	vld.idx.msk [tilespmem:v9+s13+$0x0], $0xffff;
	v4 =	vadd.f32 v4, v5;
	v5 =	vmul.f32 v8, v7  }
0x43: {  	v59 =	vor.u32 $0x6, v2;
	v7 =	vld.idx.msk [tilespmem:v9+s14+$0x0], $0xffff  }
0x44: {  	v60 =	vld.idx.msk [tilespmem:v11+s13+$0x0], $0xffff;
	v3 =	vmul.f32 v3, v10;
	v4 =	vadd.f32 v5, v4  }
0x45: {  	v61 =	vor.u32 $0x7, v2;
	v5 =	vld.idx.msk [tilespmem:v11+s14+$0x0], $0xffff  }
0x46: {  	v62 =	vld.idx.msk [tilespmem:v13+s13+$0x0], $0xffff;
	v3 =	vadd.f32 v3, v4;
	v4 =	vmul.f32 v6, v12  }
0x47: {  	v63 =	vor.u32 $0x8, v2;
	v6 =	vld.idx.msk [tilespmem:v13+s14+$0x0], $0xffff  }
0x48: {  	v16 =	vld.idx.msk [tilespmem:v59+s13+$0x0], $0xffff;
	v3 =	vadd.f32 v4, v3;
	v4 =	vmul.f32 v7, v14  }
0x49: {  	v17 =	vor.u32 $0x9, v2;
	v7 =	vld.idx.msk [tilespmem:v59+s14+$0x0], $0xffff  }
0x4a: {  	v18 =	vld.idx.msk [tilespmem:v61+s13+$0x0], $0xffff;
	v3 =	vadd.f32 v4, v3;
	v4 =	vmul.f32 v5, v60  }
0x4b: {  	v19 =	vor.u32 $0xA, v2;
	v5 =	vld.idx.msk [tilespmem:v61+s14+$0x0], $0xffff  }
0x4c: {  	v20 =	vld.idx.msk [tilespmem:v63+s13+$0x0], $0xffff;
	v3 =	vadd.f32 v4, v3;
	v4 =	vmul.f32 v6, v62  }
0x4d: {  	v21 =	vor.u32 $0xB, v2;
	v6 =	vld.idx.msk [tilespmem:v63+s14+$0x0], $0xffff  }
0x4e: {  	v22 =	vld.idx.msk [tilespmem:v17+s13+$0x0], $0xffff;
	v3 =	vadd.f32 v4, v3;
	v4 =	vmul.f32 v7, v16  }
0x4f: {  	v23 =	vor.u32 $0xC, v2;
	v7 =	vld.idx.msk [tilespmem:v17+s14+$0x0], $0xffff  }
0x50: {  	v24 =	vld.idx.msk [tilespmem:v19+s13+$0x0], $0xffff;
	v3 =	vadd.f32 v4, v3;
	v4 =	vmul.f32 v5, v18  }
0x51: {  	v25 =	vor.u32 $0xD, v2;
	v5 =	vld.idx.msk [tilespmem:v19+s14+$0x0], $0xffff  }
0x52: {  	v26 =	vld.idx.msk [tilespmem:v21+s13+$0x0], $0xffff;
	v3 =	vadd.f32 v4, v3;
	v4 =	vmul.f32 v6, v20  }
0x53: {  	v27 =	vor.u32 $0xE, v2;
	v6 =	vld.idx.msk [tilespmem:v21+s14+$0x0], $0xffff  }
0x54: {  	v28 =	vld.idx.msk [tilespmem:v23+s13+$0x0], $0xffff;
	v3 =	vadd.f32 v4, v3;
	v4 =	vmul.f32 v7, v22  }
0x55: {  	v29 =	vor.u32 $0xF, v2;
	v7 =	vld.idx.msk [tilespmem:v23+s14+$0x0], $0xffff  }
0x56: {  	v30 =	vld.idx.msk [tilespmem:v25+s13+$0x0], $0xffff;
	v3 =	vadd.f32 v4, v3;
	v4 =	vmul.f32 v5, v24  }
0x57: {  	v31 =	vor.u32 $0x10, v2;
	v5 =	vld.idx.msk [tilespmem:v25+s14+$0x0], $0xffff  }
0x58: {  	v32 =	vld.idx.msk [tilespmem:v27+s13+$0x0], $0xffff;
	v3 =	vadd.f32 v4, v3;
	v4 =	vmul.f32 v6, v26  }
0x59: {  	v33 =	vor.u32 $0x11, v2;
	v6 =	vld.idx.msk [tilespmem:v27+s14+$0x0], $0xffff  }
0x5a: {  	v34 =	vld.idx.msk [tilespmem:v29+s13+$0x0], $0xffff;
	v3 =	vadd.f32 v4, v3;
	v4 =	vmul.f32 v7, v28  }
0x5b: {  	v35 =	vor.u32 $0x12, v2;
	v7 =	vld.idx.msk [tilespmem:v29+s14+$0x0], $0xffff  }
0x5c: {  	v36 =	vld.idx.msk [tilespmem:v31+s13+$0x0], $0xffff;
	v3 =	vadd.f32 v4, v3;
	v4 =	vmul.f32 v5, v30  }
0x5d: {  	v37 =	vor.u32 $0x13, v2;
	v5 =	vld.idx.msk [tilespmem:v31+s14+$0x0], $0xffff  }
0x5e: {  	v38 =	vld.idx.msk [tilespmem:v33+s13+$0x0], $0xffff;
	v3 =	vadd.f32 v4, v3;
	v4 =	vmul.f32 v6, v32  }
0x5f: {  	v39 =	vor.u32 $0x14, v2;
	v6 =	vld.idx.msk [tilespmem:v33+s14+$0x0], $0xffff  }
0x60: {  	v40 =	vld.idx.msk [tilespmem:v35+s13+$0x0], $0xffff;
	v3 =	vadd.f32 v4, v3;
	v4 =	vmul.f32 v7, v34  }
0x61: {  	v41 =	vor.u32 $0x15, v2;
	v7 =	vld.idx.msk [tilespmem:v35+s14+$0x0], $0xffff  }
0x62: {  	v42 =	vld.idx.msk [tilespmem:v37+s13+$0x0], $0xffff;
	v3 =	vadd.f32 v4, v3;
	v4 =	vmul.f32 v5, v36  }
0x63: {  	v43 =	vor.u32 $0x16, v2;
	v5 =	vld.idx.msk [tilespmem:v37+s14+$0x0], $0xffff  }
0x64: {  	v44 =	vld.idx.msk [tilespmem:v39+s13+$0x0], $0xffff;
	v3 =	vadd.f32 v4, v3;
	v4 =	vmul.f32 v6, v38  }
0x65: {  	v45 =	vor.u32 $0x17, v2;
	v6 =	vld.idx.msk [tilespmem:v39+s14+$0x0], $0xffff  }
0x66: {  	v46 =	vld.idx.msk [tilespmem:v41+s13+$0x0], $0xffff;
	v3 =	vadd.f32 v4, v3;
	v4 =	vmul.f32 v7, v40  }
0x67: {  	v47 =	vor.u32 $0x18, v2;
	v7 =	vld.idx.msk [tilespmem:v41+s14+$0x0], $0xffff  }
0x68: {  	v48 =	vld.idx.msk [tilespmem:v43+s13+$0x0], $0xffff;
	v3 =	vadd.f32 v4, v3;
	v4 =	vmul.f32 v5, v42  }
0x69: {  	v49 =	vor.u32 $0x19, v2;
	v5 =	vld.idx.msk [tilespmem:v43+s14+$0x0], $0xffff  }
0x6a: {  	v50 =	vld.idx.msk [tilespmem:v45+s13+$0x0], $0xffff;
	v3 =	vadd.f32 v4, v3;
	v4 =	vmul.f32 v6, v44  }
0x6b: {  	v51 =	vor.u32 $0x1A, v2;
	v6 =	vld.idx.msk [tilespmem:v45+s14+$0x0], $0xffff  }
0x6c: {  	v52 =	vld.idx.msk [tilespmem:v47+s13+$0x0], $0xffff;
	v3 =	vadd.f32 v4, v3;
	v4 =	vmul.f32 v7, v46  }
0x6d: {  	v53 =	vor.u32 $0x1B, v2;
	v7 =	vld.idx.msk [tilespmem:v47+s14+$0x0], $0xffff  }
0x6e: {  	v54 =	vld.idx.msk [tilespmem:v49+s13+$0x0], $0xffff;
	v3 =	vadd.f32 v4, v3;
	v4 =	vmul.f32 v5, v48  }
0x6f: {  	v55 =	vor.u32 $0x1C, v2;
	v5 =	vld.idx.msk [tilespmem:v49+s14+$0x0], $0xffff  }
0x70: {  	v56 =	vld.idx.msk [tilespmem:v51+s13+$0x0], $0xffff;
	v3 =	vadd.f32 v4, v3;
	v4 =	vmul.f32 v6, v50  }
0x71: {  	v57 =	vor.u32 $0x1D, v2;
	v6 =	vld.idx.msk [tilespmem:v51+s14+$0x0], $0xffff  }
0x72: {  	v58 =	vld.idx.msk [tilespmem:v53+s13+$0x0], $0xffff;
	v3 =	vadd.f32 v4, v3;
	v4 =	vmul.f32 v7, v52  }
0x73: {  	v59 =	vor.u32 $0x1E, v2;
	v7 =	vld.idx.msk [tilespmem:v53+s14+$0x0], $0xffff  }
0x74: {  	v60 =	vld.idx.msk [tilespmem:v55+s13+$0x0], $0xffff;
	v3 =	vadd.f32 v4, v3;
	v4 =	vmul.f32 v5, v54  }
0x75: {  	v2 =	vor.u32 $0x1F, v2;
	v5 =	vld.idx.msk [tilespmem:v55+s14+$0x0], $0xffff  }
0x76: {  	v61 =	vld.idx.msk [tilespmem:v57+s13+$0x0], $0xffff;
	v3 =	vadd.f32 v4, v3;
	v4 =	vmul.f32 v6, v56  }
0x77: {  	v6 =	vld.idx.msk [tilespmem:v57+s14+$0x0], $0xffff  }
0x78: {  	v62 =	vld.idx.msk [tilespmem:v59+s13+$0x0], $0xffff;
	v3 =	vadd.f32 v4, v3;
	v4 =	vmul.f32 v7, v58  }
0x79: {  	v7 =	vld.idx.msk [tilespmem:v59+s14+$0x0], $0xffff  }
0x7a: {  	v63 =	vld.idx.msk [tilespmem:v2+s13+$0x0], $0xffff;
	v3 =	vadd.f32 v4, v3;
	v4 =	vmul.f32 v5, v60  }
0x7b: {  	v2 =	vld.idx.msk [tilespmem:v2+s14+$0x0], $0xffff  }
0x7c: {  	v3 =	vadd.f32 v4, v3;
	v4 =	vmul.f32 v6, v61;
	_ =	sdelay $0x1  }
0x7d: {  	v3 =	vadd.f32 v4, v3;
	v4 =	vmul.f32 v7, v62;
	_ =	sdelay $0x1  }
0x7e: {  	s2 =	simm.s32 $0x10;
	v5 =	vmul.f32 v2, v63;
	v4 =	vadd.f32 v4, v3  }
0x7f: {  	v3 =	vor.u32 s2, v0  }
0x80: {  	s2 =	simm.s32 $0x20;
	v2 =	vshll.u32 v3, $0x5;
	v4 =	vadd.f32 v5, v4  }
.LBB2_2:
0x81: {  	p0 =	sne.s32 s2, $0x1F0  }
0x82: {  	v5 =	vor.u32 $0x1, v2;
	[tilespmem:v1+s31+$0x0] =	vst.idx.msk $0xffff, v4;
	v1 =	vmov v3  }
0x83: {  	v4 =	vld.idx.msk [tilespmem:v3+s17+$0x0], $0xffff  }
0x84: {  	v6 =	vor.u32 $0x2, v2;
	v3 =	vld.idx.msk [tilespmem:v3+s16+$0x0], $0xffff  }
0x85: {  	v7 =	vld.idx.msk [tilespmem:v2+s13+$0x0], $0xffff  }
0x86: {  	v9 =	vor.u32 $0x3, v2;
	v8 =	vld.idx.msk [tilespmem:v2+s14+$0x0], $0xffff  }
0x87: {  	v10 =	vld.idx.msk [tilespmem:v5+s13+$0x0], $0xffff  }
0x88: {  	v11 =	vor.u32 $0x4, v2;
	v5 =	vld.idx.msk [tilespmem:v5+s14+$0x0], $0xffff  }
0x89: {  	v12 =	vld.idx.msk [tilespmem:v6+s13+$0x0], $0xffff  }
0x8a: {  	v13 =	vor.u32 $0x5, v2;
	v6 =	vld.idx.msk [tilespmem:v6+s14+$0x0], $0xffff  }
0x8b: {  	v14 =	vld.idx.msk [tilespmem:v9+s13+$0x0], $0xffff  }
0x8c: {  	v3 =	vadd.f32 v4, v3;
	v4 =	vmul.f32 v8, v7;
	v8 =	vor.u32 $0x6, v2;
	v7 =	vld.idx.msk [tilespmem:v9+s14+$0x0], $0xffff  }
0x8d: {  	v9 =	vld.idx.msk [tilespmem:v11+s13+$0x0], $0xffff  }
0x8e: {  	v3 =	vadd.f32 v4, v3;
	v4 =	vmul.f32 v5, v10;
	v10 =	vor.u32 $0x7, v2;
	v5 =	vld.idx.msk [tilespmem:v11+s14+$0x0], $0xffff  }
0x8f: {  	v11 =	vld.idx.msk [tilespmem:v13+s13+$0x0], $0xffff  }
0x90: {  	v3 =	vadd.f32 v4, v3;
	v4 =	vmul.f32 v6, v12;
	v12 =	vor.u32 $0x8, v2;
	v6 =	vld.idx.msk [tilespmem:v13+s14+$0x0], $0xffff  }
0x91: {  	v13 =	vld.idx.msk [tilespmem:v8+s13+$0x0], $0xffff  }
0x92: {  	v3 =	vadd.f32 v4, v3;
	v4 =	vmul.f32 v7, v14;
	v7 =	vld.idx.msk [tilespmem:v8+s14+$0x0], $0xffff;
	v8 =	vor.u32 $0x9, v2  }
0x93: {  	v14 =	vld.idx.msk [tilespmem:v10+s13+$0x0], $0xffff  }
0x94: {  	v3 =	vadd.f32 v4, v3;
	v4 =	vmul.f32 v5, v9;
	v9 =	vor.u32 $0xA, v2;
	v5 =	vld.idx.msk [tilespmem:v10+s14+$0x0], $0xffff  }
0x95: {  	v10 =	vld.idx.msk [tilespmem:v12+s13+$0x0], $0xffff  }
0x96: {  	v3 =	vadd.f32 v4, v3;
	v4 =	vmul.f32 v6, v11;
	v11 =	vor.u32 $0xB, v2;
	v6 =	vld.idx.msk [tilespmem:v12+s14+$0x0], $0xffff  }
0x97: {  	v12 =	vld.idx.msk [tilespmem:v8+s13+$0x0], $0xffff  }
0x98: {  	v3 =	vadd.f32 v4, v3;
	v4 =	vmul.f32 v7, v13;
	v7 =	vld.idx.msk [tilespmem:v8+s14+$0x0], $0xffff;
	v8 =	vor.u32 $0xC, v2  }
0x99: {  	v13 =	vld.idx.msk [tilespmem:v9+s13+$0x0], $0xffff  }
0x9a: {  	v3 =	vadd.f32 v4, v3;
	v4 =	vmul.f32 v5, v14;
	v5 =	vld.idx.msk [tilespmem:v9+s14+$0x0], $0xffff;
	v9 =	vor.u32 $0xD, v2  }
0x9b: {  	v14 =	vld.idx.msk [tilespmem:v11+s13+$0x0], $0xffff  }
0x9c: {  	v3 =	vadd.f32 v4, v3;
	v4 =	vmul.f32 v6, v10;
	v10 =	vor.u32 $0xE, v2;
	v6 =	vld.idx.msk [tilespmem:v11+s14+$0x0], $0xffff  }
0x9d: {  	v11 =	vld.idx.msk [tilespmem:v8+s13+$0x0], $0xffff  }
0x9e: {  	v3 =	vadd.f32 v4, v3;
	v4 =	vmul.f32 v7, v12;
	v7 =	vld.idx.msk [tilespmem:v8+s14+$0x0], $0xffff;
	v8 =	vor.u32 $0xF, v2  }
0x9f: {  	v12 =	vld.idx.msk [tilespmem:v9+s13+$0x0], $0xffff  }
0xa0: {  	v3 =	vadd.f32 v4, v3;
	v4 =	vmul.f32 v5, v13;
	v5 =	vld.idx.msk [tilespmem:v9+s14+$0x0], $0xffff;
	v9 =	vor.u32 $0x10, v2  }
0xa1: {  	v13 =	vld.idx.msk [tilespmem:v10+s13+$0x0], $0xffff  }
0xa2: {  	v3 =	vadd.f32 v4, v3;
	v4 =	vmul.f32 v6, v14;
	v6 =	vld.idx.msk [tilespmem:v10+s14+$0x0], $0xffff;
	v10 =	vor.u32 $0x11, v2  }
0xa3: {  	v14 =	vld.idx.msk [tilespmem:v8+s13+$0x0], $0xffff  }
0xa4: {  	v3 =	vadd.f32 v4, v3;
	v4 =	vmul.f32 v7, v11;
	v7 =	vld.idx.msk [tilespmem:v8+s14+$0x0], $0xffff;
	v8 =	vor.u32 $0x12, v2  }
0xa5: {  	v11 =	vld.idx.msk [tilespmem:v9+s13+$0x0], $0xffff  }
0xa6: {  	v3 =	vadd.f32 v4, v3;
	v4 =	vmul.f32 v5, v12;
	v5 =	vld.idx.msk [tilespmem:v9+s14+$0x0], $0xffff;
	v9 =	vor.u32 $0x13, v2  }
0xa7: {  	v12 =	vld.idx.msk [tilespmem:v10+s13+$0x0], $0xffff  }
0xa8: {  	v3 =	vadd.f32 v4, v3;
	v4 =	vmul.f32 v6, v13;
	v6 =	vld.idx.msk [tilespmem:v10+s14+$0x0], $0xffff;
	v10 =	vor.u32 $0x14, v2  }
0xa9: {  	v13 =	vld.idx.msk [tilespmem:v8+s13+$0x0], $0xffff  }
0xaa: {  	v3 =	vadd.f32 v4, v3;
	v4 =	vmul.f32 v7, v14;
	v7 =	vld.idx.msk [tilespmem:v8+s14+$0x0], $0xffff;
	v8 =	vor.u32 $0x15, v2  }
0xab: {  	v14 =	vld.idx.msk [tilespmem:v9+s13+$0x0], $0xffff  }
0xac: {  	v3 =	vadd.f32 v4, v3;
	v4 =	vmul.f32 v5, v11;
	v5 =	vld.idx.msk [tilespmem:v9+s14+$0x0], $0xffff;
	v9 =	vor.u32 $0x16, v2  }
0xad: {  	v11 =	vld.idx.msk [tilespmem:v10+s13+$0x0], $0xffff  }
0xae: {  	v3 =	vadd.f32 v4, v3;
	v4 =	vmul.f32 v6, v12;
	v6 =	vld.idx.msk [tilespmem:v10+s14+$0x0], $0xffff;
	v10 =	vor.u32 $0x17, v2  }
0xaf: {  	v12 =	vld.idx.msk [tilespmem:v8+s13+$0x0], $0xffff  }
0xb0: {  	v3 =	vadd.f32 v4, v3;
	v4 =	vmul.f32 v7, v13;
	v7 =	vld.idx.msk [tilespmem:v8+s14+$0x0], $0xffff;
	v8 =	vor.u32 $0x18, v2  }
0xb1: {  	v13 =	vld.idx.msk [tilespmem:v9+s13+$0x0], $0xffff  }
0xb2: {  	v3 =	vadd.f32 v4, v3;
	v4 =	vmul.f32 v5, v14;
	v5 =	vld.idx.msk [tilespmem:v9+s14+$0x0], $0xffff;
	v9 =	vor.u32 $0x19, v2  }
0xb3: {  	v14 =	vld.idx.msk [tilespmem:v10+s13+$0x0], $0xffff  }
0xb4: {  	v3 =	vadd.f32 v4, v3;
	v4 =	vmul.f32 v6, v11;
	v6 =	vld.idx.msk [tilespmem:v10+s14+$0x0], $0xffff;
	v10 =	vor.u32 $0x1A, v2  }
0xb5: {  	v11 =	vld.idx.msk [tilespmem:v8+s13+$0x0], $0xffff  }
0xb6: {  	v3 =	vadd.f32 v4, v3;
	v4 =	vmul.f32 v7, v12;
	v7 =	vld.idx.msk [tilespmem:v8+s14+$0x0], $0xffff;
	v8 =	vor.u32 $0x1B, v2  }
0xb7: {  	v12 =	vld.idx.msk [tilespmem:v9+s13+$0x0], $0xffff  }
0xb8: {  	v3 =	vadd.f32 v4, v3;
	v4 =	vmul.f32 v5, v13;
	v5 =	vld.idx.msk [tilespmem:v9+s14+$0x0], $0xffff;
	v9 =	vor.u32 $0x1C, v2  }
0xb9: {  	v13 =	vld.idx.msk [tilespmem:v10+s13+$0x0], $0xffff  }
0xba: {  	v3 =	vadd.f32 v4, v3;
	v4 =	vmul.f32 v6, v14;
	v6 =	vld.idx.msk [tilespmem:v10+s14+$0x0], $0xffff;
	v10 =	vor.u32 $0x1D, v2  }
0xbb: {  	v14 =	vld.idx.msk [tilespmem:v8+s13+$0x0], $0xffff  }
0xbc: {  	v3 =	vadd.f32 v4, v3;
	v4 =	vmul.f32 v7, v11;
	v7 =	vld.idx.msk [tilespmem:v8+s14+$0x0], $0xffff;
	v8 =	vor.u32 $0x1E, v2  }
0xbd: {  	v11 =	vld.idx.msk [tilespmem:v9+s13+$0x0], $0xffff  }
0xbe: {  	v2 =	vor.u32 $0x1F, v2;
	v3 =	vadd.f32 v4, v3;
	v4 =	vmul.f32 v5, v12;
	v5 =	vld.idx.msk [tilespmem:v9+s14+$0x0], $0xffff  }
0xbf: {  	v9 =	vld.idx.msk [tilespmem:v10+s13+$0x0], $0xffff  }
0xc0: {  	v3 =	vadd.f32 v4, v3;
	v4 =	vmul.f32 v6, v13;
	v6 =	vld.idx.msk [tilespmem:v10+s14+$0x0], $0xffff  }
0xc1: {  	v10 =	vld.idx.msk [tilespmem:v8+s13+$0x0], $0xffff  }
0xc2: {  	v3 =	vadd.f32 v4, v3;
	v4 =	vmul.f32 v7, v14;
	v7 =	vld.idx.msk [tilespmem:v8+s14+$0x0], $0xffff  }
0xc3: {  	v8 =	vld.idx.msk [tilespmem:v2+s13+$0x0], $0xffff  }
0xc4: {  	v3 =	vadd.f32 v4, v3;
	v4 =	vmul.f32 v5, v11;
	v2 =	vld.idx.msk [tilespmem:v2+s14+$0x0], $0xffff;
	_ =	sdelay $0x1  }
0xc5: {  	v3 =	vadd.f32 v4, v3;
	v4 =	vmul.f32 v6, v9;
	_ =	sdelay $0x1  }
.Ltmp0:
0xc6: {  	v4 =	vadd.f32 v4, v3;
	v5 =	vmul.f32 v7, v10;
	(pc) =	sbr.rel @p0 .LBB2_2-.Ltmp0, $3  }
0xc7: {  	_ = 	snop  }
0xc8: {  	v3 =	vor.u32 s2, v0;
	v4 =	vadd.f32 v5, v4;
	v5 =	vmul.f32 v2, v8;
	_ =	sdelay $0x1  }
0xc9: {  	s2 =	sadd.s32 $0x10, s2;
	v2 =	vshll.u32 v3, $0x5;
	v4 =	vadd.f32 v5, v4  }
0xca: {  	_ =	sdelay $0x3  }
0xcb: {  	v5 =	vor.u32 $0x1, v2;
	[tilespmem:v1+s31+$0x0] =	vst.idx.msk $0xffff, v4  }
0xcc: {  	v1 =	vld.idx.msk [tilespmem:v3+s17+$0x0], $0xffff  }
0xcd: {  	v6 =	vor.u32 $0x2, v2;
	v4 =	vld.idx.msk [tilespmem:v3+s16+$0x0], $0xffff  }
0xce: {  	v7 =	vld.idx.msk [tilespmem:v2+s13+$0x0], $0xffff  }
0xcf: {  	v9 =	vor.u32 $0x3, v2;
	v8 =	vld.idx.msk [tilespmem:v2+s14+$0x0], $0xffff  }
0xd0: {  	v10 =	vld.idx.msk [tilespmem:v5+s13+$0x0], $0xffff  }
0xd1: {  	v11 =	vor.u32 $0x4, v2;
	v5 =	vld.idx.msk [tilespmem:v5+s14+$0x0], $0xffff  }
0xd2: {  	v12 =	vld.idx.msk [tilespmem:v6+s13+$0x0], $0xffff  }
0xd3: {  	v13 =	vor.u32 $0x5, v2;
	v6 =	vld.idx.msk [tilespmem:v6+s14+$0x0], $0xffff  }
0xd4: {  	v14 =	vld.idx.msk [tilespmem:v9+s13+$0x0], $0xffff;
	v1 =	vadd.f32 v1, v4;
	v48 =	vmul.f32 v8, v7  }
0xd5: {  	v50 =	vor.u32 $0x6, v2;
	v49 =	vld.idx.msk [tilespmem:v9+s14+$0x0], $0xffff  }
0xd6: {  	v51 =	vld.idx.msk [tilespmem:v11+s13+$0x0], $0xffff;
	v1 =	vadd.f32 v48, v1;
	v52 =	vmul.f32 v5, v10  }
0xd7: {  	v54 =	vor.u32 $0x7, v2;
	v53 =	vld.idx.msk [tilespmem:v11+s14+$0x0], $0xffff  }
0xd8: {  	v55 =	vld.idx.msk [tilespmem:v13+s13+$0x0], $0xffff;
	v56 =	vmul.f32 v6, v12;
	v1 =	vadd.f32 v52, v1  }
0xd9: {  	v58 =	vor.u32 $0x8, v2;
	v57 =	vld.idx.msk [tilespmem:v13+s14+$0x0], $0xffff  }
0xda: {  	v59 =	vld.idx.msk [tilespmem:v50+s13+$0x0], $0xffff;
	v60 =	vmul.f32 v49, v14;
	v1 =	vadd.f32 v56, v1  }
0xdb: {  	v62 =	vor.u32 $0x9, v2;
	v61 =	vld.idx.msk [tilespmem:v50+s14+$0x0], $0xffff  }
0xdc: {  	v63 =	vld.idx.msk [tilespmem:v54+s13+$0x0], $0xffff;
	v16 =	vmul.f32 v53, v51;
	v1 =	vadd.f32 v60, v1  }
0xdd: {  	v18 =	vor.u32 $0xA, v2;
	v17 =	vld.idx.msk [tilespmem:v54+s14+$0x0], $0xffff  }
0xde: {  	v19 =	vld.idx.msk [tilespmem:v58+s13+$0x0], $0xffff;
	v20 =	vmul.f32 v57, v55;
	v1 =	vadd.f32 v16, v1  }
0xdf: {  	v22 =	vor.u32 $0xB, v2;
	v21 =	vld.idx.msk [tilespmem:v58+s14+$0x0], $0xffff  }
0xe0: {  	v23 =	vld.idx.msk [tilespmem:v62+s13+$0x0], $0xffff;
	v24 =	vmul.f32 v61, v59;
	v1 =	vadd.f32 v20, v1  }
0xe1: {  	v26 =	vor.u32 $0xC, v2;
	v25 =	vld.idx.msk [tilespmem:v62+s14+$0x0], $0xffff  }
0xe2: {  	v27 =	vld.idx.msk [tilespmem:v18+s13+$0x0], $0xffff;
	v28 =	vmul.f32 v17, v63;
	v1 =	vadd.f32 v24, v1  }
0xe3: {  	v30 =	vor.u32 $0xD, v2;
	v29 =	vld.idx.msk [tilespmem:v18+s14+$0x0], $0xffff  }
0xe4: {  	v31 =	vld.idx.msk [tilespmem:v22+s13+$0x0], $0xffff;
	v32 =	vmul.f32 v21, v19;
	v1 =	vadd.f32 v28, v1  }
0xe5: {  	v34 =	vor.u32 $0xE, v2;
	v33 =	vld.idx.msk [tilespmem:v22+s14+$0x0], $0xffff  }
0xe6: {  	v35 =	vld.idx.msk [tilespmem:v26+s13+$0x0], $0xffff;
	v36 =	vmul.f32 v25, v23;
	v1 =	vadd.f32 v32, v1  }
0xe7: {  	v38 =	vor.u32 $0xF, v2;
	v37 =	vld.idx.msk [tilespmem:v26+s14+$0x0], $0xffff  }
0xe8: {  	v39 =	vld.idx.msk [tilespmem:v30+s13+$0x0], $0xffff;
	v40 =	vmul.f32 v29, v27;
	v1 =	vadd.f32 v36, v1  }
0xe9: {  	v42 =	vor.u32 $0x10, v2;
	v41 =	vld.idx.msk [tilespmem:v30+s14+$0x0], $0xffff  }
0xea: {  	v43 =	vld.idx.msk [tilespmem:v34+s13+$0x0], $0xffff;
	v44 =	vmul.f32 v33, v31;
	v1 =	vadd.f32 v40, v1  }
0xeb: {  	v46 =	vor.u32 $0x11, v2;
	v45 =	vld.idx.msk [tilespmem:v34+s14+$0x0], $0xffff  }
0xec: {  	v47 =	vld.idx.msk [tilespmem:v38+s13+$0x0], $0xffff;
	v48 =	vmul.f32 v37, v35;
	v1 =	vadd.f32 v44, v1  }
0xed: {  	v50 =	vor.u32 $0x12, v2;
	v49 =	vld.idx.msk [tilespmem:v38+s14+$0x0], $0xffff  }
0xee: {  	v51 =	vld.idx.msk [tilespmem:v42+s13+$0x0], $0xffff;
	v52 =	vmul.f32 v41, v39;
	v1 =	vadd.f32 v48, v1  }
0xef: {  	v54 =	vor.u32 $0x13, v2;
	v53 =	vld.idx.msk [tilespmem:v42+s14+$0x0], $0xffff  }
0xf0: {  	v55 =	vld.idx.msk [tilespmem:v46+s13+$0x0], $0xffff;
	v56 =	vmul.f32 v45, v43;
	v1 =	vadd.f32 v52, v1  }
0xf1: {  	v58 =	vor.u32 $0x14, v2;
	v57 =	vld.idx.msk [tilespmem:v46+s14+$0x0], $0xffff  }
0xf2: {  	v59 =	vld.idx.msk [tilespmem:v50+s13+$0x0], $0xffff;
	v60 =	vmul.f32 v49, v47;
	v1 =	vadd.f32 v56, v1  }
0xf3: {  	v62 =	vor.u32 $0x15, v2;
	v61 =	vld.idx.msk [tilespmem:v50+s14+$0x0], $0xffff  }
0xf4: {  	v63 =	vld.idx.msk [tilespmem:v54+s13+$0x0], $0xffff;
	v16 =	vmul.f32 v53, v51;
	v1 =	vadd.f32 v60, v1  }
0xf5: {  	v18 =	vor.u32 $0x16, v2;
	v17 =	vld.idx.msk [tilespmem:v54+s14+$0x0], $0xffff  }
0xf6: {  	v19 =	vld.idx.msk [tilespmem:v58+s13+$0x0], $0xffff;
	v20 =	vmul.f32 v57, v55;
	v1 =	vadd.f32 v16, v1  }
0xf7: {  	v22 =	vor.u32 $0x17, v2;
	v21 =	vld.idx.msk [tilespmem:v58+s14+$0x0], $0xffff  }
0xf8: {  	v23 =	vld.idx.msk [tilespmem:v62+s13+$0x0], $0xffff;
	v24 =	vmul.f32 v61, v59;
	v1 =	vadd.f32 v20, v1  }
0xf9: {  	v26 =	vor.u32 $0x18, v2;
	v25 =	vld.idx.msk [tilespmem:v62+s14+$0x0], $0xffff  }
0xfa: {  	v27 =	vld.idx.msk [tilespmem:v18+s13+$0x0], $0xffff;
	v28 =	vmul.f32 v17, v63;
	v1 =	vadd.f32 v24, v1  }
0xfb: {  	v30 =	vor.u32 $0x19, v2;
	v29 =	vld.idx.msk [tilespmem:v18+s14+$0x0], $0xffff  }
0xfc: {  	v31 =	vld.idx.msk [tilespmem:v22+s13+$0x0], $0xffff;
	v32 =	vmul.f32 v21, v19;
	v1 =	vadd.f32 v28, v1  }
0xfd: {  	v34 =	vor.u32 $0x1A, v2;
	v33 =	vld.idx.msk [tilespmem:v22+s14+$0x0], $0xffff  }
0xfe: {  	v35 =	vld.idx.msk [tilespmem:v26+s13+$0x0], $0xffff;
	v36 =	vmul.f32 v25, v23;
	v1 =	vadd.f32 v32, v1  }
0xff: {  	v37 =	vld.idx.msk [tilespmem:v26+s14+$0x0], $0xffff;
	v38 =	vor.u32 $0x1B, v2  }
0x100: {  	v39 =	vld.idx.msk [tilespmem:v30+s13+$0x0], $0xffff;
	v40 =	vmul.f32 v29, v27;
	v1 =	vadd.f32 v36, v1  }
0x101: {  	v42 =	vor.u32 $0x1C, v2;
	v41 =	vld.idx.msk [tilespmem:v30+s14+$0x0], $0xffff  }
0x102: {  	v43 =	vld.idx.msk [tilespmem:v34+s13+$0x0], $0xffff;
	v44 =	vmul.f32 v33, v31;
	v1 =	vadd.f32 v40, v1  }
0x103: {  	v46 =	vor.u32 $0x1D, v2;
	v45 =	vld.idx.msk [tilespmem:v34+s14+$0x0], $0xffff  }
0x104: {  	v47 =	vld.idx.msk [tilespmem:v38+s13+$0x0], $0xffff;
	v48 =	vmul.f32 v37, v35;
	v1 =	vadd.f32 v44, v1  }
0x105: {  	v50 =	vor.u32 $0x1E, v2;
	v49 =	vld.idx.msk [tilespmem:v38+s14+$0x0], $0xffff  }
0x106: {  	v51 =	vld.idx.msk [tilespmem:v42+s13+$0x0], $0xffff;
	v52 =	vmul.f32 v41, v39;
	v1 =	vadd.f32 v48, v1  }
0x107: {  	v2 =	vor.u32 $0x1F, v2;
	v53 =	vld.idx.msk [tilespmem:v42+s14+$0x0], $0xffff  }
0x108: {  	v54 =	vld.idx.msk [tilespmem:v46+s13+$0x0], $0xffff;
	v55 =	vmul.f32 v45, v43;
	v1 =	vadd.f32 v52, v1  }
0x109: {  	v56 =	vld.idx.msk [tilespmem:v46+s14+$0x0], $0xffff  }
0x10a: {  	v57 =	vld.idx.msk [tilespmem:v50+s13+$0x0], $0xffff;
	v58 =	vmul.f32 v49, v47;
	v1 =	vadd.f32 v55, v1  }
0x10b: {  	v59 =	vld.idx.msk [tilespmem:v50+s14+$0x0], $0xffff  }
0x10c: {  	v61 =	vmul.f32 v53, v51;
	v60 =	vld.idx.msk [tilespmem:v2+s13+$0x0], $0xffff;
	v1 =	vadd.f32 v58, v1  }
0x10d: {  	v2 =	vld.idx.msk [tilespmem:v2+s14+$0x0], $0xffff  }
0x10e: {  	v62 =	vmul.f32 v56, v54;
	v1 =	vadd.f32 v61, v1;
	_ =	sdelay $0x1  }
0x10f: {  	v63 =	vmul.f32 v59, v57;
	v1 =	vadd.f32 v62, v1;
	_ =	sdelay $0x1  }
0x110: {  	v2 =	vmul.f32 v2, v60;
	v1 =	vadd.f32 v63, v1;
	_ =	sdelay $0x1  }
0x111: {  	s0 =	sadd.s32 $0x1, s0;
	v1 =	vadd.f32 v2, v1  }
0x112: {  	p0 =	sne.s32 s0, s10  }
.Ltmp1:
0x113: {  	[tilespmem:v3+s31+$0x0] =	vst.idx.msk $0xffff, v1;
	(pc) =	sbr.rel @p0 .LBB2_1-.Ltmp1, $4  }
0x114: {  	[hbm4b:s9+s4] =	stream.linear.scatter [tilespmem:s31], [sflag:$0x2], $0x200, $0x38;
	[tilespmem:$0x8A00] =	vst v63  }
0x115: {  	_ =	swait.ge [sflag:s11], $0x200  }
0x116: {  	[sflag:s11] =	ssyncset.done $0x0  }
0x117: {  	[sflag:s11] =	ssyncadd.s32 $0xFFFFFE00  }
0x118: {  	_ =	sfence.sel $0x180000  }
0x119: {  	[bflag:$0x0] =	sbarrier.arrive $0xFFFF  }
0x11a: {  	_ =	strace $0x9000004A  }
0x11b: {  	s0 =	stileid.u32;
	[bflag:$0x2] =	sbarrier.arrive $0xFFFF  }
0x11c: {  	p0 =	sne.s32 s0, $0x0;
	s0 =	rddreg [dreg:$0x6]  }
0x11d: {  	s0 =	sadd.s32 @!p0 $0x100000, s0  }
0x11e: {  	[sflag:s0] =	ssyncadd.tile.s32 @!p0 $0x1;
	_ =	shalt  }
.Lfunc_end2:
_tile_overlayer_lowered:
.L_overlay_start_2:
0x11f: {  	(tag) =	ssettag $0x2  }
0x120: {  	s0 =	rddreg [dreg:$0x0];
	s2 =	stileid.u32  }
0x121: {  	s1 =	rddreg [dreg:$0x1];
	p0 =	sne.s32 s2, $0x0  }
0x122: {  	s3 =	rddreg [dreg:$0x2];
	[bflag:$0x3] =	sbarrier.arrive $0xFFFF;
	s2 =	simm.s32 @!p0 $0x1C02  }
0x123: {  	[timem:s3], [sflag:s2] =	dma.local @!p0 [hbm:s0], s1  }
0x124: {  	s0 =	simm.s32 @!p0 $0x2  }
0x125: {  	_ =	swait.ge @!p0 [sflag:s0], s1  }
0x126: {  	s1 =	ssub.s32 @!p0 $0x0, s1;
	[sflag:s0] =	ssyncset.done @!p0 $0x0  }
0x127: {  	[sflag:s0] =	ssyncadd.s32 @!p0 s1  }
0x128: {  	[bflag:$0x3] =	sbarrier.arrive $0xFFFF  }
0x129: {  	_ =	shalt  }

</sc_bundles>
